<compile_context>
chip_gen: v7x
topology: tpu7x:2x2x1
jax: 0.10.2.dev20260603
libtpu: 0.0.44.dev20260713+nightly
codegen_flags: <defaults>
</compile_context>

<pallas_src>
import functools

import jax
import jax.numpy as jnp
from jax import lax
from jax.experimental import pallas as pl
from jax.experimental.pallas import tpu as pltpu
from jax.experimental.pallas import tpu_sc as plsc

N = 10000
E = 320000
D = 128

NC = 2
NS = 16
NW = NC * NS
EPW = E // NW
C = 80
NCHUNK = EPW // C
SUPER = 5
SUBN = NCHUNK // SUPER
NBUF = 3
RPS = 624
RTAIL = N - NS * RPS


def _sc_segment_sum(x, src2d, dst2d, zcnt):
    mesh = plsc.VectorSubcoreMesh(
        core_axis_name="c", subcore_axis_name="s",
        num_cores=NC, num_subcores=NS,
    )

    @functools.partial(
        pl.kernel,
        out_type=(
            jax.ShapeDtypeStruct((NC, N, D), jnp.float32),
            jax.ShapeDtypeStruct((NC, 1, N), jnp.float32),
        ),
        mesh=mesh,
        scratch_types=[
            pltpu.VMEM((2, SUBN, C), jnp.int32),
            pltpu.VMEM((2, SUBN, C), jnp.int32),
            pltpu.VMEM((NBUF, C, D), jnp.float32),
            pltpu.VMEM((128,), jnp.float32),
            pltpu.VMEM_SHARED((N, D), jnp.float32),
            pltpu.VMEM_SHARED((N,), jnp.float32),
            pltpu.SemaphoreType.DMA,
            pltpu.SemaphoreType.DMA,
            pltpu.SemaphoreType.DMA,
            pltpu.SemaphoreType.DMA,
        ],
    )
    def k(x_hbm, src_hbm, dst_hbm, zcnt_hbm,
          agg_out, cnt_out, src_v2, dst_v2, rows_v, ones_v,
          agg_sh, cnt_sh, gsem, ssem, osem, isem):
        c = lax.axis_index("c")
        s = lax.axis_index("s")
        wid = c * NS + s

        pltpu.async_copy(src_hbm.at[wid].at[0], src_v2.at[0], isem)
        pltpu.async_copy(dst_hbm.at[wid].at[0], dst_v2.at[0], isem)

        @pl.when(s == 0)
        def _():
            pltpu.sync_copy(zcnt_hbm, cnt_sh)

        for t in range(8):
            ones_v[pl.ds(t * 16, 16)] = jnp.ones((16,), jnp.float32)
        ones_c = ones_v.at[pl.ds(0, C)]

        pltpu.make_async_copy(src_hbm.at[wid].at[0], src_v2.at[0],
                              isem).wait()
        pltpu.make_async_copy(dst_hbm.at[wid].at[0], dst_v2.at[0],
                              isem).wait()
        for p in range(NBUF - 1):
            pltpu.async_copy(x_hbm.at[src_v2.at[0].at[p]], rows_v.at[p],
                             gsem)
        if SUPER > 1:
            pltpu.async_copy(src_hbm.at[wid].at[1], src_v2.at[1], isem)
            pltpu.async_copy(dst_hbm.at[wid].at[1], dst_v2.at[1], isem)

        zb = rows_v.at[NBUF - 1]

        def zbody(r, carry):
            for t in range(8):
                zb[r, pl.ds(t * 16, 16)] = jnp.zeros((16,), jnp.float32)
            return carry

        lax.fori_loop(0, C, zbody, 0, unroll=False)
        for kk in range(7):
            pltpu.async_copy(zb, agg_sh.at[pl.ds(s * RPS + kk * C, C)],
                             ssem)
        pltpu.async_copy(zb.at[pl.ds(0, RPS - 7 * C)],
                         agg_sh.at[pl.ds(s * RPS + 7 * C, RPS - 7 * C)],
                         ssem)

        @pl.when(s == NS - 1)
        def _():
            pltpu.async_copy(zb.at[pl.ds(0, RTAIL)],
                             agg_sh.at[pl.ds(NS * RPS, RTAIL)], ssem)

        for kk in range(7):
            pltpu.make_async_copy(zb, agg_sh.at[pl.ds(0, C)], ssem).wait()
        pltpu.make_async_copy(zb.at[pl.ds(0, RPS - 7 * C)],
                              agg_sh.at[pl.ds(0, RPS - 7 * C)],
                              ssem).wait()

        @pl.when(s == NS - 1)
        def _():
            pltpu.make_async_copy(zb.at[pl.ds(0, RTAIL)],
                                  agg_sh.at[pl.ds(0, RTAIL)], ssem).wait()

        plsc.subcore_barrier()

        for g in range(SUPER):
            gb = g % 2
            src_v = src_v2.at[gb]
            dst_v = dst_v2.at[gb]

            def body(j, carry):
                buf = lax.rem(j, NBUF)
                pltpu.make_async_copy(x_hbm.at[src_v.at[j]],
                                      rows_v.at[buf], gsem).wait()

                pltpu.async_copy(rows_v.at[buf], agg_sh.at[dst_v.at[j]],
                                 ssem, add=True)
                pltpu.async_copy(ones_c, cnt_sh.at[dst_v.at[j]],
                                 osem, add=True)

                nbuf = lax.rem(j + NBUF - 1, NBUF)

                @pl.when(j > 0)
                def _():
                    pltpu.make_async_copy(rows_v.at[nbuf],
                                          agg_sh.at[dst_v.at[j - 1]],
                                          ssem).wait()

                @pl.when(j < SUBN - (NBUF - 1))
                def _():
                    pltpu.async_copy(x_hbm.at[src_v.at[j + NBUF - 1]],
                                     rows_v.at[nbuf], gsem)

                return carry

            lax.fori_loop(0, SUBN, body, 0, unroll=False)

            pltpu.make_async_copy(rows_v.at[(SUBN - 1) % NBUF],
                                  agg_sh.at[dst_v.at[0]], ssem).wait()

            if g + 1 < SUPER:
                nsrc = src_v2.at[1 - gb]
                pltpu.make_async_copy(src_hbm.at[wid].at[g + 1], nsrc,
                                      isem).wait()
                pltpu.make_async_copy(dst_hbm.at[wid].at[g + 1],
                                      dst_v2.at[1 - gb], isem).wait()
                for p in range(NBUF - 1):
                    pltpu.async_copy(x_hbm.at[nsrc.at[p]], rows_v.at[p],
                                     gsem)

            def drain(j, carry):
                pltpu.make_async_copy(ones_c, cnt_sh.at[dst_v.at[0]],
                                      osem).wait()
                return carry

            lax.fori_loop(0, SUBN, drain, 0, unroll=False)

            if g + 2 < SUPER:
                pltpu.async_copy(src_hbm.at[wid].at[g + 2], src_v2.at[gb],
                                 isem)
                pltpu.async_copy(dst_hbm.at[wid].at[g + 2], dst_v2.at[gb],
                                 isem)

        plsc.subcore_barrier()

        pltpu.sync_copy(agg_sh.at[pl.ds(s * RPS, RPS)],
                        agg_out.at[c].at[pl.ds(s * RPS, RPS)])

        @pl.when(s == NS - 1)
        def _():
            pltpu.sync_copy(agg_sh.at[pl.ds(NS * RPS, RTAIL)],
                            agg_out.at[c].at[pl.ds(NS * RPS, RTAIL)])

        @pl.when(s == 0)
        def _():
            pltpu.sync_copy(cnt_sh, cnt_out.at[c].at[0])

    return k(x, src2d, dst2d, zcnt)


NB = 2000
GRID = N // NB


def _tc_body(p_ref, cnt_ref, xr_ref, wl_ref, wr_ref, w2_ref, bl_ref, b2_ref,
             o_ref, acc_ref):
    i = pl.program_id(0)
    ssum = p_ref[0] + p_ref[1]
    cnt = cnt_ref[0, 0, 0] + cnt_ref[1, 0, 0]
    cnt = jnp.maximum(cnt, 1.0)
    agg = ssum / cnt[:, None]
    dn = (((1,), (1,)), ((), ()))
    h = (lax.dot_general(agg, wl_ref[...], dn,
                         preferred_element_type=jnp.float32)
         + lax.dot_general(xr_ref[...], wr_ref[...], dn,
                           preferred_element_type=jnp.float32)
         + bl_ref[...])
    h = jnp.maximum(h, 0.0)
    hs = jnp.sum(h, axis=0, keepdims=True)

    @pl.when(i == 0)
    def _():
        acc_ref[...] = hs

    @pl.when(i > 0)
    def _():
        acc_ref[...] = acc_ref[...] + hs

    @pl.when(i == GRID - 1)
    def _():
        hmean = acc_ref[...] * (1.0 / N)
        o_ref[...] = (lax.dot_general(hmean, w2_ref[...], dn,
                                      preferred_element_type=jnp.float32)
                      + b2_ref[...])


def kernel(x, edge_index, W_l, b_l, W_r, W2, b2):
    src2d = edge_index[0].reshape(NW, SUPER, SUBN, C)
    dst2d = edge_index[1].reshape(NW, SUPER, SUBN, C)
    zcnt = jnp.zeros((N,), jnp.float32)

    agg_p, cnt_p = _sc_segment_sum(x, src2d, dst2d, zcnt)

    y = pl.pallas_call(
        _tc_body,
        grid=(GRID,),
        in_specs=[
            pl.BlockSpec((NC, NB, D), lambda i: (0, i, 0)),
            pl.BlockSpec((NC, 1, 1, NB), lambda i: (0, i, 0, 0)),
            pl.BlockSpec((NB, D), lambda i: (i, 0)),
            pl.BlockSpec((D, D), lambda i: (0, 0)),
            pl.BlockSpec((D, D), lambda i: (0, 0)),
            pl.BlockSpec((D, D), lambda i: (0, 0)),
            pl.BlockSpec((1, D), lambda i: (0, 0)),
            pl.BlockSpec((1, D), lambda i: (0, 0)),
        ],
        out_specs=pl.BlockSpec((1, D), lambda i: (0, 0)),
        out_shape=jax.ShapeDtypeStruct((1, D), jnp.float32),
        scratch_shapes=[pltpu.VMEM((1, D), jnp.float32)],
    )(agg_p, cnt_p.reshape(NC, GRID, 1, NB), x, W_l, W_r, W2,
      b_l.reshape(1, D), b2.reshape(1, D))

    return y[0]

# --- scband reference (transcript-rebuilt; emitter-appended) ---
"""Pipeline reference for scband-my-graph-encoder-10514079941371 (READ-ONLY COPY).

The authoritative reference and input builder live on the scoring server;
editing this copy changes nothing except your own understanding.
"""

import jax, jax.numpy as jnp
import numpy as np

N = 10000
E = 320000
D_IN = 128
D_H = 128
D_OUT = 128


def setup_inputs(seed: int = 0) -> dict:
    key = jax.random.key(seed)
    ks = jax.random.split(key, 8)
    x = jax.random.normal(ks[0], (N, D_IN), dtype=jnp.float32)
    edge_index = jax.random.randint(ks[1], (2, E), 0, N, dtype=jnp.int32)
    s_in = 1.0 / np.sqrt(D_IN)
    s_h = 1.0 / np.sqrt(D_H)
    W_l = jax.random.uniform(ks[2], (D_H, D_IN), jnp.float32, -s_in, s_in)
    b_l = jax.random.uniform(ks[3], (D_H,), jnp.float32, -s_in, s_in)
    W_r = jax.random.uniform(ks[4], (D_H, D_IN), jnp.float32, -s_in, s_in)
    W2 = jax.random.uniform(ks[5], (D_OUT, D_H), jnp.float32, -s_h, s_h)
    b2 = jax.random.uniform(ks[6], (D_OUT,), jnp.float32, -s_h, s_h)
    return {"x": x, "edge_index": edge_index, "W_l": W_l, "b_l": b_l, "W_r": W_r, "W2": W2, "b2": b2}


def reference(x, edge_index, W_l, b_l, W_r, W2, b2):
    # SAGEConv (mean aggregation): out = lin_l(mean_{j in N(i)} x_j) + lin_r(x_i)
    src = edge_index[0]
    dst = edge_index[1]
    msgs = jnp.take(x, src, axis=0)
    agg = jax.ops.segment_sum(msgs, dst, num_segments=N)
    cnt = jax.ops.segment_sum(jnp.ones((E,), dtype=jnp.float32), dst, num_segments=N)
    agg = agg / jnp.maximum(cnt, 1.0)[:, None]
    h = agg @ W_l.T + b_l + x @ W_r.T
    h = jax.nn.relu(h)
    y = h @ W2.T + b2
    return y.mean(axis=0)

if __name__ == "__main__":
    import jax
    _d = setup_inputs()
    print(jax.jit(kernel)(*tuple(_d.values())))

</pallas_src>

<mosaic_0001>
#map = affine_map<(d0, d1) -> (0, 0)>
#map1 = affine_map<(d0, d1) -> (0, 0, 0, 0)>
#map2 = affine_map<(d0, d1) -> (0)>
#map3 = affine_map<(d0, d1) -> (0, 0, 0)>
module attributes {stable_mosaic.version = 14 : i64} {
  func.func @k(%arg0: i32, %arg1: i32, %arg2: memref<10000x128xf32, #tpu.memory_space<hbm>>, %arg3: memref<32x5x25x80xi32, #tpu.memory_space<hbm>>, %arg4: memref<32x5x25x80xi32, #tpu.memory_space<hbm>>, %arg5: memref<10000xf32, #tpu.memory_space<hbm>>, %arg6: memref<2x10000x128xf32, #tpu.memory_space<hbm>>, %arg7: memref<2x1x10000xf32, #tpu.memory_space<hbm>>, %arg8: memref<2x25x80xi32, #tpu.memory_space<vmem>>, %arg9: memref<2x25x80xi32, #tpu.memory_space<vmem>>, %arg10: memref<3x80x128xf32, #tpu.memory_space<vmem>>, %arg11: memref<128xf32, #tpu.memory_space<vmem>>, %arg12: memref<10000x128xf32, #tpu.memory_space<vmem_shared>>, %arg13: memref<10000xf32, #tpu.memory_space<vmem_shared>>, %arg14: memref<!tpu.dma_semaphore, #tpu.memory_space<semaphore_mem>>, %arg15: memref<!tpu.dma_semaphore, #tpu.memory_space<semaphore_mem>>, %arg16: memref<!tpu.dma_semaphore, #tpu.memory_space<semaphore_mem>>, %arg17: memref<!tpu.dma_semaphore, #tpu.memory_space<semaphore_mem>>) attributes {dimension_semantics = [#tpu.dimension_semantics<core_parallel>, #tpu.dimension_semantics<subcore_parallel>], iteration_bounds = array<i64: 2, 16>, scalar_prefetch = 0 : i64, scratch_operands = 10 : i64, tpu.core_type = #tpu.core_type<sc_vector_subcore>, window_params = [{transform_indices = #map}, {transform_indices = #map1}, {transform_indices = #map1}, {transform_indices = #map2}, {transform_indices = #map3}, {transform_indices = #map3}]} {
    %mul3A = arith.constant 16 : i32
    %mul3A_0 = arith.muli %arg0, %mul3A : i32
    %add3A = arith.addi %mul3A_0, %arg1 : i32
    %dma_start3A = arith.constant 0 : i32
    %dma_start3A_1 = arith.constant 0 : i32
    %dma_start3A_2 = arith.constant 0 : i32
    %dma_start3A_3 = arith.constant 0 : i32
    %dma_start3A_4 = tpu.memref_slice %arg8[%dma_start3A_1, %dma_start3A_2, %dma_start3A_3] : memref<2x25x80xi32, #tpu.memory_space<vmem>> -> memref<1x25x80xi32, #tpu.memory_space<vmem>>
    %dma_start3A_5 = tpu.memref_squeeze %dma_start3A_4 : memref<1x25x80xi32, #tpu.memory_space<vmem>> -> memref<25x80xi32, #tpu.memory_space<vmem>>
    %dma_start3A_6 = arith.constant 0 : i32
    %dma_start3A_7 = arith.constant 0 : i32
    %dma_start3A_8 = arith.constant 0 : i32
    %dma_start3A_9 = tpu.memref_slice %arg3[%add3A, %dma_start3A_6, %dma_start3A_7, %dma_start3A_8] : memref<32x5x25x80xi32, #tpu.memory_space<hbm>> -> memref<1x5x25x80xi32, #tpu.memory_space<hbm>>
    %dma_start3A_10 = tpu.memref_squeeze %dma_start3A_9 : memref<1x5x25x80xi32, #tpu.memory_space<hbm>> -> memref<5x25x80xi32, #tpu.memory_space<hbm>>
    %dma_start3A_11 = arith.constant 0 : i32
    %dma_start3A_12 = arith.constant 0 : i32
    %dma_start3A_13 = tpu.memref_slice %dma_start3A_10[%dma_start3A, %dma_start3A_11, %dma_start3A_12] : memref<5x25x80xi32, #tpu.memory_space<hbm>> -> memref<1x25x80xi32, #tpu.memory_space<hbm>>
    %dma_start3A_14 = tpu.memref_squeeze %dma_start3A_13 : memref<1x25x80xi32, #tpu.memory_space<hbm>> -> memref<25x80xi32, #tpu.memory_space<hbm>>
    %dma_start3A_15 = arith.constant 0 : i32
    %dma_start3A_16 = arith.constant 0 : i32
    %dma_start3A_17 = tpu.memref_slice %arg8[%dma_start3A_1, %dma_start3A_15, %dma_start3A_16] : memref<2x25x80xi32, #tpu.memory_space<vmem>> -> memref<1x25x80xi32, #tpu.memory_space<vmem>>
    %dma_start3A_18 = tpu.memref_squeeze %dma_start3A_17 : memref<1x25x80xi32, #tpu.memory_space<vmem>> -> memref<25x80xi32, #tpu.memory_space<vmem>>
    %dma_start3A_19 = arith.constant 0 : i32
    %dma_start3A_20 = arith.constant 0 : i32
    %dma_start3A_21 = arith.constant 0 : i32
    %dma_start3A_22 = tpu.memref_slice %arg3[%add3A, %dma_start3A_19, %dma_start3A_20, %dma_start3A_21] : memref<32x5x25x80xi32, #tpu.memory_space<hbm>> -> memref<1x5x25x80xi32, #tpu.memory_space<hbm>>
    %dma_start3A_23 = tpu.memref_squeeze %dma_start3A_22 : memref<1x5x25x80xi32, #tpu.memory_space<hbm>> -> memref<5x25x80xi32, #tpu.memory_space<hbm>>
    %dma_start3A_24 = arith.constant 0 : i32
    %dma_start3A_25 = arith.constant 0 : i32
    %dma_start3A_26 = tpu.memref_slice %dma_start3A_23[%dma_start3A, %dma_start3A_24, %dma_start3A_25] : memref<5x25x80xi32, #tpu.memory_space<hbm>> -> memref<1x25x80xi32, #tpu.memory_space<hbm>>
    %dma_start3A_27 = tpu.memref_squeeze %dma_start3A_26 : memref<1x25x80xi32, #tpu.memory_space<hbm>> -> memref<25x80xi32, #tpu.memory_space<hbm>>
    tpu.enqueue_dma source(%dma_start3A_27 : memref<25x80xi32, #tpu.memory_space<hbm>>) target(%dma_start3A_18 : memref<25x80xi32, #tpu.memory_space<vmem>>) target_semaphore(%arg17 : memref<!tpu.dma_semaphore, #tpu.memory_space<semaphore_mem>>)
    %dma_start3A_28 = arith.constant 0 : i32
    %dma_start3A_29 = arith.constant 0 : i32
    %dma_start3A_30 = arith.constant 0 : i32
    %dma_start3A_31 = arith.constant 0 : i32
    %dma_start3A_32 = tpu.memref_slice %arg9[%dma_start3A_29, %dma_start3A_30, %dma_start3A_31] : memref<2x25x80xi32, #tpu.memory_space<vmem>> -> memref<1x25x80xi32, #tpu.memory_space<vmem>>
    %dma_start3A_33 = tpu.memref_squeeze %dma_start3A_32 : memref<1x25x80xi32, #tpu.memory_space<vmem>> -> memref<25x80xi32, #tpu.memory_space<vmem>>
    %dma_start3A_34 = arith.constant 0 : i32
    %dma_start3A_35 = arith.constant 0 : i32
    %dma_start3A_36 = arith.constant 0 : i32
    %dma_start3A_37 = tpu.memref_slice %arg4[%add3A, %dma_start3A_34, %dma_start3A_35, %dma_start3A_36] : memref<32x5x25x80xi32, #tpu.memory_space<hbm>> -> memref<1x5x25x80xi32, #tpu.memory_space<hbm>>
    %dma_start3A_38 = tpu.memref_squeeze %dma_start3A_37 : memref<1x5x25x80xi32, #tpu.memory_space<hbm>> -> memref<5x25x80xi32, #tpu.memory_space<hbm>>
    %dma_start3A_39 = arith.constant 0 : i32
    %dma_start3A_40 = arith.constant 0 : i32
    %dma_start3A_41 = tpu.memref_slice %dma_start3A_38[%dma_start3A_28, %dma_start3A_39, %dma_start3A_40] : memref<5x25x80xi32, #tpu.memory_space<hbm>> -> memref<1x25x80xi32, #tpu.memory_space<hbm>>
    %dma_start3A_42 = tpu.memref_squeeze %dma_start3A_41 : memref<1x25x80xi32, #tpu.memory_space<hbm>> -> memref<25x80xi32, #tpu.memory_space<hbm>>
    %dma_start3A_43 = arith.constant 0 : i32
    %dma_start3A_44 = arith.constant 0 : i32
    %dma_start3A_45 = tpu.memref_slice %arg9[%dma_start3A_29, %dma_start3A_43, %dma_start3A_44] : memref<2x25x80xi32, #tpu.memory_space<vmem>> -> memref<1x25x80xi32, #tpu.memory_space<vmem>>
    %dma_start3A_46 = tpu.memref_squeeze %dma_start3A_45 : memref<1x25x80xi32, #tpu.memory_space<vmem>> -> memref<25x80xi32, #tpu.memory_space<vmem>>
    %dma_start3A_47 = arith.constant 0 : i32
    %dma_start3A_48 = arith.constant 0 : i32
    %dma_start3A_49 = arith.constant 0 : i32
    %dma_start3A_50 = tpu.memref_slice %arg4[%add3A, %dma_start3A_47, %dma_start3A_48, %dma_start3A_49] : memref<32x5x25x80xi32, #tpu.memory_space<hbm>> -> memref<1x5x25x80xi32, #tpu.memory_space<hbm>>
    %dma_start3A_51 = tpu.memref_squeeze %dma_start3A_50 : memref<1x5x25x80xi32, #tpu.memory_space<hbm>> -> memref<5x25x80xi32, #tpu.memory_space<hbm>>
    %dma_start3A_52 = arith.constant 0 : i32
    %dma_start3A_53 = arith.constant 0 : i32
    %dma_start3A_54 = tpu.memref_slice %dma_start3A_51[%dma_start3A_28, %dma_start3A_52, %dma_start3A_53] : memref<5x25x80xi32, #tpu.memory_space<hbm>> -> memref<1x25x80xi32, #tpu.memory_space<hbm>>
    %dma_start3A_55 = tpu.memref_squeeze %dma_start3A_54 : memref<1x25x80xi32, #tpu.memory_space<hbm>> -> memref<25x80xi32, #tpu.memory_space<hbm>>
    tpu.enqueue_dma source(%dma_start3A_55 : memref<25x80xi32, #tpu.memory_space<hbm>>) target(%dma_start3A_46 : memref<25x80xi32, #tpu.memory_space<vmem>>) target_semaphore(%arg17 : memref<!tpu.dma_semaphore, #tpu.memory_space<semaphore_mem>>)
    %eq3A = arith.constant 0 : i32
    %eq3A_56 = arith.cmpi eq, %arg1, %eq3A : i32
    %convert_element_type3A = arith.extui %eq3A_56 : i1 to i32
    %cond3A = arith.constant 0 : i32
    %cond3A_57 = arith.cmpi ne, %convert_element_type3A, %cond3A : i32
    scf.if %cond3A_57 {
      "tpu.region"() ({
        %run_scoped3A = tpu.sem_alloc : memref<!tpu.dma_semaphore, #tpu.memory_space<semaphore_mem>>
        tpu.enqueue_dma source(%arg5 : memref<10000xf32, #tpu.memory_space<hbm>>) target(%arg13 : memref<10000xf32, #tpu.memory_space<vmem_shared>>) target_semaphore(%run_scoped3A : memref<!tpu.dma_semaphore, #tpu.memory_space<semaphore_mem>>)
        tpu.wait_dma2 semaphore(%run_scoped3A : memref<!tpu.dma_semaphore, #tpu.memory_space<semaphore_mem>>) src(%arg5 : memref<10000xf32, #tpu.memory_space<hbm>>) dst(%arg13 : memref<10000xf32, #tpu.memory_space<vmem_shared>>)
        tpu.yield
      }) : () -> ()
    } else {
    }
    %broadcast_in_dim3A = arith.constant 1.000000e+00 : f32
    %broadcast_in_dim3A_58 = vector.broadcast %broadcast_in_dim3A : f32 to vector<16xf32>
    %swap3A = arith.constant 0 : index
    %swap3A_59 = tpu.vector_load %arg11[%swap3A] {strides = array<i32>} : memref<128xf32, #tpu.memory_space<vmem>>, vector<16xf32>,
    %swap3A_60 = vector.shape_cast %swap3A_59 : vector<16xf32> to vector<16xf32>
    %swap3A_61 = vector.shape_cast %broadcast_in_dim3A_58 : vector<16xf32> to vector<16xf32>
    tpu.vector_store %arg11[%swap3A], %swap3A_61 {strides = array<i32>} : memref<128xf32, #tpu.memory_space<vmem>>, vector<16xf32>,
    %broadcast_in_dim3A_62 = arith.constant 1.000000e+00 : f32
    %broadcast_in_dim3A_63 = vector.broadcast %broadcast_in_dim3A_62 : f32 to vector<16xf32>
    %swap3A_64 = arith.constant 16 : index
    %swap3A_65 = tpu.vector_load %arg11[%swap3A_64] {strides = array<i32>} : memref<128xf32, #tpu.memory_space<vmem>>, vector<16xf32>,
    %swap3A_66 = vector.shape_cast %swap3A_65 : vector<16xf32> to vector<16xf32>
    %swap3A_67 = vector.shape_cast %broadcast_in_dim3A_63 : vector<16xf32> to vector<16xf32>
    tpu.vector_store %arg11[%swap3A_64], %swap3A_67 {strides = array<i32>} : memref<128xf32, #tpu.memory_space<vmem>>, vector<16xf32>,
    %broadcast_in_dim3A_68 = arith.constant 1.000000e+00 : f32
    %broadcast_in_dim3A_69 = vector.broadcast %broadcast_in_dim3A_68 : f32 to vector<16xf32>
    %swap3A_70 = arith.constant 32 : index
    %swap3A_71 = tpu.vector_load %arg11[%swap3A_70] {strides = array<i32>} : memref<128xf32, #tpu.memory_space<vmem>>, vector<16xf32>,
    %swap3A_72 = vector.shape_cast %swap3A_71 : vector<16xf32> to vector<16xf32>
    %swap3A_73 = vector.shape_cast %broadcast_in_dim3A_69 : vector<16xf32> to vector<16xf32>
    tpu.vector_store %arg11[%swap3A_70], %swap3A_73 {strides = array<i32>} : memref<128xf32, #tpu.memory_space<vmem>>, vector<16xf32>,
    %broadcast_in_dim3A_74 = arith.constant 1.000000e+00 : f32
    %broadcast_in_dim3A_75 = vector.broadcast %broadcast_in_dim3A_74 : f32 to vector<16xf32>
    %swap3A_76 = arith.constant 48 : index
    %swap3A_77 = tpu.vector_load %arg11[%swap3A_76] {strides = array<i32>} : memref<128xf32, #tpu.memory_space<vmem>>, vector<16xf32>,
    %swap3A_78 = vector.shape_cast %swap3A_77 : vector<16xf32> to vector<16xf32>
    %swap3A_79 = vector.shape_cast %broadcast_in_dim3A_75 : vector<16xf32> to vector<16xf32>
    tpu.vector_store %arg11[%swap3A_76], %swap3A_79 {strides = array<i32>} : memref<128xf32, #tpu.memory_space<vmem>>, vector<16xf32>,
    %broadcast_in_dim3A_80 = arith.constant 1.000000e+00 : f32
    %broadcast_in_dim3A_81 = vector.broadcast %broadcast_in_dim3A_80 : f32 to vector<16xf32>
    %swap3A_82 = arith.constant 64 : index
    %swap3A_83 = tpu.vector_load %arg11[%swap3A_82] {strides = array<i32>} : memref<128xf32, #tpu.memory_space<vmem>>, vector<16xf32>,
    %swap3A_84 = vector.shape_cast %swap3A_83 : vector<16xf32> to vector<16xf32>
    %swap3A_85 = vector.shape_cast %broadcast_in_dim3A_81 : vector<16xf32> to vector<16xf32>
    tpu.vector_store %arg11[%swap3A_82], %swap3A_85 {strides = array<i32>} : memref<128xf32, #tpu.memory_space<vmem>>, vector<16xf32>,
    %broadcast_in_dim3A_86 = arith.constant 1.000000e+00 : f32
    %broadcast_in_dim3A_87 = vector.broadcast %broadcast_in_dim3A_86 : f32 to vector<16xf32>
    %swap3A_88 = arith.constant 80 : index
    %swap3A_89 = tpu.vector_load %arg11[%swap3A_88] {strides = array<i32>} : memref<128xf32, #tpu.memory_space<vmem>>, vector<16xf32>,
    %swap3A_90 = vector.shape_cast %swap3A_89 : vector<16xf32> to vector<16xf32>
    %swap3A_91 = vector.shape_cast %broadcast_in_dim3A_87 : vector<16xf32> to vector<16xf32>
    tpu.vector_store %arg11[%swap3A_88], %swap3A_91 {strides = array<i32>} : memref<128xf32, #tpu.memory_space<vmem>>, vector<16xf32>,
    %broadcast_in_dim3A_92 = arith.constant 1.000000e+00 : f32
    %broadcast_in_dim3A_93 = vector.broadcast %broadcast_in_dim3A_92 : f32 to vector<16xf32>
    %swap3A_94 = arith.constant 96 : index
    %swap3A_95 = tpu.vector_load %arg11[%swap3A_94] {strides = array<i32>} : memref<128xf32, #tpu.memory_space<vmem>>, vector<16xf32>,
    %swap3A_96 = vector.shape_cast %swap3A_95 : vector<16xf32> to vector<16xf32>
    %swap3A_97 = vector.shape_cast %broadcast_in_dim3A_93 : vector<16xf32> to vector<16xf32>
    tpu.vector_store %arg11[%swap3A_94], %swap3A_97 {strides = array<i32>} : memref<128xf32, #tpu.memory_space<vmem>>, vector<16xf32>,
    %broadcast_in_dim3A_98 = arith.constant 1.000000e+00 : f32
    %broadcast_in_dim3A_99 = vector.broadcast %broadcast_in_dim3A_98 : f32 to vector<16xf32>
    %swap3A_100 = arith.constant 112 : index
    %swap3A_101 = tpu.vector_load %arg11[%swap3A_100] {strides = array<i32>} : memref<128xf32, #tpu.memory_space<vmem>>, vector<16xf32>,
    %swap3A_102 = vector.shape_cast %swap3A_101 : vector<16xf32> to vector<16xf32>
    %swap3A_103 = vector.shape_cast %broadcast_in_dim3A_99 : vector<16xf32> to vector<16xf32>
    tpu.vector_store %arg11[%swap3A_100], %swap3A_103 {strides = array<i32>} : memref<128xf32, #tpu.memory_space<vmem>>, vector<16xf32>,
    %dma_wait3A = arith.constant 0 : i32
    %dma_wait3A_104 = arith.constant 0 : i32
    %dma_wait3A_105 = arith.constant 0 : i32
    %dma_wait3A_106 = arith.constant 0 : i32
    %dma_wait3A_107 = tpu.memref_slice %arg8[%dma_wait3A_104, %dma_wait3A_105, %dma_wait3A_106] : memref<2x25x80xi32, #tpu.memory_space<vmem>> -> memref<1x25x80xi32, #tpu.memory_space<vmem>>
    %dma_wait3A_108 = tpu.memref_squeeze %dma_wait3A_107 : memref<1x25x80xi32, #tpu.memory_space<vmem>> -> memref<25x80xi32, #tpu.memory_space<vmem>>
    %dma_wait3A_109 = arith.constant 0 : i32
    %dma_wait3A_110 = arith.constant 0 : i32
    %dma_wait3A_111 = arith.constant 0 : i32
    %dma_wait3A_112 = tpu.memref_slice %arg3[%add3A, %dma_wait3A_109, %dma_wait3A_110, %dma_wait3A_111] : memref<32x5x25x80xi32, #tpu.memory_space<hbm>> -> memref<1x5x25x80xi32, #tpu.memory_space<hbm>>
    %dma_wait3A_113 = tpu.memref_squeeze %dma_wait3A_112 : memref<1x5x25x80xi32, #tpu.memory_space<hbm>> -> memref<5x25x80xi32, #tpu.memory_space<hbm>>
    %dma_wait3A_114 = arith.constant 0 : i32
    %dma_wait3A_115 = arith.constant 0 : i32
    %dma_wait3A_116 = tpu.memref_slice %dma_wait3A_113[%dma_wait3A, %dma_wait3A_114, %dma_wait3A_115] : memref<5x25x80xi32, #tpu.memory_space<hbm>> -> memref<1x25x80xi32, #tpu.memory_space<hbm>>
    %dma_wait3A_117 = tpu.memref_squeeze %dma_wait3A_116 : memref<1x25x80xi32, #tpu.memory_space<hbm>> -> memref<25x80xi32, #tpu.memory_space<hbm>>
    %dma_wait3A_118 = arith.constant 0 : i32
    %dma_wait3A_119 = arith.constant 0 : i32
    %dma_wait3A_120 = tpu.memref_slice %arg8[%dma_wait3A_104, %dma_wait3A_118, %dma_wait3A_119] : memref<2x25x80xi32, #tpu.memory_space<vmem>> -> memref<1x25x80xi32, #tpu.memory_space<vmem>>
    %dma_wait3A_121 = tpu.memref_squeeze %dma_wait3A_120 : memref<1x25x80xi32, #tpu.memory_space<vmem>> -> memref<25x80xi32, #tpu.memory_space<vmem>>
    %dma_wait3A_122 = arith.constant 0 : i32
    %dma_wait3A_123 = arith.constant 0 : i32
    %dma_wait3A_124 = arith.constant 0 : i32
    %dma_wait3A_125 = tpu.memref_slice %arg3[%add3A, %dma_wait3A_122, %dma_wait3A_123, %dma_wait3A_124] : memref<32x5x25x80xi32, #tpu.memory_space<hbm>> -> memref<1x5x25x80xi32, #tpu.memory_space<hbm>>
    %dma_wait3A_126 = tpu.memref_squeeze %dma_wait3A_125 : memref<1x5x25x80xi32, #tpu.memory_space<hbm>> -> memref<5x25x80xi32, #tpu.memory_space<hbm>>
    %dma_wait3A_127 = arith.constant 0 : i32
    %dma_wait3A_128 = arith.constant 0 : i32
    %dma_wait3A_129 = tpu.memref_slice %dma_wait3A_126[%dma_wait3A, %dma_wait3A_127, %dma_wait3A_128] : memref<5x25x80xi32, #tpu.memory_space<hbm>> -> memref<1x25x80xi32, #tpu.memory_space<hbm>>
    %dma_wait3A_130 = tpu.memref_squeeze %dma_wait3A_129 : memref<1x25x80xi32, #tpu.memory_space<hbm>> -> memref<25x80xi32, #tpu.memory_space<hbm>>
    tpu.wait_dma2 semaphore(%arg17 : memref<!tpu.dma_semaphore, #tpu.memory_space<semaphore_mem>>) src(%dma_wait3A_130 : memref<25x80xi32, #tpu.memory_space<hbm>>) dst(%dma_wait3A_121 : memref<25x80xi32, #tpu.memory_space<vmem>>)
    %dma_wait3A_131 = arith.constant 0 : i32
    %dma_wait3A_132 = arith.constant 0 : i32
    %dma_wait3A_133 = arith.constant 0 : i32
    %dma_wait3A_134 = arith.constant 0 : i32
    %dma_wait3A_135 = tpu.memref_slice %arg9[%dma_wait3A_132, %dma_wait3A_133, %dma_wait3A_134] : memref<2x25x80xi32, #tpu.memory_space<vmem>> -> memref<1x25x80xi32, #tpu.memory_space<vmem>>
    %dma_wait3A_136 = tpu.memref_squeeze %dma_wait3A_135 : memref<1x25x80xi32, #tpu.memory_space<vmem>> -> memref<25x80xi32, #tpu.memory_space<vmem>>
    %dma_wait3A_137 = arith.constant 0 : i32
    %dma_wait3A_138 = arith.constant 0 : i32
    %dma_wait3A_139 = arith.constant 0 : i32
    %dma_wait3A_140 = tpu.memref_slice %arg4[%add3A, %dma_wait3A_137, %dma_wait3A_138, %dma_wait3A_139] : memref<32x5x25x80xi32, #tpu.memory_space<hbm>> -> memref<1x5x25x80xi32, #tpu.memory_space<hbm>>
    %dma_wait3A_141 = tpu.memref_squeeze %dma_wait3A_140 : memref<1x5x25x80xi32, #tpu.memory_space<hbm>> -> memref<5x25x80xi32, #tpu.memory_space<hbm>>
    %dma_wait3A_142 = arith.constant 0 : i32
    %dma_wait3A_143 = arith.constant 0 : i32
    %dma_wait3A_144 = tpu.memref_slice %dma_wait3A_141[%dma_wait3A_131, %dma_wait3A_142, %dma_wait3A_143] : memref<5x25x80xi32, #tpu.memory_space<hbm>> -> memref<1x25x80xi32, #tpu.memory_space<hbm>>
    %dma_wait3A_145 = tpu.memref_squeeze %dma_wait3A_144 : memref<1x25x80xi32, #tpu.memory_space<hbm>> -> memref<25x80xi32, #tpu.memory_space<hbm>>
    %dma_wait3A_146 = arith.constant 0 : i32
    %dma_wait3A_147 = arith.constant 0 : i32
    %dma_wait3A_148 = tpu.memref_slice %arg9[%dma_wait3A_132, %dma_wait3A_146, %dma_wait3A_147] : memref<2x25x80xi32, #tpu.memory_space<vmem>> -> memref<1x25x80xi32, #tpu.memory_space<vmem>>
    %dma_wait3A_149 = tpu.memref_squeeze %dma_wait3A_148 : memref<1x25x80xi32, #tpu.memory_space<vmem>> -> memref<25x80xi32, #tpu.memory_space<vmem>>
    %dma_wait3A_150 = arith.constant 0 : i32
    %dma_wait3A_151 = arith.constant 0 : i32
    %dma_wait3A_152 = arith.constant 0 : i32
    %dma_wait3A_153 = tpu.memref_slice %arg4[%add3A, %dma_wait3A_150, %dma_wait3A_151, %dma_wait3A_152] : memref<32x5x25x80xi32, #tpu.memory_space<hbm>> -> memref<1x5x25x80xi32, #tpu.memory_space<hbm>>
    %dma_wait3A_154 = tpu.memref_squeeze %dma_wait3A_153 : memref<1x5x25x80xi32, #tpu.memory_space<hbm>> -> memref<5x25x80xi32, #tpu.memory_space<hbm>>
    %dma_wait3A_155 = arith.constant 0 : i32
    %dma_wait3A_156 = arith.constant 0 : i32
    %dma_wait3A_157 = tpu.memref_slice %dma_wait3A_154[%dma_wait3A_131, %dma_wait3A_155, %dma_wait3A_156] : memref<5x25x80xi32, #tpu.memory_space<hbm>> -> memref<1x25x80xi32, #tpu.memory_space<hbm>>
    %dma_wait3A_158 = tpu.memref_squeeze %dma_wait3A_157 : memref<1x25x80xi32, #tpu.memory_space<hbm>> -> memref<25x80xi32, #tpu.memory_space<hbm>>
    tpu.wait_dma2 semaphore(%arg17 : memref<!tpu.dma_semaphore, #tpu.memory_space<semaphore_mem>>) src(%dma_wait3A_158 : memref<25x80xi32, #tpu.memory_space<hbm>>) dst(%dma_wait3A_149 : memref<25x80xi32, #tpu.memory_space<vmem>>)
    %dma_start3A_159 = arith.constant 0 : i32
    %dma_start3A_160 = arith.constant 0 : i32
    %dma_start3A_161 = arith.constant 0 : i32
    %dma_start3A_162 = arith.constant 0 : i32
    %dma_start3A_163 = arith.constant 0 : i32
    %dma_start3A_164 = tpu.memref_slice %arg10[%dma_start3A_161, %dma_start3A_162, %dma_start3A_163] : memref<3x80x128xf32, #tpu.memory_space<vmem>> -> memref<1x80x128xf32, #tpu.memory_space<vmem>>
    %dma_start3A_165 = tpu.memref_squeeze %dma_start3A_164 : memref<1x80x128xf32, #tpu.memory_space<vmem>> -> memref<80x128xf32, #tpu.memory_space<vmem>>
    %dma_start3A_166 = arith.constant 0 : i32
    %dma_start3A_167 = arith.constant 0 : i32
    %dma_start3A_168 = tpu.memref_slice %arg8[%dma_start3A_159, %dma_start3A_166, %dma_start3A_167] : memref<2x25x80xi32, #tpu.memory_space<vmem>> -> memref<1x25x80xi32, #tpu.memory_space<vmem>>
    %dma_start3A_169 = tpu.memref_squeeze %dma_start3A_168 : memref<1x25x80xi32, #tpu.memory_space<vmem>> -> memref<25x80xi32, #tpu.memory_space<vmem>>
    %dma_start3A_170 = arith.constant 0 : i32
    %dma_start3A_171 = tpu.memref_slice %dma_start3A_169[%dma_start3A_160, %dma_start3A_170] : memref<25x80xi32, #tpu.memory_space<vmem>> -> memref<1x80xi32, #tpu.memory_space<vmem>>
    %dma_start3A_172 = tpu.memref_squeeze %dma_start3A_171 : memref<1x80xi32, #tpu.memory_space<vmem>> -> memref<80xi32, #tpu.memory_space<vmem>>
    %dma_start3A_173 = arith.constant 0 : i32
    %dma_start3A_174 = arith.constant 0 : i32
    %dma_start3A_175 = tpu.memref_slice %arg2[%dma_start3A_173, %dma_start3A_174] : memref<10000x128xf32, #tpu.memory_space<hbm>> -> memref<10000x128xf32, #tpu.memory_space<hbm>>
    tpu.enqueue_indirect_dma source(%dma_start3A_175 : memref<10000x128xf32, #tpu.memory_space<hbm>>) target(%dma_start3A_165 : memref<80x128xf32, #tpu.memory_space<vmem>>) offsets(%dma_start3A_172 : memref<80xi32, #tpu.memory_space<vmem>>) semaphore(%arg14 : memref<!tpu.dma_semaphore, #tpu.memory_space<semaphore_mem>>)
    %dma_start3A_176 = arith.constant 0 : i32
    %dma_start3A_177 = arith.constant 1 : i32
    %dma_start3A_178 = arith.constant 1 : i32
    %dma_start3A_179 = arith.constant 0 : i32
    %dma_start3A_180 = arith.constant 0 : i32
    %dma_start3A_181 = tpu.memref_slice %arg10[%dma_start3A_178, %dma_start3A_179, %dma_start3A_180] : memref<3x80x128xf32, #tpu.memory_space<vmem>> -> memref<1x80x128xf32, #tpu.memory_space<vmem>>
    %dma_start3A_182 = tpu.memref_squeeze %dma_start3A_181 : memref<1x80x128xf32, #tpu.memory_space<vmem>> -> memref<80x128xf32, #tpu.memory_space<vmem>>
    %dma_start3A_183 = arith.constant 0 : i32
    %dma_start3A_184 = arith.constant 0 : i32
    %dma_start3A_185 = tpu.memref_slice %arg8[%dma_start3A_176, %dma_start3A_183, %dma_start3A_184] : memref<2x25x80xi32, #tpu.memory_space<vmem>> -> memref<1x25x80xi32, #tpu.memory_space<vmem>>
    %dma_start3A_186 = tpu.memref_squeeze %dma_start3A_185 : memref<1x25x80xi32, #tpu.memory_space<vmem>> -> memref<25x80xi32, #tpu.memory_space<vmem>>
    %dma_start3A_187 = arith.constant 0 : i32
    %dma_start3A_188 = tpu.memref_slice %dma_start3A_186[%dma_start3A_177, %dma_start3A_187] : memref<25x80xi32, #tpu.memory_space<vmem>> -> memref<1x80xi32, #tpu.memory_space<vmem>>
    %dma_start3A_189 = tpu.memref_squeeze %dma_start3A_188 : memref<1x80xi32, #tpu.memory_space<vmem>> -> memref<80xi32, #tpu.memory_space<vmem>>
    %dma_start3A_190 = arith.constant 0 : i32
    %dma_start3A_191 = arith.constant 0 : i32
    %dma_start3A_192 = tpu.memref_slice %arg2[%dma_start3A_190, %dma_start3A_191] : memref<10000x128xf32, #tpu.memory_space<hbm>> -> memref<10000x128xf32, #tpu.memory_space<hbm>>
    tpu.enqueue_indirect_dma source(%dma_start3A_192 : memref<10000x128xf32, #tpu.memory_space<hbm>>) target(%dma_start3A_182 : memref<80x128xf32, #tpu.memory_space<vmem>>) offsets(%dma_start3A_189 : memref<80xi32, #tpu.memory_space<vmem>>) semaphore(%arg14 : memref<!tpu.dma_semaphore, #tpu.memory_space<semaphore_mem>>)
    %dma_start3A_193 = arith.constant 1 : i32
    %dma_start3A_194 = arith.constant 1 : i32
    %dma_start3A_195 = arith.constant 0 : i32
    %dma_start3A_196 = arith.constant 0 : i32
    %dma_start3A_197 = tpu.memref_slice %arg8[%dma_start3A_194, %dma_start3A_195, %dma_start3A_196] : memref<2x25x80xi32, #tpu.memory_space<vmem>> -> memref<1x25x80xi32, #tpu.memory_space<vmem>>
    %dma_start3A_198 = tpu.memref_squeeze %dma_start3A_197 : memref<1x25x80xi32, #tpu.memory_space<vmem>> -> memref<25x80xi32, #tpu.memory_space<vmem>>
    %dma_start3A_199 = arith.constant 0 : i32
    %dma_start3A_200 = arith.constant 0 : i32
    %dma_start3A_201 = arith.constant 0 : i32
    %dma_start3A_202 = tpu.memref_slice %arg3[%add3A, %dma_start3A_199, %dma_start3A_200, %dma_start3A_201] : memref<32x5x25x80xi32, #tpu.memory_space<hbm>> -> memref<1x5x25x80xi32, #tpu.memory_space<hbm>>
    %dma_start3A_203 = tpu.memref_squeeze %dma_start3A_202 : memref<1x5x25x80xi32, #tpu.memory_space<hbm>> -> memref<5x25x80xi32, #tpu.memory_space<hbm>>
    %dma_start3A_204 = arith.constant 0 : i32
    %dma_start3A_205 = arith.constant 0 : i32
    %dma_start3A_206 = tpu.memref_slice %dma_start3A_203[%dma_start3A_193, %dma_start3A_204, %dma_start3A_205] : memref<5x25x80xi32, #tpu.memory_space<hbm>> -> memref<1x25x80xi32, #tpu.memory_space<hbm>>
    %dma_start3A_207 = tpu.memref_squeeze %dma_start3A_206 : memref<1x25x80xi32, #tpu.memory_space<hbm>> -> memref<25x80xi32, #tpu.memory_space<hbm>>
    %dma_start3A_208 = arith.constant 0 : i32
    %dma_start3A_209 = arith.constant 0 : i32
    %dma_start3A_210 = tpu.memref_slice %arg8[%dma_start3A_194, %dma_start3A_208, %dma_start3A_209] : memref<2x25x80xi32, #tpu.memory_space<vmem>> -> memref<1x25x80xi32, #tpu.memory_space<vmem>>
    %dma_start3A_211 = tpu.memref_squeeze %dma_start3A_210 : memref<1x25x80xi32, #tpu.memory_space<vmem>> -> memref<25x80xi32, #tpu.memory_space<vmem>>
    %dma_start3A_212 = arith.constant 0 : i32
    %dma_start3A_213 = arith.constant 0 : i32
    %dma_start3A_214 = arith.constant 0 : i32
    %dma_start3A_215 = tpu.memref_slice %arg3[%add3A, %dma_start3A_212, %dma_start3A_213, %dma_start3A_214] : memref<32x5x25x80xi32, #tpu.memory_space<hbm>> -> memref<1x5x25x80xi32, #tpu.memory_space<hbm>>
    %dma_start3A_216 = tpu.memref_squeeze %dma_start3A_215 : memref<1x5x25x80xi32, #tpu.memory_space<hbm>> -> memref<5x25x80xi32, #tpu.memory_space<hbm>>
    %dma_start3A_217 = arith.constant 0 : i32
    %dma_start3A_218 = arith.constant 0 : i32
    %dma_start3A_219 = tpu.memref_slice %dma_start3A_216[%dma_start3A_193, %dma_start3A_217, %dma_start3A_218] : memref<5x25x80xi32, #tpu.memory_space<hbm>> -> memref<1x25x80xi32, #tpu.memory_space<hbm>>
    %dma_start3A_220 = tpu.memref_squeeze %dma_start3A_219 : memref<1x25x80xi32, #tpu.memory_space<hbm>> -> memref<25x80xi32, #tpu.memory_space<hbm>>
    tpu.enqueue_dma source(%dma_start3A_220 : memref<25x80xi32, #tpu.memory_space<hbm>>) target(%dma_start3A_211 : memref<25x80xi32, #tpu.memory_space<vmem>>) target_semaphore(%arg17 : memref<!tpu.dma_semaphore, #tpu.memory_space<semaphore_mem>>)
    %dma_start3A_221 = arith.constant 1 : i32
    %dma_start3A_222 = arith.constant 1 : i32
    %dma_start3A_223 = arith.constant 0 : i32
    %dma_start3A_224 = arith.constant 0 : i32
    %dma_start3A_225 = tpu.memref_slice %arg9[%dma_start3A_222, %dma_start3A_223, %dma_start3A_224] : memref<2x25x80xi32, #tpu.memory_space<vmem>> -> memref<1x25x80xi32, #tpu.memory_space<vmem>>
    %dma_start3A_226 = tpu.memref_squeeze %dma_start3A_225 : memref<1x25x80xi32, #tpu.memory_space<vmem>> -> memref<25x80xi32, #tpu.memory_space<vmem>>
    %dma_start3A_227 = arith.constant 0 : i32
    %dma_start3A_228 = arith.constant 0 : i32
    %dma_start3A_229 = arith.constant 0 : i32
    %dma_start3A_230 = tpu.memref_slice %arg4[%add3A, %dma_start3A_227, %dma_start3A_228, %dma_start3A_229] : memref<32x5x25x80xi32, #tpu.memory_space<hbm>> -> memref<1x5x25x80xi32, #tpu.memory_space<hbm>>
    %dma_start3A_231 = tpu.memref_squeeze %dma_start3A_230 : memref<1x5x25x80xi32, #tpu.memory_space<hbm>> -> memref<5x25x80xi32, #tpu.memory_space<hbm>>
    %dma_start3A_232 = arith.constant 0 : i32
    %dma_start3A_233 = arith.constant 0 : i32
    %dma_start3A_234 = tpu.memref_slice %dma_start3A_231[%dma_start3A_221, %dma_start3A_232, %dma_start3A_233] : memref<5x25x80xi32, #tpu.memory_space<hbm>> -> memref<1x25x80xi32, #tpu.memory_space<hbm>>
    %dma_start3A_235 = tpu.memref_squeeze %dma_start3A_234 : memref<1x25x80xi32, #tpu.memory_space<hbm>> -> memref<25x80xi32, #tpu.memory_space<hbm>>
    %dma_start3A_236 = arith.constant 0 : i32
    %dma_start3A_237 = arith.constant 0 : i32
    %dma_start3A_238 = tpu.memref_slice %arg9[%dma_start3A_222, %dma_start3A_236, %dma_start3A_237] : memref<2x25x80xi32, #tpu.memory_space<vmem>> -> memref<1x25x80xi32, #tpu.memory_space<vmem>>
    %dma_start3A_239 = tpu.memref_squeeze %dma_start3A_238 : memref<1x25x80xi32, #tpu.memory_space<vmem>> -> memref<25x80xi32, #tpu.memory_space<vmem>>
    %dma_start3A_240 = arith.constant 0 : i32
    %dma_start3A_241 = arith.constant 0 : i32
    %dma_start3A_242 = arith.constant 0 : i32
    %dma_start3A_243 = tpu.memref_slice %arg4[%add3A, %dma_start3A_240, %dma_start3A_241, %dma_start3A_242] : memref<32x5x25x80xi32, #tpu.memory_space<hbm>> -> memref<1x5x25x80xi32, #tpu.memory_space<hbm>>
    %dma_start3A_244 = tpu.memref_squeeze %dma_start3A_243 : memref<1x5x25x80xi32, #tpu.memory_space<hbm>> -> memref<5x25x80xi32, #tpu.memory_space<hbm>>
    %dma_start3A_245 = arith.constant 0 : i32
    %dma_start3A_246 = arith.constant 0 : i32
    %dma_start3A_247 = tpu.memref_slice %dma_start3A_244[%dma_start3A_221, %dma_start3A_245, %dma_start3A_246] : memref<5x25x80xi32, #tpu.memory_space<hbm>> -> memref<1x25x80xi32, #tpu.memory_space<hbm>>
    %dma_start3A_248 = tpu.memref_squeeze %dma_start3A_247 : memref<1x25x80xi32, #tpu.memory_space<hbm>> -> memref<25x80xi32, #tpu.memory_space<hbm>>
    tpu.enqueue_dma source(%dma_start3A_248 : memref<25x80xi32, #tpu.memory_space<hbm>>) target(%dma_start3A_239 : memref<25x80xi32, #tpu.memory_space<vmem>>) target_semaphore(%arg17 : memref<!tpu.dma_semaphore, #tpu.memory_space<semaphore_mem>>)
    %scan3A = arith.constant 0 : i32
    %scan3A_249 = arith.constant 2 : i32
    %scan3A_250 = arith.constant 0 : i32
    %scan3A_251 = arith.constant 80 : i32
    %scan3A_252 = arith.addi %scan3A_250, %scan3A_251 : i32
    %scan3A_253 = arith.constant 1 : i32
    scf.for %scan3A_1238 = %scan3A_250 to %scan3A_252 step %scan3A_253  : i32 {
      %broadcast_in_dim3A_1239 = arith.constant 0.000000e+00 : f32
      %broadcast_in_dim3A_1240 = vector.broadcast %broadcast_in_dim3A_1239 : f32 to vector<16xf32>
      %swap3A_1241 = arith.constant 0 : i32
      %swap3A_1242 = arith.constant 0 : i32
      %swap3A_1243 = tpu.memref_slice %arg10[%scan3A_249, %swap3A_1241, %swap3A_1242] : memref<3x80x128xf32, #tpu.memory_space<vmem>> -> memref<1x80x128xf32, #tpu.memory_space<vmem>>
      %swap3A_1244 = tpu.memref_squeeze %swap3A_1243 : memref<1x80x128xf32, #tpu.memory_space<vmem>> -> memref<80x128xf32, #tpu.memory_space<vmem>>
      %swap3A_1245 = arith.index_cast %scan3A_1238 : i32 to index
      %swap3A_1246 = arith.constant 0 : index
      %swap3A_1247 = tpu.vector_load %swap3A_1244[%swap3A_1245, %swap3A_1246] {strides = array<i32>} : memref<80x128xf32, #tpu.memory_space<vmem>>, vector<1x16xf32>,
      %swap3A_1248 = vector.shape_cast %swap3A_1247 : vector<1x16xf32> to vector<16xf32>
      %swap3A_1249 = vector.shape_cast %broadcast_in_dim3A_1240 : vector<16xf32> to vector<1x16xf32>
      tpu.vector_store %swap3A_1244[%swap3A_1245, %swap3A_1246], %swap3A_1249 {strides = array<i32>} : memref<80x128xf32, #tpu.memory_space<vmem>>, vector<1x16xf32>,
      %broadcast_in_dim3A_1250 = arith.constant 0.000000e+00 : f32
      %broadcast_in_dim3A_1251 = vector.broadcast %broadcast_in_dim3A_1250 : f32 to vector<16xf32>
      %swap3A_1252 = arith.constant 0 : i32
      %swap3A_1253 = arith.constant 0 : i32
      %swap3A_1254 = tpu.memref_slice %arg10[%scan3A_249, %swap3A_1252, %swap3A_1253] : memref<3x80x128xf32, #tpu.memory_space<vmem>> -> memref<1x80x128xf32, #tpu.memory_space<vmem>>
      %swap3A_1255 = tpu.memref_squeeze %swap3A_1254 : memref<1x80x128xf32, #tpu.memory_space<vmem>> -> memref<80x128xf32, #tpu.memory_space<vmem>>
      %swap3A_1256 = arith.index_cast %scan3A_1238 : i32 to index
      %swap3A_1257 = arith.constant 16 : index
      %swap3A_1258 = tpu.vector_load %swap3A_1255[%swap3A_1256, %swap3A_1257] {strides = array<i32>} : memref<80x128xf32, #tpu.memory_space<vmem>>, vector<1x16xf32>,
      %swap3A_1259 = vector.shape_cast %swap3A_1258 : vector<1x16xf32> to vector<16xf32>
      %swap3A_1260 = vector.shape_cast %broadcast_in_dim3A_1251 : vector<16xf32> to vector<1x16xf32>
      tpu.vector_store %swap3A_1255[%swap3A_1256, %swap3A_1257], %swap3A_1260 {strides = array<i32>} : memref<80x128xf32, #tpu.memory_space<vmem>>, vector<1x16xf32>,
      %broadcast_in_dim3A_1261 = arith.constant 0.000000e+00 : f32
      %broadcast_in_dim3A_1262 = vector.broadcast %broadcast_in_dim3A_1261 : f32 to vector<16xf32>
      %swap3A_1263 = arith.constant 0 : i32
      %swap3A_1264 = arith.constant 0 : i32
      %swap3A_1265 = tpu.memref_slice %arg10[%scan3A_249, %swap3A_1263, %swap3A_1264] : memref<3x80x128xf32, #tpu.memory_space<vmem>> -> memref<1x80x128xf32, #tpu.memory_space<vmem>>
      %swap3A_1266 = tpu.memref_squeeze %swap3A_1265 : memref<1x80x128xf32, #tpu.memory_space<vmem>> -> memref<80x128xf32, #tpu.memory_space<vmem>>
      %swap3A_1267 = arith.index_cast %scan3A_1238 : i32 to index
      %swap3A_1268 = arith.constant 32 : index
      %swap3A_1269 = tpu.vector_load %swap3A_1266[%swap3A_1267, %swap3A_1268] {strides = array<i32>} : memref<80x128xf32, #tpu.memory_space<vmem>>, vector<1x16xf32>,
      %swap3A_1270 = vector.shape_cast %swap3A_1269 : vector<1x16xf32> to vector<16xf32>
      %swap3A_1271 = vector.shape_cast %broadcast_in_dim3A_1262 : vector<16xf32> to vector<1x16xf32>
      tpu.vector_store %swap3A_1266[%swap3A_1267, %swap3A_1268], %swap3A_1271 {strides = array<i32>} : memref<80x128xf32, #tpu.memory_space<vmem>>, vector<1x16xf32>,
      %broadcast_in_dim3A_1272 = arith.constant 0.000000e+00 : f32
      %broadcast_in_dim3A_1273 = vector.broadcast %broadcast_in_dim3A_1272 : f32 to vector<16xf32>
      %swap3A_1274 = arith.constant 0 : i32
      %swap3A_1275 = arith.constant 0 : i32
      %swap3A_1276 = tpu.memref_slice %arg10[%scan3A_249, %swap3A_1274, %swap3A_1275] : memref<3x80x128xf32, #tpu.memory_space<vmem>> -> memref<1x80x128xf32, #tpu.memory_space<vmem>>
      %swap3A_1277 = tpu.memref_squeeze %swap3A_1276 : memref<1x80x128xf32, #tpu.memory_space<vmem>> -> memref<80x128xf32, #tpu.memory_space<vmem>>
      %swap3A_1278 = arith.index_cast %scan3A_1238 : i32 to index
      %swap3A_1279 = arith.constant 48 : index
      %swap3A_1280 = tpu.vector_load %swap3A_1277[%swap3A_1278, %swap3A_1279] {strides = array<i32>} : memref<80x128xf32, #tpu.memory_space<vmem>>, vector<1x16xf32>,
      %swap3A_1281 = vector.shape_cast %swap3A_1280 : vector<1x16xf32> to vector<16xf32>
      %swap3A_1282 = vector.shape_cast %broadcast_in_dim3A_1273 : vector<16xf32> to vector<1x16xf32>
      tpu.vector_store %swap3A_1277[%swap3A_1278, %swap3A_1279], %swap3A_1282 {strides = array<i32>} : memref<80x128xf32, #tpu.memory_space<vmem>>, vector<1x16xf32>,
      %broadcast_in_dim3A_1283 = arith.constant 0.000000e+00 : f32
      %broadcast_in_dim3A_1284 = vector.broadcast %broadcast_in_dim3A_1283 : f32 to vector<16xf32>
      %swap3A_1285 = arith.constant 0 : i32
      %swap3A_1286 = arith.constant 0 : i32
      %swap3A_1287 = tpu.memref_slice %arg10[%scan3A_249, %swap3A_1285, %swap3A_1286] : memref<3x80x128xf32, #tpu.memory_space<vmem>> -> memref<1x80x128xf32, #tpu.memory_space<vmem>>
      %swap3A_1288 = tpu.memref_squeeze %swap3A_1287 : memref<1x80x128xf32, #tpu.memory_space<vmem>> -> memref<80x128xf32, #tpu.memory_space<vmem>>
      %swap3A_1289 = arith.index_cast %scan3A_1238 : i32 to index
      %swap3A_1290 = arith.constant 64 : index
      %swap3A_1291 = tpu.vector_load %swap3A_1288[%swap3A_1289, %swap3A_1290] {strides = array<i32>} : memref<80x128xf32, #tpu.memory_space<vmem>>, vector<1x16xf32>,
      %swap3A_1292 = vector.shape_cast %swap3A_1291 : vector<1x16xf32> to vector<16xf32>
      %swap3A_1293 = vector.shape_cast %broadcast_in_dim3A_1284 : vector<16xf32> to vector<1x16xf32>
      tpu.vector_store %swap3A_1288[%swap3A_1289, %swap3A_1290], %swap3A_1293 {strides = array<i32>} : memref<80x128xf32, #tpu.memory_space<vmem>>, vector<1x16xf32>,
      %broadcast_in_dim3A_1294 = arith.constant 0.000000e+00 : f32
      %broadcast_in_dim3A_1295 = vector.broadcast %broadcast_in_dim3A_1294 : f32 to vector<16xf32>
      %swap3A_1296 = arith.constant 0 : i32
      %swap3A_1297 = arith.constant 0 : i32
      %swap3A_1298 = tpu.memref_slice %arg10[%scan3A_249, %swap3A_1296, %swap3A_1297] : memref<3x80x128xf32, #tpu.memory_space<vmem>> -> memref<1x80x128xf32, #tpu.memory_space<vmem>>
      %swap3A_1299 = tpu.memref_squeeze %swap3A_1298 : memref<1x80x128xf32, #tpu.memory_space<vmem>> -> memref<80x128xf32, #tpu.memory_space<vmem>>
      %swap3A_1300 = arith.index_cast %scan3A_1238 : i32 to index
      %swap3A_1301 = arith.constant 80 : index
      %swap3A_1302 = tpu.vector_load %swap3A_1299[%swap3A_1300, %swap3A_1301] {strides = array<i32>} : memref<80x128xf32, #tpu.memory_space<vmem>>, vector<1x16xf32>,
      %swap3A_1303 = vector.shape_cast %swap3A_1302 : vector<1x16xf32> to vector<16xf32>
      %swap3A_1304 = vector.shape_cast %broadcast_in_dim3A_1295 : vector<16xf32> to vector<1x16xf32>
      tpu.vector_store %swap3A_1299[%swap3A_1300, %swap3A_1301], %swap3A_1304 {strides = array<i32>} : memref<80x128xf32, #tpu.memory_space<vmem>>, vector<1x16xf32>,
      %broadcast_in_dim3A_1305 = arith.constant 0.000000e+00 : f32
      %broadcast_in_dim3A_1306 = vector.broadcast %broadcast_in_dim3A_1305 : f32 to vector<16xf32>
      %swap3A_1307 = arith.constant 0 : i32
      %swap3A_1308 = arith.constant 0 : i32
      %swap3A_1309 = tpu.memref_slice %arg10[%scan3A_249, %swap3A_1307, %swap3A_1308] : memref<3x80x128xf32, #tpu.memory_space<vmem>> -> memref<1x80x128xf32, #tpu.memory_space<vmem>>
      %swap3A_1310 = tpu.memref_squeeze %swap3A_1309 : memref<1x80x128xf32, #tpu.memory_space<vmem>> -> memref<80x128xf32, #tpu.memory_space<vmem>>
      %swap3A_1311 = arith.index_cast %scan3A_1238 : i32 to index
      %swap3A_1312 = arith.constant 96 : index
      %swap3A_1313 = tpu.vector_load %swap3A_1310[%swap3A_1311, %swap3A_1312] {strides = array<i32>} : memref<80x128xf32, #tpu.memory_space<vmem>>, vector<1x16xf32>,
      %swap3A_1314 = vector.shape_cast %swap3A_1313 : vector<1x16xf32> to vector<16xf32>
      %swap3A_1315 = vector.shape_cast %broadcast_in_dim3A_1306 : vector<16xf32> to vector<1x16xf32>
      tpu.vector_store %swap3A_1310[%swap3A_1311, %swap3A_1312], %swap3A_1315 {strides = array<i32>} : memref<80x128xf32, #tpu.memory_space<vmem>>, vector<1x16xf32>,
      %broadcast_in_dim3A_1316 = arith.constant 0.000000e+00 : f32
      %broadcast_in_dim3A_1317 = vector.broadcast %broadcast_in_dim3A_1316 : f32 to vector<16xf32>
      %swap3A_1318 = arith.constant 0 : i32
      %swap3A_1319 = arith.constant 0 : i32
      %swap3A_1320 = tpu.memref_slice %arg10[%scan3A_249, %swap3A_1318, %swap3A_1319] : memref<3x80x128xf32, #tpu.memory_space<vmem>> -> memref<1x80x128xf32, #tpu.memory_space<vmem>>
      %swap3A_1321 = tpu.memref_squeeze %swap3A_1320 : memref<1x80x128xf32, #tpu.memory_space<vmem>> -> memref<80x128xf32, #tpu.memory_space<vmem>>
      %swap3A_1322 = arith.index_cast %scan3A_1238 : i32 to index
      %swap3A_1323 = arith.constant 112 : index
      %swap3A_1324 = tpu.vector_load %swap3A_1321[%swap3A_1322, %swap3A_1323] {strides = array<i32>} : memref<80x128xf32, #tpu.memory_space<vmem>>, vector<1x16xf32>,
      %swap3A_1325 = vector.shape_cast %swap3A_1324 : vector<1x16xf32> to vector<16xf32>
      %swap3A_1326 = vector.shape_cast %broadcast_in_dim3A_1317 : vector<16xf32> to vector<1x16xf32>
      tpu.vector_store %swap3A_1321[%swap3A_1322, %swap3A_1323], %swap3A_1326 {strides = array<i32>} : memref<80x128xf32, #tpu.memory_space<vmem>>, vector<1x16xf32>,
    }
    %scan3A_254 = arith.constant 80 : i32
    %mul3A_255 = arith.constant 624 : i32
    %mul3A_256 = arith.muli %arg1, %mul3A_255 : i32
    %add3A_257 = arith.constant 0 : i32
    %add3A_258 = arith.addi %mul3A_256, %add3A_257 : i32
    %dma_start3A_259 = arith.constant 2 : i32
    %dma_start3A_260 = arith.constant 0 : i32
    %dma_start3A_261 = arith.constant 0 : i32
    %dma_start3A_262 = tpu.memref_slice %arg10[%dma_start3A_259, %dma_start3A_260, %dma_start3A_261] : memref<3x80x128xf32, #tpu.memory_space<vmem>> -> memref<1x80x128xf32, #tpu.memory_space<vmem>>
    %dma_start3A_263 = tpu.memref_squeeze %dma_start3A_262 : memref<1x80x128xf32, #tpu.memory_space<vmem>> -> memref<80x128xf32, #tpu.memory_space<vmem>>
    %dma_start3A_264 = arith.constant 0 : i32
    %dma_start3A_265 = tpu.memref_slice %arg12[%add3A_258, %dma_start3A_264] : memref<10000x128xf32, #tpu.memory_space<vmem_shared>> -> memref<80x128xf32, #tpu.memory_space<vmem_shared>>
    %dma_start3A_266 = arith.constant 0 : i32
    %dma_start3A_267 = tpu.memref_slice %arg12[%add3A_258, %dma_start3A_266] : memref<10000x128xf32, #tpu.memory_space<vmem_shared>> -> memref<80x128xf32, #tpu.memory_space<vmem_shared>>
    %dma_start3A_268 = arith.constant 0 : i32
    %dma_start3A_269 = arith.constant 0 : i32
    %dma_start3A_270 = tpu.memref_slice %arg10[%dma_start3A_259, %dma_start3A_268, %dma_start3A_269] : memref<3x80x128xf32, #tpu.memory_space<vmem>> -> memref<1x80x128xf32, #tpu.memory_space<vmem>>
    %dma_start3A_271 = tpu.memref_squeeze %dma_start3A_270 : memref<1x80x128xf32, #tpu.memory_space<vmem>> -> memref<80x128xf32, #tpu.memory_space<vmem>>
    tpu.enqueue_dma source(%dma_start3A_271 : memref<80x128xf32, #tpu.memory_space<vmem>>) target(%dma_start3A_267 : memref<80x128xf32, #tpu.memory_space<vmem_shared>>) target_semaphore(%arg15 : memref<!tpu.dma_semaphore, #tpu.memory_space<semaphore_mem>>)
    %mul3A_272 = arith.constant 624 : i32
    %mul3A_273 = arith.muli %arg1, %mul3A_272 : i32
    %add3A_274 = arith.constant 80 : i32
    %add3A_275 = arith.addi %mul3A_273, %add3A_274 : i32
    %dma_start3A_276 = arith.constant 2 : i32
    %dma_start3A_277 = arith.constant 0 : i32
    %dma_start3A_278 = arith.constant 0 : i32
    %dma_start3A_279 = tpu.memref_slice %arg10[%dma_start3A_276, %dma_start3A_277, %dma_start3A_278] : memref<3x80x128xf32, #tpu.memory_space<vmem>> -> memref<1x80x128xf32, #tpu.memory_space<vmem>>
    %dma_start3A_280 = tpu.memref_squeeze %dma_start3A_279 : memref<1x80x128xf32, #tpu.memory_space<vmem>> -> memref<80x128xf32, #tpu.memory_space<vmem>>
    %dma_start3A_281 = arith.constant 0 : i32
    %dma_start3A_282 = tpu.memref_slice %arg12[%add3A_275, %dma_start3A_281] : memref<10000x128xf32, #tpu.memory_space<vmem_shared>> -> memref<80x128xf32, #tpu.memory_space<vmem_shared>>
    %dma_start3A_283 = arith.constant 0 : i32
    %dma_start3A_284 = tpu.memref_slice %arg12[%add3A_275, %dma_start3A_283] : memref<10000x128xf32, #tpu.memory_space<vmem_shared>> -> memref<80x128xf32, #tpu.memory_space<vmem_shared>>
    %dma_start3A_285 = arith.constant 0 : i32
    %dma_start3A_286 = arith.constant 0 : i32
    %dma_start3A_287 = tpu.memref_slice %arg10[%dma_start3A_276, %dma_start3A_285, %dma_start3A_286] : memref<3x80x128xf32, #tpu.memory_space<vmem>> -> memref<1x80x128xf32, #tpu.memory_space<vmem>>
    %dma_start3A_288 = tpu.memref_squeeze %dma_start3A_287 : memref<1x80x128xf32, #tpu.memory_space<vmem>> -> memref<80x128xf32, #tpu.memory_space<vmem>>
    tpu.enqueue_dma source(%dma_start3A_288 : memref<80x128xf32, #tpu.memory_space<vmem>>) target(%dma_start3A_284 : memref<80x128xf32, #tpu.memory_space<vmem_shared>>) target_semaphore(%arg15 : memref<!tpu.dma_semaphore, #tpu.memory_space<semaphore_mem>>)
    %mul3A_289 = arith.constant 624 : i32
    %mul3A_290 = arith.muli %arg1, %mul3A_289 : i32
    %add3A_291 = arith.constant 160 : i32
    %add3A_292 = arith.addi %mul3A_290, %add3A_291 : i32
    %dma_start3A_293 = arith.constant 2 : i32
    %dma_start3A_294 = arith.constant 0 : i32
    %dma_start3A_295 = arith.constant 0 : i32
    %dma_start3A_296 = tpu.memref_slice %arg10[%dma_start3A_293, %dma_start3A_294, %dma_start3A_295] : memref<3x80x128xf32, #tpu.memory_space<vmem>> -> memref<1x80x128xf32, #tpu.memory_space<vmem>>
    %dma_start3A_297 = tpu.memref_squeeze %dma_start3A_296 : memref<1x80x128xf32, #tpu.memory_space<vmem>> -> memref<80x128xf32, #tpu.memory_space<vmem>>
    %dma_start3A_298 = arith.constant 0 : i32
    %dma_start3A_299 = tpu.memref_slice %arg12[%add3A_292, %dma_start3A_298] : memref<10000x128xf32, #tpu.memory_space<vmem_shared>> -> memref<80x128xf32, #tpu.memory_space<vmem_shared>>
    %dma_start3A_300 = arith.constant 0 : i32
    %dma_start3A_301 = tpu.memref_slice %arg12[%add3A_292, %dma_start3A_300] : memref<10000x128xf32, #tpu.memory_space<vmem_shared>> -> memref<80x128xf32, #tpu.memory_space<vmem_shared>>
    %dma_start3A_302 = arith.constant 0 : i32
    %dma_start3A_303 = arith.constant 0 : i32
    %dma_start3A_304 = tpu.memref_slice %arg10[%dma_start3A_293, %dma_start3A_302, %dma_start3A_303] : memref<3x80x128xf32, #tpu.memory_space<vmem>> -> memref<1x80x128xf32, #tpu.memory_space<vmem>>
    %dma_start3A_305 = tpu.memref_squeeze %dma_start3A_304 : memref<1x80x128xf32, #tpu.memory_space<vmem>> -> memref<80x128xf32, #tpu.memory_space<vmem>>
    tpu.enqueue_dma source(%dma_start3A_305 : memref<80x128xf32, #tpu.memory_space<vmem>>) target(%dma_start3A_301 : memref<80x128xf32, #tpu.memory_space<vmem_shared>>) target_semaphore(%arg15 : memref<!tpu.dma_semaphore, #tpu.memory_space<semaphore_mem>>)
    %mul3A_306 = arith.constant 624 : i32
    %mul3A_307 = arith.muli %arg1, %mul3A_306 : i32
    %add3A_308 = arith.constant 240 : i32
    %add3A_309 = arith.addi %mul3A_307, %add3A_308 : i32
    %dma_start3A_310 = arith.constant 2 : i32
    %dma_start3A_311 = arith.constant 0 : i32
    %dma_start3A_312 = arith.constant 0 : i32
    %dma_start3A_313 = tpu.memref_slice %arg10[%dma_start3A_310, %dma_start3A_311, %dma_start3A_312] : memref<3x80x128xf32, #tpu.memory_space<vmem>> -> memref<1x80x128xf32, #tpu.memory_space<vmem>>
    %dma_start3A_314 = tpu.memref_squeeze %dma_start3A_313 : memref<1x80x128xf32, #tpu.memory_space<vmem>> -> memref<80x128xf32, #tpu.memory_space<vmem>>
    %dma_start3A_315 = arith.constant 0 : i32
    %dma_start3A_316 = tpu.memref_slice %arg12[%add3A_309, %dma_start3A_315] : memref<10000x128xf32, #tpu.memory_space<vmem_shared>> -> memref<80x128xf32, #tpu.memory_space<vmem_shared>>
    %dma_start3A_317 = arith.constant 0 : i32
    %dma_start3A_318 = tpu.memref_slice %arg12[%add3A_309, %dma_start3A_317] : memref<10000x128xf32, #tpu.memory_space<vmem_shared>> -> memref<80x128xf32, #tpu.memory_space<vmem_shared>>
    %dma_start3A_319 = arith.constant 0 : i32
    %dma_start3A_320 = arith.constant 0 : i32
    %dma_start3A_321 = tpu.memref_slice %arg10[%dma_start3A_310, %dma_start3A_319, %dma_start3A_320] : memref<3x80x128xf32, #tpu.memory_space<vmem>> -> memref<1x80x128xf32, #tpu.memory_space<vmem>>
    %dma_start3A_322 = tpu.memref_squeeze %dma_start3A_321 : memref<1x80x128xf32, #tpu.memory_space<vmem>> -> memref<80x128xf32, #tpu.memory_space<vmem>>
    tpu.enqueue_dma source(%dma_start3A_322 : memref<80x128xf32, #tpu.memory_space<vmem>>) target(%dma_start3A_318 : memref<80x128xf32, #tpu.memory_space<vmem_shared>>) target_semaphore(%arg15 : memref<!tpu.dma_semaphore, #tpu.memory_space<semaphore_mem>>)
    %mul3A_323 = arith.constant 624 : i32
    %mul3A_324 = arith.muli %arg1, %mul3A_323 : i32
    %add3A_325 = arith.constant 320 : i32
    %add3A_326 = arith.addi %mul3A_324, %add3A_325 : i32
    %dma_start3A_327 = arith.constant 2 : i32
    %dma_start3A_328 = arith.constant 0 : i32
    %dma_start3A_329 = arith.constant 0 : i32
    %dma_start3A_330 = tpu.memref_slice %arg10[%dma_start3A_327, %dma_start3A_328, %dma_start3A_329] : memref<3x80x128xf32, #tpu.memory_space<vmem>> -> memref<1x80x128xf32, #tpu.memory_space<vmem>>
    %dma_start3A_331 = tpu.memref_squeeze %dma_start3A_330 : memref<1x80x128xf32, #tpu.memory_space<vmem>> -> memref<80x128xf32, #tpu.memory_space<vmem>>
    %dma_start3A_332 = arith.constant 0 : i32
    %dma_start3A_333 = tpu.memref_slice %arg12[%add3A_326, %dma_start3A_332] : memref<10000x128xf32, #tpu.memory_space<vmem_shared>> -> memref<80x128xf32, #tpu.memory_space<vmem_shared>>
    %dma_start3A_334 = arith.constant 0 : i32
    %dma_start3A_335 = tpu.memref_slice %arg12[%add3A_326, %dma_start3A_334] : memref<10000x128xf32, #tpu.memory_space<vmem_shared>> -> memref<80x128xf32, #tpu.memory_space<vmem_shared>>
    %dma_start3A_336 = arith.constant 0 : i32
    %dma_start3A_337 = arith.constant 0 : i32
    %dma_start3A_338 = tpu.memref_slice %arg10[%dma_start3A_327, %dma_start3A_336, %dma_start3A_337] : memref<3x80x128xf32, #tpu.memory_space<vmem>> -> memref<1x80x128xf32, #tpu.memory_space<vmem>>
    %dma_start3A_339 = tpu.memref_squeeze %dma_start3A_338 : memref<1x80x128xf32, #tpu.memory_space<vmem>> -> memref<80x128xf32, #tpu.memory_space<vmem>>
    tpu.enqueue_dma source(%dma_start3A_339 : memref<80x128xf32, #tpu.memory_space<vmem>>) target(%dma_start3A_335 : memref<80x128xf32, #tpu.memory_space<vmem_shared>>) target_semaphore(%arg15 : memref<!tpu.dma_semaphore, #tpu.memory_space<semaphore_mem>>)
    %mul3A_340 = arith.constant 624 : i32
    %mul3A_341 = arith.muli %arg1, %mul3A_340 : i32
    %add3A_342 = arith.constant 400 : i32
    %add3A_343 = arith.addi %mul3A_341, %add3A_342 : i32
    %dma_start3A_344 = arith.constant 2 : i32
    %dma_start3A_345 = arith.constant 0 : i32
    %dma_start3A_346 = arith.constant 0 : i32
    %dma_start3A_347 = tpu.memref_slice %arg10[%dma_start3A_344, %dma_start3A_345, %dma_start3A_346] : memref<3x80x128xf32, #tpu.memory_space<vmem>> -> memref<1x80x128xf32, #tpu.memory_space<vmem>>
    %dma_start3A_348 = tpu.memref_squeeze %dma_start3A_347 : memref<1x80x128xf32, #tpu.memory_space<vmem>> -> memref<80x128xf32, #tpu.memory_space<vmem>>
    %dma_start3A_349 = arith.constant 0 : i32
    %dma_start3A_350 = tpu.memref_slice %arg12[%add3A_343, %dma_start3A_349] : memref<10000x128xf32, #tpu.memory_space<vmem_shared>> -> memref<80x128xf32, #tpu.memory_space<vmem_shared>>
    %dma_start3A_351 = arith.constant 0 : i32
    %dma_start3A_352 = tpu.memref_slice %arg12[%add3A_343, %dma_start3A_351] : memref<10000x128xf32, #tpu.memory_space<vmem_shared>> -> memref<80x128xf32, #tpu.memory_space<vmem_shared>>
    %dma_start3A_353 = arith.constant 0 : i32
    %dma_start3A_354 = arith.constant 0 : i32
    %dma_start3A_355 = tpu.memref_slice %arg10[%dma_start3A_344, %dma_start3A_353, %dma_start3A_354] : memref<3x80x128xf32, #tpu.memory_space<vmem>> -> memref<1x80x128xf32, #tpu.memory_space<vmem>>
    %dma_start3A_356 = tpu.memref_squeeze %dma_start3A_355 : memref<1x80x128xf32, #tpu.memory_space<vmem>> -> memref<80x128xf32, #tpu.memory_space<vmem>>
    tpu.enqueue_dma source(%dma_start3A_356 : memref<80x128xf32, #tpu.memory_space<vmem>>) target(%dma_start3A_352 : memref<80x128xf32, #tpu.memory_space<vmem_shared>>) target_semaphore(%arg15 : memref<!tpu.dma_semaphore, #tpu.memory_space<semaphore_mem>>)
    %mul3A_357 = arith.constant 624 : i32
    %mul3A_358 = arith.muli %arg1, %mul3A_357 : i32
    %add3A_359 = arith.constant 480 : i32
    %add3A_360 = arith.addi %mul3A_358, %add3A_359 : i32
    %dma_start3A_361 = arith.constant 2 : i32
    %dma_start3A_362 = arith.constant 0 : i32
    %dma_start3A_363 = arith.constant 0 : i32
    %dma_start3A_364 = tpu.memref_slice %arg10[%dma_start3A_361, %dma_start3A_362, %dma_start3A_363] : memref<3x80x128xf32, #tpu.memory_space<vmem>> -> memref<1x80x128xf32, #tpu.memory_space<vmem>>
    %dma_start3A_365 = tpu.memref_squeeze %dma_start3A_364 : memref<1x80x128xf32, #tpu.memory_space<vmem>> -> memref<80x128xf32, #tpu.memory_space<vmem>>
    %dma_start3A_366 = arith.constant 0 : i32
    %dma_start3A_367 = tpu.memref_slice %arg12[%add3A_360, %dma_start3A_366] : memref<10000x128xf32, #tpu.memory_space<vmem_shared>> -> memref<80x128xf32, #tpu.memory_space<vmem_shared>>
    %dma_start3A_368 = arith.constant 0 : i32
    %dma_start3A_369 = tpu.memref_slice %arg12[%add3A_360, %dma_start3A_368] : memref<10000x128xf32, #tpu.memory_space<vmem_shared>> -> memref<80x128xf32, #tpu.memory_space<vmem_shared>>
    %dma_start3A_370 = arith.constant 0 : i32
    %dma_start3A_371 = arith.constant 0 : i32
    %dma_start3A_372 = tpu.memref_slice %arg10[%dma_start3A_361, %dma_start3A_370, %dma_start3A_371] : memref<3x80x128xf32, #tpu.memory_space<vmem>> -> memref<1x80x128xf32, #tpu.memory_space<vmem>>
    %dma_start3A_373 = tpu.memref_squeeze %dma_start3A_372 : memref<1x80x128xf32, #tpu.memory_space<vmem>> -> memref<80x128xf32, #tpu.memory_space<vmem>>
    tpu.enqueue_dma source(%dma_start3A_373 : memref<80x128xf32, #tpu.memory_space<vmem>>) target(%dma_start3A_369 : memref<80x128xf32, #tpu.memory_space<vmem_shared>>) target_semaphore(%arg15 : memref<!tpu.dma_semaphore, #tpu.memory_space<semaphore_mem>>)
    %mul3A_374 = arith.constant 624 : i32
    %mul3A_375 = arith.muli %arg1, %mul3A_374 : i32
    %add3A_376 = arith.constant 560 : i32
    %add3A_377 = arith.addi %mul3A_375, %add3A_376 : i32
    %dma_start3A_378 = arith.constant 2 : i32
    %dma_start3A_379 = arith.constant 0 : i32
    %dma_start3A_380 = arith.constant 0 : i32
    %dma_start3A_381 = tpu.memref_slice %arg10[%dma_start3A_378, %dma_start3A_379, %dma_start3A_380] : memref<3x80x128xf32, #tpu.memory_space<vmem>> -> memref<1x80x128xf32, #tpu.memory_space<vmem>>
    %dma_start3A_382 = tpu.memref_squeeze %dma_start3A_381 : memref<1x80x128xf32, #tpu.memory_space<vmem>> -> memref<80x128xf32, #tpu.memory_space<vmem>>
    %dma_start3A_383 = arith.constant 0 : i32
    %dma_start3A_384 = arith.constant 0 : i32
    %dma_start3A_385 = tpu.memref_slice %dma_start3A_382[%dma_start3A_383, %dma_start3A_384] : memref<80x128xf32, #tpu.memory_space<vmem>> -> memref<64x128xf32, #tpu.memory_space<vmem>>
    %dma_start3A_386 = arith.constant 0 : i32
    %dma_start3A_387 = tpu.memref_slice %arg12[%add3A_377, %dma_start3A_386] : memref<10000x128xf32, #tpu.memory_space<vmem_shared>> -> memref<64x128xf32, #tpu.memory_space<vmem_shared>>
    %dma_start3A_388 = arith.constant 0 : i32
    %dma_start3A_389 = tpu.memref_slice %arg12[%add3A_377, %dma_start3A_388] : memref<10000x128xf32, #tpu.memory_space<vmem_shared>> -> memref<64x128xf32, #tpu.memory_space<vmem_shared>>
    %dma_start3A_390 = arith.constant 0 : i32
    %dma_start3A_391 = arith.constant 0 : i32
    %dma_start3A_392 = tpu.memref_slice %arg10[%dma_start3A_378, %dma_start3A_390, %dma_start3A_391] : memref<3x80x128xf32, #tpu.memory_space<vmem>> -> memref<1x80x128xf32, #tpu.memory_space<vmem>>
    %dma_start3A_393 = tpu.memref_squeeze %dma_start3A_392 : memref<1x80x128xf32, #tpu.memory_space<vmem>> -> memref<80x128xf32, #tpu.memory_space<vmem>>
    %dma_start3A_394 = arith.constant 0 : i32
    %dma_start3A_395 = arith.constant 0 : i32
    %dma_start3A_396 = tpu.memref_slice %dma_start3A_393[%dma_start3A_394, %dma_start3A_395] : memref<80x128xf32, #tpu.memory_space<vmem>> -> memref<64x128xf32, #tpu.memory_space<vmem>>
    tpu.enqueue_dma source(%dma_start3A_396 : memref<64x128xf32, #tpu.memory_space<vmem>>) target(%dma_start3A_389 : memref<64x128xf32, #tpu.memory_space<vmem_shared>>) target_semaphore(%arg15 : memref<!tpu.dma_semaphore, #tpu.memory_space<semaphore_mem>>)
    %eq3A_397 = arith.constant 15 : i32
    %eq3A_398 = arith.cmpi eq, %arg1, %eq3A_397 : i32
    %convert_element_type3A_399 = arith.extui %eq3A_398 : i1 to i32
    %cond3A_400 = arith.constant 2 : i32
    %cond3A_401 = arith.constant 0 : i32
    %cond3A_402 = arith.cmpi ne, %convert_element_type3A_399, %cond3A_401 : i32
    scf.if %cond3A_402 {
      %dma_start3A_1238 = arith.constant 0 : i32
      %dma_start3A_1239 = arith.constant 0 : i32
      %dma_start3A_1240 = tpu.memref_slice %arg10[%cond3A_400, %dma_start3A_1238, %dma_start3A_1239] : memref<3x80x128xf32, #tpu.memory_space<vmem>> -> memref<1x80x128xf32, #tpu.memory_space<vmem>>
      %dma_start3A_1241 = tpu.memref_squeeze %dma_start3A_1240 : memref<1x80x128xf32, #tpu.memory_space<vmem>> -> memref<80x128xf32, #tpu.memory_space<vmem>>
      %dma_start3A_1242 = arith.constant 0 : i32
      %dma_start3A_1243 = arith.constant 0 : i32
      %dma_start3A_1244 = tpu.memref_slice %dma_start3A_1241[%dma_start3A_1242, %dma_start3A_1243] : memref<80x128xf32, #tpu.memory_space<vmem>> -> memref<16x128xf32, #tpu.memory_space<vmem>>
      %dma_start3A_1245 = arith.constant 9984 : i32
      %dma_start3A_1246 = arith.constant 0 : i32
      %dma_start3A_1247 = tpu.memref_slice %arg12[%dma_start3A_1245, %dma_start3A_1246] : memref<10000x128xf32, #tpu.memory_space<vmem_shared>> -> memref<16x128xf32, #tpu.memory_space<vmem_shared>>
      %dma_start3A_1248 = arith.constant 9984 : i32
      %dma_start3A_1249 = arith.constant 0 : i32
      %dma_start3A_1250 = tpu.memref_slice %arg12[%dma_start3A_1248, %dma_start3A_1249] : memref<10000x128xf32, #tpu.memory_space<vmem_shared>> -> memref<16x128xf32, #tpu.memory_space<vmem_shared>>
      %dma_start3A_1251 = arith.constant 0 : i32
      %dma_start3A_1252 = arith.constant 0 : i32
      %dma_start3A_1253 = tpu.memref_slice %arg10[%cond3A_400, %dma_start3A_1251, %dma_start3A_1252] : memref<3x80x128xf32, #tpu.memory_space<vmem>> -> memref<1x80x128xf32, #tpu.memory_space<vmem>>
      %dma_start3A_1254 = tpu.memref_squeeze %dma_start3A_1253 : memref<1x80x128xf32, #tpu.memory_space<vmem>> -> memref<80x128xf32, #tpu.memory_space<vmem>>
      %dma_start3A_1255 = arith.constant 0 : i32
      %dma_start3A_1256 = arith.constant 0 : i32
      %dma_start3A_1257 = tpu.memref_slice %dma_start3A_1254[%dma_start3A_1255, %dma_start3A_1256] : memref<80x128xf32, #tpu.memory_space<vmem>> -> memref<16x128xf32, #tpu.memory_space<vmem>>
      tpu.enqueue_dma source(%dma_start3A_1257 : memref<16x128xf32, #tpu.memory_space<vmem>>) target(%dma_start3A_1250 : memref<16x128xf32, #tpu.memory_space<vmem_shared>>) target_semaphore(%arg15 : memref<!tpu.dma_semaphore, #tpu.memory_space<semaphore_mem>>)
    } else {
    }
    %dma_wait3A_403 = arith.constant 2 : i32
    %dma_wait3A_404 = arith.constant 0 : i32
    %dma_wait3A_405 = arith.constant 0 : i32
    %dma_wait3A_406 = tpu.memref_slice %arg10[%dma_wait3A_403, %dma_wait3A_404, %dma_wait3A_405] : memref<3x80x128xf32, #tpu.memory_space<vmem>> -> memref<1x80x128xf32, #tpu.memory_space<vmem>>
    %dma_wait3A_407 = tpu.memref_squeeze %dma_wait3A_406 : memref<1x80x128xf32, #tpu.memory_space<vmem>> -> memref<80x128xf32, #tpu.memory_space<vmem>>
    %dma_wait3A_408 = arith.constant 0 : i32
    %dma_wait3A_409 = arith.constant 0 : i32
    %dma_wait3A_410 = tpu.memref_slice %arg12[%dma_wait3A_408, %dma_wait3A_409] : memref<10000x128xf32, #tpu.memory_space<vmem_shared>> -> memref<80x128xf32, #tpu.memory_space<vmem_shared>>
    %dma_wait3A_411 = arith.constant 0 : i32
    %dma_wait3A_412 = arith.constant 0 : i32
    %dma_wait3A_413 = tpu.memref_slice %arg12[%dma_wait3A_411, %dma_wait3A_412] : memref<10000x128xf32, #tpu.memory_space<vmem_shared>> -> memref<80x128xf32, #tpu.memory_space<vmem_shared>>
    %dma_wait3A_414 = arith.constant 0 : i32
    %dma_wait3A_415 = arith.constant 0 : i32
    %dma_wait3A_416 = tpu.memref_slice %arg10[%dma_wait3A_403, %dma_wait3A_414, %dma_wait3A_415] : memref<3x80x128xf32, #tpu.memory_space<vmem>> -> memref<1x80x128xf32, #tpu.memory_space<vmem>>
    %dma_wait3A_417 = tpu.memref_squeeze %dma_wait3A_416 : memref<1x80x128xf32, #tpu.memory_space<vmem>> -> memref<80x128xf32, #tpu.memory_space<vmem>>
    tpu.wait_dma2 semaphore(%arg15 : memref<!tpu.dma_semaphore, #tpu.memory_space<semaphore_mem>>) src(%dma_wait3A_417 : memref<80x128xf32, #tpu.memory_space<vmem>>) dst(%dma_wait3A_413 : memref<80x128xf32, #tpu.memory_space<vmem_shared>>)
    %dma_wait3A_418 = arith.constant 2 : i32
    %dma_wait3A_419 = arith.constant 0 : i32
    %dma_wait3A_420 = arith.constant 0 : i32
    %dma_wait3A_421 = tpu.memref_slice %arg10[%dma_wait3A_418, %dma_wait3A_419, %dma_wait3A_420] : memref<3x80x128xf32, #tpu.memory_space<vmem>> -> memref<1x80x128xf32, #tpu.memory_space<vmem>>
    %dma_wait3A_422 = tpu.memref_squeeze %dma_wait3A_421 : memref<1x80x128xf32, #tpu.memory_space<vmem>> -> memref<80x128xf32, #tpu.memory_space<vmem>>
    %dma_wait3A_423 = arith.constant 0 : i32
    %dma_wait3A_424 = arith.constant 0 : i32
    %dma_wait3A_425 = tpu.memref_slice %arg12[%dma_wait3A_423, %dma_wait3A_424] : memref<10000x128xf32, #tpu.memory_space<vmem_shared>> -> memref<80x128xf32, #tpu.memory_space<vmem_shared>>
    %dma_wait3A_426 = arith.constant 0 : i32
    %dma_wait3A_427 = arith.constant 0 : i32
    %dma_wait3A_428 = tpu.memref_slice %arg12[%dma_wait3A_426, %dma_wait3A_427] : memref<10000x128xf32, #tpu.memory_space<vmem_shared>> -> memref<80x128xf32, #tpu.memory_space<vmem_shared>>
    %dma_wait3A_429 = arith.constant 0 : i32
    %dma_wait3A_430 = arith.constant 0 : i32
    %dma_wait3A_431 = tpu.memref_slice %arg10[%dma_wait3A_418, %dma_wait3A_429, %dma_wait3A_430] : memref<3x80x128xf32, #tpu.memory_space<vmem>> -> memref<1x80x128xf32, #tpu.memory_space<vmem>>
    %dma_wait3A_432 = tpu.memref_squeeze %dma_wait3A_431 : memref<1x80x128xf32, #tpu.memory_space<vmem>> -> memref<80x128xf32, #tpu.memory_space<vmem>>
    tpu.wait_dma2 semaphore(%arg15 : memref<!tpu.dma_semaphore, #tpu.memory_space<semaphore_mem>>) src(%dma_wait3A_432 : memref<80x128xf32, #tpu.memory_space<vmem>>) dst(%dma_wait3A_428 : memref<80x128xf32, #tpu.memory_space<vmem_shared>>)
    %dma_wait3A_433 = arith.constant 2 : i32
    %dma_wait3A_434 = arith.constant 0 : i32
    %dma_wait3A_435 = arith.constant 0 : i32
    %dma_wait3A_436 = tpu.memref_slice %arg10[%dma_wait3A_433, %dma_wait3A_434, %dma_wait3A_435] : memref<3x80x128xf32, #tpu.memory_space<vmem>> -> memref<1x80x128xf32, #tpu.memory_space<vmem>>
    %dma_wait3A_437 = tpu.memref_squeeze %dma_wait3A_436 : memref<1x80x128xf32, #tpu.memory_space<vmem>> -> memref<80x128xf32, #tpu.memory_space<vmem>>
    %dma_wait3A_438 = arith.constant 0 : i32
    %dma_wait3A_439 = arith.constant 0 : i32
    %dma_wait3A_440 = tpu.memref_slice %arg12[%dma_wait3A_438, %dma_wait3A_439] : memref<10000x128xf32, #tpu.memory_space<vmem_shared>> -> memref<80x128xf32, #tpu.memory_space<vmem_shared>>
    %dma_wait3A_441 = arith.constant 0 : i32
    %dma_wait3A_442 = arith.constant 0 : i32
    %dma_wait3A_443 = tpu.memref_slice %arg12[%dma_wait3A_441, %dma_wait3A_442] : memref<10000x128xf32, #tpu.memory_space<vmem_shared>> -> memref<80x128xf32, #tpu.memory_space<vmem_shared>>
    %dma_wait3A_444 = arith.constant 0 : i32
    %dma_wait3A_445 = arith.constant 0 : i32
    %dma_wait3A_446 = tpu.memref_slice %arg10[%dma_wait3A_433, %dma_wait3A_444, %dma_wait3A_445] : memref<3x80x128xf32, #tpu.memory_space<vmem>> -> memref<1x80x128xf32, #tpu.memory_space<vmem>>
    %dma_wait3A_447 = tpu.memref_squeeze %dma_wait3A_446 : memref<1x80x128xf32, #tpu.memory_space<vmem>> -> memref<80x128xf32, #tpu.memory_space<vmem>>
    tpu.wait_dma2 semaphore(%arg15 : memref<!tpu.dma_semaphore, #tpu.memory_space<semaphore_mem>>) src(%dma_wait3A_447 : memref<80x128xf32, #tpu.memory_space<vmem>>) dst(%dma_wait3A_443 : memref<80x128xf32, #tpu.memory_space<vmem_shared>>)
    %dma_wait3A_448 = arith.constant 2 : i32
    %dma_wait3A_449 = arith.constant 0 : i32
    %dma_wait3A_450 = arith.constant 0 : i32
    %dma_wait3A_451 = tpu.memref_slice %arg10[%dma_wait3A_448, %dma_wait3A_449, %dma_wait3A_450] : memref<3x80x128xf32, #tpu.memory_space<vmem>> -> memref<1x80x128xf32, #tpu.memory_space<vmem>>
    %dma_wait3A_452 = tpu.memref_squeeze %dma_wait3A_451 : memref<1x80x128xf32, #tpu.memory_space<vmem>> -> memref<80x128xf32, #tpu.memory_space<vmem>>
    %dma_wait3A_453 = arith.constant 0 : i32
    %dma_wait3A_454 = arith.constant 0 : i32
    %dma_wait3A_455 = tpu.memref_slice %arg12[%dma_wait3A_453, %dma_wait3A_454] : memref<10000x128xf32, #tpu.memory_space<vmem_shared>> -> memref<80x128xf32, #tpu.memory_space<vmem_shared>>
    %dma_wait3A_456 = arith.constant 0 : i32
    %dma_wait3A_457 = arith.constant 0 : i32
    %dma_wait3A_458 = tpu.memref_slice %arg12[%dma_wait3A_456, %dma_wait3A_457] : memref<10000x128xf32, #tpu.memory_space<vmem_shared>> -> memref<80x128xf32, #tpu.memory_space<vmem_shared>>
    %dma_wait3A_459 = arith.constant 0 : i32
    %dma_wait3A_460 = arith.constant 0 : i32
    %dma_wait3A_461 = tpu.memref_slice %arg10[%dma_wait3A_448, %dma_wait3A_459, %dma_wait3A_460] : memref<3x80x128xf32, #tpu.memory_space<vmem>> -> memref<1x80x128xf32, #tpu.memory_space<vmem>>
    %dma_wait3A_462 = tpu.memref_squeeze %dma_wait3A_461 : memref<1x80x128xf32, #tpu.memory_space<vmem>> -> memref<80x128xf32, #tpu.memory_space<vmem>>
    tpu.wait_dma2 semaphore(%arg15 : memref<!tpu.dma_semaphore, #tpu.memory_space<semaphore_mem>>) src(%dma_wait3A_462 : memref<80x128xf32, #tpu.memory_space<vmem>>) dst(%dma_wait3A_458 : memref<80x128xf32, #tpu.memory_space<vmem_shared>>)
    %dma_wait3A_463 = arith.constant 2 : i32
    %dma_wait3A_464 = arith.constant 0 : i32
    %dma_wait3A_465 = arith.constant 0 : i32
    %dma_wait3A_466 = tpu.memref_slice %arg10[%dma_wait3A_463, %dma_wait3A_464, %dma_wait3A_465] : memref<3x80x128xf32, #tpu.memory_space<vmem>> -> memref<1x80x128xf32, #tpu.memory_space<vmem>>
    %dma_wait3A_467 = tpu.memref_squeeze %dma_wait3A_466 : memref<1x80x128xf32, #tpu.memory_space<vmem>> -> memref<80x128xf32, #tpu.memory_space<vmem>>
    %dma_wait3A_468 = arith.constant 0 : i32
    %dma_wait3A_469 = arith.constant 0 : i32
    %dma_wait3A_470 = tpu.memref_slice %arg12[%dma_wait3A_468, %dma_wait3A_469] : memref<10000x128xf32, #tpu.memory_space<vmem_shared>> -> memref<80x128xf32, #tpu.memory_space<vmem_shared>>
    %dma_wait3A_471 = arith.constant 0 : i32
    %dma_wait3A_472 = arith.constant 0 : i32
    %dma_wait3A_473 = tpu.memref_slice %arg12[%dma_wait3A_471, %dma_wait3A_472] : memref<10000x128xf32, #tpu.memory_space<vmem_shared>> -> memref<80x128xf32, #tpu.memory_space<vmem_shared>>
    %dma_wait3A_474 = arith.constant 0 : i32
    %dma_wait3A_475 = arith.constant 0 : i32
    %dma_wait3A_476 = tpu.memref_slice %arg10[%dma_wait3A_463, %dma_wait3A_474, %dma_wait3A_475] : memref<3x80x128xf32, #tpu.memory_space<vmem>> -> memref<1x80x128xf32, #tpu.memory_space<vmem>>
    %dma_wait3A_477 = tpu.memref_squeeze %dma_wait3A_476 : memref<1x80x128xf32, #tpu.memory_space<vmem>> -> memref<80x128xf32, #tpu.memory_space<vmem>>
    tpu.wait_dma2 semaphore(%arg15 : memref<!tpu.dma_semaphore, #tpu.memory_space<semaphore_mem>>) src(%dma_wait3A_477 : memref<80x128xf32, #tpu.memory_space<vmem>>) dst(%dma_wait3A_473 : memref<80x128xf32, #tpu.memory_space<vmem_shared>>)
    %dma_wait3A_478 = arith.constant 2 : i32
    %dma_wait3A_479 = arith.constant 0 : i32
    %dma_wait3A_480 = arith.constant 0 : i32
    %dma_wait3A_481 = tpu.memref_slice %arg10[%dma_wait3A_478, %dma_wait3A_479, %dma_wait3A_480] : memref<3x80x128xf32, #tpu.memory_space<vmem>> -> memref<1x80x128xf32, #tpu.memory_space<vmem>>
    %dma_wait3A_482 = tpu.memref_squeeze %dma_wait3A_481 : memref<1x80x128xf32, #tpu.memory_space<vmem>> -> memref<80x128xf32, #tpu.memory_space<vmem>>
    %dma_wait3A_483 = arith.constant 0 : i32
    %dma_wait3A_484 = arith.constant 0 : i32
    %dma_wait3A_485 = tpu.memref_slice %arg12[%dma_wait3A_483, %dma_wait3A_484] : memref<10000x128xf32, #tpu.memory_space<vmem_shared>> -> memref<80x128xf32, #tpu.memory_space<vmem_shared>>
    %dma_wait3A_486 = arith.constant 0 : i32
    %dma_wait3A_487 = arith.constant 0 : i32
    %dma_wait3A_488 = tpu.memref_slice %arg12[%dma_wait3A_486, %dma_wait3A_487] : memref<10000x128xf32, #tpu.memory_space<vmem_shared>> -> memref<80x128xf32, #tpu.memory_space<vmem_shared>>
    %dma_wait3A_489 = arith.constant 0 : i32
    %dma_wait3A_490 = arith.constant 0 : i32
    %dma_wait3A_491 = tpu.memref_slice %arg10[%dma_wait3A_478, %dma_wait3A_489, %dma_wait3A_490] : memref<3x80x128xf32, #tpu.memory_space<vmem>> -> memref<1x80x128xf32, #tpu.memory_space<vmem>>
    %dma_wait3A_492 = tpu.memref_squeeze %dma_wait3A_491 : memref<1x80x128xf32, #tpu.memory_space<vmem>> -> memref<80x128xf32, #tpu.memory_space<vmem>>
    tpu.wait_dma2 semaphore(%arg15 : memref<!tpu.dma_semaphore, #tpu.memory_space<semaphore_mem>>) src(%dma_wait3A_492 : memref<80x128xf32, #tpu.memory_space<vmem>>) dst(%dma_wait3A_488 : memref<80x128xf32, #tpu.memory_space<vmem_shared>>)
    %dma_wait3A_493 = arith.constant 2 : i32
    %dma_wait3A_494 = arith.constant 0 : i32
    %dma_wait3A_495 = arith.constant 0 : i32
    %dma_wait3A_496 = tpu.memref_slice %arg10[%dma_wait3A_493, %dma_wait3A_494, %dma_wait3A_495] : memref<3x80x128xf32, #tpu.memory_space<vmem>> -> memref<1x80x128xf32, #tpu.memory_space<vmem>>
    %dma_wait3A_497 = tpu.memref_squeeze %dma_wait3A_496 : memref<1x80x128xf32, #tpu.memory_space<vmem>> -> memref<80x128xf32, #tpu.memory_space<vmem>>
    %dma_wait3A_498 = arith.constant 0 : i32
    %dma_wait3A_499 = arith.constant 0 : i32
    %dma_wait3A_500 = tpu.memref_slice %arg12[%dma_wait3A_498, %dma_wait3A_499] : memref<10000x128xf32, #tpu.memory_space<vmem_shared>> -> memref<80x128xf32, #tpu.memory_space<vmem_shared>>
    %dma_wait3A_501 = arith.constant 0 : i32
    %dma_wait3A_502 = arith.constant 0 : i32
    %dma_wait3A_503 = tpu.memref_slice %arg12[%dma_wait3A_501, %dma_wait3A_502] : memref<10000x128xf32, #tpu.memory_space<vmem_shared>> -> memref<80x128xf32, #tpu.memory_space<vmem_shared>>
    %dma_wait3A_504 = arith.constant 0 : i32
    %dma_wait3A_505 = arith.constant 0 : i32
    %dma_wait3A_506 = tpu.memref_slice %arg10[%dma_wait3A_493, %dma_wait3A_504, %dma_wait3A_505] : memref<3x80x128xf32, #tpu.memory_space<vmem>> -> memref<1x80x128xf32, #tpu.memory_space<vmem>>
    %dma_wait3A_507 = tpu.memref_squeeze %dma_wait3A_506 : memref<1x80x128xf32, #tpu.memory_space<vmem>> -> memref<80x128xf32, #tpu.memory_space<vmem>>
    tpu.wait_dma2 semaphore(%arg15 : memref<!tpu.dma_semaphore, #tpu.memory_space<semaphore_mem>>) src(%dma_wait3A_507 : memref<80x128xf32, #tpu.memory_space<vmem>>) dst(%dma_wait3A_503 : memref<80x128xf32, #tpu.memory_space<vmem_shared>>)
    %dma_wait3A_508 = arith.constant 2 : i32
    %dma_wait3A_509 = arith.constant 0 : i32
    %dma_wait3A_510 = arith.constant 0 : i32
    %dma_wait3A_511 = tpu.memref_slice %arg10[%dma_wait3A_508, %dma_wait3A_509, %dma_wait3A_510] : memref<3x80x128xf32, #tpu.memory_space<vmem>> -> memref<1x80x128xf32, #tpu.memory_space<vmem>>
    %dma_wait3A_512 = tpu.memref_squeeze %dma_wait3A_511 : memref<1x80x128xf32, #tpu.memory_space<vmem>> -> memref<80x128xf32, #tpu.memory_space<vmem>>
    %dma_wait3A_513 = arith.constant 0 : i32
    %dma_wait3A_514 = arith.constant 0 : i32
    %dma_wait3A_515 = tpu.memref_slice %dma_wait3A_512[%dma_wait3A_513, %dma_wait3A_514] : memref<80x128xf32, #tpu.memory_space<vmem>> -> memref<64x128xf32, #tpu.memory_space<vmem>>
    %dma_wait3A_516 = arith.constant 0 : i32
    %dma_wait3A_517 = arith.constant 0 : i32
    %dma_wait3A_518 = tpu.memref_slice %arg12[%dma_wait3A_516, %dma_wait3A_517] : memref<10000x128xf32, #tpu.memory_space<vmem_shared>> -> memref<64x128xf32, #tpu.memory_space<vmem_shared>>
    %dma_wait3A_519 = arith.constant 0 : i32
    %dma_wait3A_520 = arith.constant 0 : i32
    %dma_wait3A_521 = tpu.memref_slice %arg12[%dma_wait3A_519, %dma_wait3A_520] : memref<10000x128xf32, #tpu.memory_space<vmem_shared>> -> memref<64x128xf32, #tpu.memory_space<vmem_shared>>
    %dma_wait3A_522 = arith.constant 0 : i32
    %dma_wait3A_523 = arith.constant 0 : i32
    %dma_wait3A_524 = tpu.memref_slice %arg10[%dma_wait3A_508, %dma_wait3A_522, %dma_wait3A_523] : memref<3x80x128xf32, #tpu.memory_space<vmem>> -> memref<1x80x128xf32, #tpu.memory_space<vmem>>
    %dma_wait3A_525 = tpu.memref_squeeze %dma_wait3A_524 : memref<1x80x128xf32, #tpu.memory_space<vmem>> -> memref<80x128xf32, #tpu.memory_space<vmem>>
    %dma_wait3A_526 = arith.constant 0 : i32
    %dma_wait3A_527 = arith.constant 0 : i32
    %dma_wait3A_528 = tpu.memref_slice %dma_wait3A_525[%dma_wait3A_526, %dma_wait3A_527] : memref<80x128xf32, #tpu.memory_space<vmem>> -> memref<64x128xf32, #tpu.memory_space<vmem>>
    tpu.wait_dma2 semaphore(%arg15 : memref<!tpu.dma_semaphore, #tpu.memory_space<semaphore_mem>>) src(%dma_wait3A_528 : memref<64x128xf32, #tpu.memory_space<vmem>>) dst(%dma_wait3A_521 : memref<64x128xf32, #tpu.memory_space<vmem_shared>>)
    %eq3A_529 = arith.constant 15 : i32
    %eq3A_530 = arith.cmpi eq, %arg1, %eq3A_529 : i32
    %convert_element_type3A_531 = arith.extui %eq3A_530 : i1 to i32
    %cond3A_532 = arith.constant 2 : i32
    %cond3A_533 = arith.constant 0 : i32
    %cond3A_534 = arith.cmpi ne, %convert_element_type3A_531, %cond3A_533 : i32
    scf.if %cond3A_534 {
      %dma_wait3A_1238 = arith.constant 0 : i32
      %dma_wait3A_1239 = arith.constant 0 : i32
      %dma_wait3A_1240 = tpu.memref_slice %arg10[%cond3A_532, %dma_wait3A_1238, %dma_wait3A_1239] : memref<3x80x128xf32, #tpu.memory_space<vmem>> -> memref<1x80x128xf32, #tpu.memory_space<vmem>>
      %dma_wait3A_1241 = tpu.memref_squeeze %dma_wait3A_1240 : memref<1x80x128xf32, #tpu.memory_space<vmem>> -> memref<80x128xf32, #tpu.memory_space<vmem>>
      %dma_wait3A_1242 = arith.constant 0 : i32
      %dma_wait3A_1243 = arith.constant 0 : i32
      %dma_wait3A_1244 = tpu.memref_slice %dma_wait3A_1241[%dma_wait3A_1242, %dma_wait3A_1243] : memref<80x128xf32, #tpu.memory_space<vmem>> -> memref<16x128xf32, #tpu.memory_space<vmem>>
      %dma_wait3A_1245 = arith.constant 0 : i32
      %dma_wait3A_1246 = arith.constant 0 : i32
      %dma_wait3A_1247 = tpu.memref_slice %arg12[%dma_wait3A_1245, %dma_wait3A_1246] : memref<10000x128xf32, #tpu.memory_space<vmem_shared>> -> memref<16x128xf32, #tpu.memory_space<vmem_shared>>
      %dma_wait3A_1248 = arith.constant 0 : i32
      %dma_wait3A_1249 = arith.constant 0 : i32
      %dma_wait3A_1250 = tpu.memref_slice %arg12[%dma_wait3A_1248, %dma_wait3A_1249] : memref<10000x128xf32, #tpu.memory_space<vmem_shared>> -> memref<16x128xf32, #tpu.memory_space<vmem_shared>>
      %dma_wait3A_1251 = arith.constant 0 : i32
      %dma_wait3A_1252 = arith.constant 0 : i32
      %dma_wait3A_1253 = tpu.memref_slice %arg10[%cond3A_532, %dma_wait3A_1251, %dma_wait3A_1252] : memref<3x80x128xf32, #tpu.memory_space<vmem>> -> memref<1x80x128xf32, #tpu.memory_space<vmem>>
      %dma_wait3A_1254 = tpu.memref_squeeze %dma_wait3A_1253 : memref<1x80x128xf32, #tpu.memory_space<vmem>> -> memref<80x128xf32, #tpu.memory_space<vmem>>
      %dma_wait3A_1255 = arith.constant 0 : i32
      %dma_wait3A_1256 = arith.constant 0 : i32
      %dma_wait3A_1257 = tpu.memref_slice %dma_wait3A_1254[%dma_wait3A_1255, %dma_wait3A_1256] : memref<80x128xf32, #tpu.memory_space<vmem>> -> memref<16x128xf32, #tpu.memory_space<vmem>>
      tpu.wait_dma2 semaphore(%arg15 : memref<!tpu.dma_semaphore, #tpu.memory_space<semaphore_mem>>) src(%dma_wait3A_1257 : memref<16x128xf32, #tpu.memory_space<vmem>>) dst(%dma_wait3A_1250 : memref<16x128xf32, #tpu.memory_space<vmem_shared>>)
    } else {
    }
    %barrier3A = arith.constant 0 : index
    tpu.barrier barrier_id(%barrier3A)
    %scan3A_535 = arith.constant 0 : i32
    %scan3A_536 = arith.constant 0 : i32
    %scan3A_537 = arith.constant 0 : i32
    %scan3A_538 = arith.constant 0 : i32
    %scan3A_539 = arith.constant 25 : i32
    %scan3A_540 = arith.addi %scan3A_538, %scan3A_539 : i32
    %scan3A_541 = arith.constant 1 : i32
    scf.for %scan3A_1238 = %scan3A_538 to %scan3A_540 step %scan3A_541  : i32 {
      %rem3A = arith.constant 3 : i32
      %rem3A_1239 = arith.remsi %scan3A_1238, %rem3A : i32
      %dma_wait3A_1240 = arith.constant 0 : i32
      %dma_wait3A_1241 = arith.constant 0 : i32
      %dma_wait3A_1242 = tpu.memref_slice %arg10[%rem3A_1239, %dma_wait3A_1240, %dma_wait3A_1241] : memref<3x80x128xf32, #tpu.memory_space<vmem>> -> memref<1x80x128xf32, #tpu.memory_space<vmem>>
      %dma_wait3A_1243 = tpu.memref_squeeze %dma_wait3A_1242 : memref<1x80x128xf32, #tpu.memory_space<vmem>> -> memref<80x128xf32, #tpu.memory_space<vmem>>
      %dma_wait3A_1244 = arith.constant 0 : i32
      %dma_wait3A_1245 = arith.constant 0 : i32
      %dma_wait3A_1246 = tpu.memref_slice %arg8[%scan3A_536, %dma_wait3A_1244, %dma_wait3A_1245] : memref<2x25x80xi32, #tpu.memory_space<vmem>> -> memref<1x25x80xi32, #tpu.memory_space<vmem>>
      %dma_wait3A_1247 = tpu.memref_squeeze %dma_wait3A_1246 : memref<1x25x80xi32, #tpu.memory_space<vmem>> -> memref<25x80xi32, #tpu.memory_space<vmem>>
      %dma_wait3A_1248 = arith.constant 0 : i32
      %dma_wait3A_1249 = tpu.memref_slice %dma_wait3A_1247[%scan3A_1238, %dma_wait3A_1248] : memref<25x80xi32, #tpu.memory_space<vmem>> -> memref<1x80xi32, #tpu.memory_space<vmem>>
      %dma_wait3A_1250 = tpu.memref_squeeze %dma_wait3A_1249 : memref<1x80xi32, #tpu.memory_space<vmem>> -> memref<80xi32, #tpu.memory_space<vmem>>
      %dma_wait3A_1251 = arith.constant 0 : i32
      %dma_wait3A_1252 = arith.constant 0 : i32
      %dma_wait3A_1253 = tpu.memref_slice %arg2[%dma_wait3A_1251, %dma_wait3A_1252] : memref<10000x128xf32, #tpu.memory_space<hbm>> -> memref<10000x128xf32, #tpu.memory_space<hbm>>
      tpu.wait_indirect_dma semaphore(%arg14 : memref<!tpu.dma_semaphore, #tpu.memory_space<semaphore_mem>>) src(%dma_wait3A_1253 : memref<10000x128xf32, #tpu.memory_space<hbm>>) dst(%dma_wait3A_1243 : memref<80x128xf32, #tpu.memory_space<vmem>>)
      %dma_start3A_1254 = arith.constant 0 : i32
      %dma_start3A_1255 = arith.constant 0 : i32
      %dma_start3A_1256 = tpu.memref_slice %arg10[%rem3A_1239, %dma_start3A_1254, %dma_start3A_1255] : memref<3x80x128xf32, #tpu.memory_space<vmem>> -> memref<1x80x128xf32, #tpu.memory_space<vmem>>
      %dma_start3A_1257 = tpu.memref_squeeze %dma_start3A_1256 : memref<1x80x128xf32, #tpu.memory_space<vmem>> -> memref<80x128xf32, #tpu.memory_space<vmem>>
      %dma_start3A_1258 = arith.constant 0 : i32
      %dma_start3A_1259 = arith.constant 0 : i32
      %dma_start3A_1260 = tpu.memref_slice %arg9[%scan3A_537, %dma_start3A_1258, %dma_start3A_1259] : memref<2x25x80xi32, #tpu.memory_space<vmem>> -> memref<1x25x80xi32, #tpu.memory_space<vmem>>
      %dma_start3A_1261 = tpu.memref_squeeze %dma_start3A_1260 : memref<1x25x80xi32, #tpu.memory_space<vmem>> -> memref<25x80xi32, #tpu.memory_space<vmem>>
      %dma_start3A_1262 = arith.constant 0 : i32
      %dma_start3A_1263 = tpu.memref_slice %dma_start3A_1261[%scan3A_1238, %dma_start3A_1262] : memref<25x80xi32, #tpu.memory_space<vmem>> -> memref<1x80xi32, #tpu.memory_space<vmem>>
      %dma_start3A_1264 = tpu.memref_squeeze %dma_start3A_1263 : memref<1x80xi32, #tpu.memory_space<vmem>> -> memref<80xi32, #tpu.memory_space<vmem>>
      %dma_start3A_1265 = arith.constant 0 : i32
      %dma_start3A_1266 = arith.constant 0 : i32
      %dma_start3A_1267 = tpu.memref_slice %arg12[%dma_start3A_1265, %dma_start3A_1266] : memref<10000x128xf32, #tpu.memory_space<vmem_shared>> -> memref<10000x128xf32, #tpu.memory_space<vmem_shared>>
      tpu.enqueue_indirect_dma source(%dma_start3A_1257 : memref<80x128xf32, #tpu.memory_space<vmem>>) target(%dma_start3A_1267 : memref<10000x128xf32, #tpu.memory_space<vmem_shared>>) offsets(%dma_start3A_1264 : memref<80xi32, #tpu.memory_space<vmem>>) semaphore(%arg15 : memref<!tpu.dma_semaphore, #tpu.memory_space<semaphore_mem>>) {add = true}
      %dma_start3A_1268 = arith.constant 0 : i32
      %dma_start3A_1269 = tpu.memref_slice %arg11[%dma_start3A_1268] : memref<128xf32, #tpu.memory_space<vmem>> -> memref<80xf32, #tpu.memory_space<vmem>>
      %dma_start3A_1270 = arith.constant 0 : i32
      %dma_start3A_1271 = arith.constant 0 : i32
      %dma_start3A_1272 = tpu.memref_slice %arg9[%scan3A_537, %dma_start3A_1270, %dma_start3A_1271] : memref<2x25x80xi32, #tpu.memory_space<vmem>> -> memref<1x25x80xi32, #tpu.memory_space<vmem>>
      %dma_start3A_1273 = tpu.memref_squeeze %dma_start3A_1272 : memref<1x25x80xi32, #tpu.memory_space<vmem>> -> memref<25x80xi32, #tpu.memory_space<vmem>>
      %dma_start3A_1274 = arith.constant 0 : i32
      %dma_start3A_1275 = tpu.memref_slice %dma_start3A_1273[%scan3A_1238, %dma_start3A_1274] : memref<25x80xi32, #tpu.memory_space<vmem>> -> memref<1x80xi32, #tpu.memory_space<vmem>>
      %dma_start3A_1276 = tpu.memref_squeeze %dma_start3A_1275 : memref<1x80xi32, #tpu.memory_space<vmem>> -> memref<80xi32, #tpu.memory_space<vmem>>
      %dma_start3A_1277 = arith.constant 0 : i32
      %dma_start3A_1278 = tpu.memref_slice %arg13[%dma_start3A_1277] : memref<10000xf32, #tpu.memory_space<vmem_shared>> -> memref<10000xf32, #tpu.memory_space<vmem_shared>>
      tpu.enqueue_indirect_dma source(%dma_start3A_1269 : memref<80xf32, #tpu.memory_space<vmem>>) target(%dma_start3A_1278 : memref<10000xf32, #tpu.memory_space<vmem_shared>>) offsets(%dma_start3A_1276 : memref<80xi32, #tpu.memory_space<vmem>>) semaphore(%arg16 : memref<!tpu.dma_semaphore, #tpu.memory_space<semaphore_mem>>) {add = true}
      %add3A_1279 = arith.constant 3 : i32
      %add3A_1280 = arith.addi %scan3A_1238, %add3A_1279 : i32
      %sub3A = arith.constant 1 : i32
      %sub3A_1281 = arith.subi %add3A_1280, %sub3A : i32
      %rem3A_1282 = arith.constant 3 : i32
      %rem3A_1283 = arith.remsi %sub3A_1281, %rem3A_1282 : i32
      %gt3A = arith.constant 0 : i32
      %gt3A_1284 = arith.cmpi sgt, %scan3A_1238, %gt3A : i32
      %convert_element_type3A_1285 = arith.extui %gt3A_1284 : i1 to i32
      %cond3A_1286 = arith.constant 0 : i32
      %cond3A_1287 = arith.cmpi ne, %convert_element_type3A_1285, %cond3A_1286 : i32
      scf.if %cond3A_1287 {
        %sub3A_1292 = arith.constant 1 : i32
        %sub3A_1293 = arith.subi %scan3A_1238, %sub3A_1292 : i32
        %dma_wait3A_1294 = arith.constant 0 : i32
        %dma_wait3A_1295 = arith.constant 0 : i32
        %dma_wait3A_1296 = tpu.memref_slice %arg10[%rem3A_1283, %dma_wait3A_1294, %dma_wait3A_1295] : memref<3x80x128xf32, #tpu.memory_space<vmem>> -> memref<1x80x128xf32, #tpu.memory_space<vmem>>
        %dma_wait3A_1297 = tpu.memref_squeeze %dma_wait3A_1296 : memref<1x80x128xf32, #tpu.memory_space<vmem>> -> memref<80x128xf32, #tpu.memory_space<vmem>>
        %dma_wait3A_1298 = arith.constant 0 : i32
        %dma_wait3A_1299 = arith.constant 0 : i32
        %dma_wait3A_1300 = tpu.memref_slice %arg9[%scan3A_537, %dma_wait3A_1298, %dma_wait3A_1299] : memref<2x25x80xi32, #tpu.memory_space<vmem>> -> memref<1x25x80xi32, #tpu.memory_space<vmem>>
        %dma_wait3A_1301 = tpu.memref_squeeze %dma_wait3A_1300 : memref<1x25x80xi32, #tpu.memory_space<vmem>> -> memref<25x80xi32, #tpu.memory_space<vmem>>
        %dma_wait3A_1302 = arith.constant 0 : i32
        %dma_wait3A_1303 = tpu.memref_slice %dma_wait3A_1301[%sub3A_1293, %dma_wait3A_1302] : memref<25x80xi32, #tpu.memory_space<vmem>> -> memref<1x80xi32, #tpu.memory_space<vmem>>
        %dma_wait3A_1304 = tpu.memref_squeeze %dma_wait3A_1303 : memref<1x80xi32, #tpu.memory_space<vmem>> -> memref<80xi32, #tpu.memory_space<vmem>>
        %dma_wait3A_1305 = arith.constant 0 : i32
        %dma_wait3A_1306 = arith.constant 0 : i32
        %dma_wait3A_1307 = tpu.memref_slice %arg12[%dma_wait3A_1305, %dma_wait3A_1306] : memref<10000x128xf32, #tpu.memory_space<vmem_shared>> -> memref<10000x128xf32, #tpu.memory_space<vmem_shared>>
        tpu.wait_indirect_dma semaphore(%arg15 : memref<!tpu.dma_semaphore, #tpu.memory_space<semaphore_mem>>) src(%dma_wait3A_1297 : memref<80x128xf32, #tpu.memory_space<vmem>>) dst(%dma_wait3A_1307 : memref<10000x128xf32, #tpu.memory_space<vmem_shared>>)
      } else {
      }
      %lt3A = arith.constant 23 : i32
      %lt3A_1288 = arith.cmpi slt, %scan3A_1238, %lt3A : i32
      %convert_element_type3A_1289 = arith.extui %lt3A_1288 : i1 to i32
      %cond3A_1290 = arith.constant 0 : i32
      %cond3A_1291 = arith.cmpi ne, %convert_element_type3A_1289, %cond3A_1290 : i32
      scf.if %cond3A_1291 {
        %add3A_1292 = arith.constant 3 : i32
        %add3A_1293 = arith.addi %scan3A_1238, %add3A_1292 : i32
        %sub3A_1294 = arith.constant 1 : i32
        %sub3A_1295 = arith.subi %add3A_1293, %sub3A_1294 : i32
        %dma_start3A_1296 = arith.constant 0 : i32
        %dma_start3A_1297 = arith.constant 0 : i32
        %dma_start3A_1298 = tpu.memref_slice %arg10[%rem3A_1283, %dma_start3A_1296, %dma_start3A_1297] : memref<3x80x128xf32, #tpu.memory_space<vmem>> -> memref<1x80x128xf32, #tpu.memory_space<vmem>>
        %dma_start3A_1299 = tpu.memref_squeeze %dma_start3A_1298 : memref<1x80x128xf32, #tpu.memory_space<vmem>> -> memref<80x128xf32, #tpu.memory_space<vmem>>
        %dma_start3A_1300 = arith.constant 0 : i32
        %dma_start3A_1301 = arith.constant 0 : i32
        %dma_start3A_1302 = tpu.memref_slice %arg8[%scan3A_536, %dma_start3A_1300, %dma_start3A_1301] : memref<2x25x80xi32, #tpu.memory_space<vmem>> -> memref<1x25x80xi32, #tpu.memory_space<vmem>>
        %dma_start3A_1303 = tpu.memref_squeeze %dma_start3A_1302 : memref<1x25x80xi32, #tpu.memory_space<vmem>> -> memref<25x80xi32, #tpu.memory_space<vmem>>
        %dma_start3A_1304 = arith.constant 0 : i32
        %dma_start3A_1305 = tpu.memref_slice %dma_start3A_1303[%sub3A_1295, %dma_start3A_1304] : memref<25x80xi32, #tpu.memory_space<vmem>> -> memref<1x80xi32, #tpu.memory_space<vmem>>
        %dma_start3A_1306 = tpu.memref_squeeze %dma_start3A_1305 : memref<1x80xi32, #tpu.memory_space<vmem>> -> memref<80xi32, #tpu.memory_space<vmem>>
        %dma_start3A_1307 = arith.constant 0 : i32
        %dma_start3A_1308 = arith.constant 0 : i32
        %dma_start3A_1309 = tpu.memref_slice %arg2[%dma_start3A_1307, %dma_start3A_1308] : memref<10000x128xf32, #tpu.memory_space<hbm>> -> memref<10000x128xf32, #tpu.memory_space<hbm>>
        tpu.enqueue_indirect_dma source(%dma_start3A_1309 : memref<10000x128xf32, #tpu.memory_space<hbm>>) target(%dma_start3A_1299 : memref<80x128xf32, #tpu.memory_space<vmem>>) offsets(%dma_start3A_1306 : memref<80xi32, #tpu.memory_space<vmem>>) semaphore(%arg14 : memref<!tpu.dma_semaphore, #tpu.memory_space<semaphore_mem>>)
      } else {
      }
    }
    %scan3A_542 = arith.constant 25 : i32
    %dma_wait3A_543 = arith.constant 0 : i32
    %dma_wait3A_544 = arith.constant 0 : i32
    %dma_wait3A_545 = arith.constant 0 : i32
    %dma_wait3A_546 = arith.constant 0 : i32
    %dma_wait3A_547 = arith.constant 0 : i32
    %dma_wait3A_548 = tpu.memref_slice %arg10[%dma_wait3A_543, %dma_wait3A_546, %dma_wait3A_547] : memref<3x80x128xf32, #tpu.memory_space<vmem>> -> memref<1x80x128xf32, #tpu.memory_space<vmem>>
    %dma_wait3A_549 = tpu.memref_squeeze %dma_wait3A_548 : memref<1x80x128xf32, #tpu.memory_space<vmem>> -> memref<80x128xf32, #tpu.memory_space<vmem>>
    %dma_wait3A_550 = arith.constant 0 : i32
    %dma_wait3A_551 = arith.constant 0 : i32
    %dma_wait3A_552 = tpu.memref_slice %arg9[%dma_wait3A_544, %dma_wait3A_550, %dma_wait3A_551] : memref<2x25x80xi32, #tpu.memory_space<vmem>> -> memref<1x25x80xi32, #tpu.memory_space<vmem>>
    %dma_wait3A_553 = tpu.memref_squeeze %dma_wait3A_552 : memref<1x25x80xi32, #tpu.memory_space<vmem>> -> memref<25x80xi32, #tpu.memory_space<vmem>>
    %dma_wait3A_554 = arith.constant 0 : i32
    %dma_wait3A_555 = tpu.memref_slice %dma_wait3A_553[%dma_wait3A_545, %dma_wait3A_554] : memref<25x80xi32, #tpu.memory_space<vmem>> -> memref<1x80xi32, #tpu.memory_space<vmem>>
    %dma_wait3A_556 = tpu.memref_squeeze %dma_wait3A_555 : memref<1x80xi32, #tpu.memory_space<vmem>> -> memref<80xi32, #tpu.memory_space<vmem>>
    %dma_wait3A_557 = arith.constant 0 : i32
    %dma_wait3A_558 = arith.constant 0 : i32
    %dma_wait3A_559 = tpu.memref_slice %arg12[%dma_wait3A_557, %dma_wait3A_558] : memref<10000x128xf32, #tpu.memory_space<vmem_shared>> -> memref<10000x128xf32, #tpu.memory_space<vmem_shared>>
    tpu.wait_indirect_dma semaphore(%arg15 : memref<!tpu.dma_semaphore, #tpu.memory_space<semaphore_mem>>) src(%dma_wait3A_549 : memref<80x128xf32, #tpu.memory_space<vmem>>) dst(%dma_wait3A_559 : memref<10000x128xf32, #tpu.memory_space<vmem_shared>>)
    %dma_wait3A_560 = arith.constant 1 : i32
    %dma_wait3A_561 = arith.constant 1 : i32
    %dma_wait3A_562 = arith.constant 0 : i32
    %dma_wait3A_563 = arith.constant 0 : i32
    %dma_wait3A_564 = tpu.memref_slice %arg8[%dma_wait3A_561, %dma_wait3A_562, %dma_wait3A_563] : memref<2x25x80xi32, #tpu.memory_space<vmem>> -> memref<1x25x80xi32, #tpu.memory_space<vmem>>
    %dma_wait3A_565 = tpu.memref_squeeze %dma_wait3A_564 : memref<1x25x80xi32, #tpu.memory_space<vmem>> -> memref<25x80xi32, #tpu.memory_space<vmem>>
    %dma_wait3A_566 = arith.constant 0 : i32
    %dma_wait3A_567 = arith.constant 0 : i32
    %dma_wait3A_568 = arith.constant 0 : i32
    %dma_wait3A_569 = tpu.memref_slice %arg3[%add3A, %dma_wait3A_566, %dma_wait3A_567, %dma_wait3A_568] : memref<32x5x25x80xi32, #tpu.memory_space<hbm>> -> memref<1x5x25x80xi32, #tpu.memory_space<hbm>>
    %dma_wait3A_570 = tpu.memref_squeeze %dma_wait3A_569 : memref<1x5x25x80xi32, #tpu.memory_space<hbm>> -> memref<5x25x80xi32, #tpu.memory_space<hbm>>
    %dma_wait3A_571 = arith.constant 0 : i32
    %dma_wait3A_572 = arith.constant 0 : i32
    %dma_wait3A_573 = tpu.memref_slice %dma_wait3A_570[%dma_wait3A_560, %dma_wait3A_571, %dma_wait3A_572] : memref<5x25x80xi32, #tpu.memory_space<hbm>> -> memref<1x25x80xi32, #tpu.memory_space<hbm>>
    %dma_wait3A_574 = tpu.memref_squeeze %dma_wait3A_573 : memref<1x25x80xi32, #tpu.memory_space<hbm>> -> memref<25x80xi32, #tpu.memory_space<hbm>>
    %dma_wait3A_575 = arith.constant 0 : i32
    %dma_wait3A_576 = arith.constant 0 : i32
    %dma_wait3A_577 = tpu.memref_slice %arg8[%dma_wait3A_561, %dma_wait3A_575, %dma_wait3A_576] : memref<2x25x80xi32, #tpu.memory_space<vmem>> -> memref<1x25x80xi32, #tpu.memory_space<vmem>>
    %dma_wait3A_578 = tpu.memref_squeeze %dma_wait3A_577 : memref<1x25x80xi32, #tpu.memory_space<vmem>> -> memref<25x80xi32, #tpu.memory_space<vmem>>
    %dma_wait3A_579 = arith.constant 0 : i32
    %dma_wait3A_580 = arith.constant 0 : i32
    %dma_wait3A_581 = arith.constant 0 : i32
    %dma_wait3A_582 = tpu.memref_slice %arg3[%add3A, %dma_wait3A_579, %dma_wait3A_580, %dma_wait3A_581] : memref<32x5x25x80xi32, #tpu.memory_space<hbm>> -> memref<1x5x25x80xi32, #tpu.memory_space<hbm>>
    %dma_wait3A_583 = tpu.memref_squeeze %dma_wait3A_582 : memref<1x5x25x80xi32, #tpu.memory_space<hbm>> -> memref<5x25x80xi32, #tpu.memory_space<hbm>>
    %dma_wait3A_584 = arith.constant 0 : i32
    %dma_wait3A_585 = arith.constant 0 : i32
    %dma_wait3A_586 = tpu.memref_slice %dma_wait3A_583[%dma_wait3A_560, %dma_wait3A_584, %dma_wait3A_585] : memref<5x25x80xi32, #tpu.memory_space<hbm>> -> memref<1x25x80xi32, #tpu.memory_space<hbm>>
    %dma_wait3A_587 = tpu.memref_squeeze %dma_wait3A_586 : memref<1x25x80xi32, #tpu.memory_space<hbm>> -> memref<25x80xi32, #tpu.memory_space<hbm>>
    tpu.wait_dma2 semaphore(%arg17 : memref<!tpu.dma_semaphore, #tpu.memory_space<semaphore_mem>>) src(%dma_wait3A_587 : memref<25x80xi32, #tpu.memory_space<hbm>>) dst(%dma_wait3A_578 : memref<25x80xi32, #tpu.memory_space<vmem>>)
    %dma_wait3A_588 = arith.constant 1 : i32
    %dma_wait3A_589 = arith.constant 1 : i32
    %dma_wait3A_590 = arith.constant 0 : i32
    %dma_wait3A_591 = arith.constant 0 : i32
    %dma_wait3A_592 = tpu.memref_slice %arg9[%dma_wait3A_589, %dma_wait3A_590, %dma_wait3A_591] : memref<2x25x80xi32, #tpu.memory_space<vmem>> -> memref<1x25x80xi32, #tpu.memory_space<vmem>>
    %dma_wait3A_593 = tpu.memref_squeeze %dma_wait3A_592 : memref<1x25x80xi32, #tpu.memory_space<vmem>> -> memref<25x80xi32, #tpu.memory_space<vmem>>
    %dma_wait3A_594 = arith.constant 0 : i32
    %dma_wait3A_595 = arith.constant 0 : i32
    %dma_wait3A_596 = arith.constant 0 : i32
    %dma_wait3A_597 = tpu.memref_slice %arg4[%add3A, %dma_wait3A_594, %dma_wait3A_595, %dma_wait3A_596] : memref<32x5x25x80xi32, #tpu.memory_space<hbm>> -> memref<1x5x25x80xi32, #tpu.memory_space<hbm>>
    %dma_wait3A_598 = tpu.memref_squeeze %dma_wait3A_597 : memref<1x5x25x80xi32, #tpu.memory_space<hbm>> -> memref<5x25x80xi32, #tpu.memory_space<hbm>>
    %dma_wait3A_599 = arith.constant 0 : i32
    %dma_wait3A_600 = arith.constant 0 : i32
    %dma_wait3A_601 = tpu.memref_slice %dma_wait3A_598[%dma_wait3A_588, %dma_wait3A_599, %dma_wait3A_600] : memref<5x25x80xi32, #tpu.memory_space<hbm>> -> memref<1x25x80xi32, #tpu.memory_space<hbm>>
    %dma_wait3A_602 = tpu.memref_squeeze %dma_wait3A_601 : memref<1x25x80xi32, #tpu.memory_space<hbm>> -> memref<25x80xi32, #tpu.memory_space<hbm>>
    %dma_wait3A_603 = arith.constant 0 : i32
    %dma_wait3A_604 = arith.constant 0 : i32
    %dma_wait3A_605 = tpu.memref_slice %arg9[%dma_wait3A_589, %dma_wait3A_603, %dma_wait3A_604] : memref<2x25x80xi32, #tpu.memory_space<vmem>> -> memref<1x25x80xi32, #tpu.memory_space<vmem>>
    %dma_wait3A_606 = tpu.memref_squeeze %dma_wait3A_605 : memref<1x25x80xi32, #tpu.memory_space<vmem>> -> memref<25x80xi32, #tpu.memory_space<vmem>>
    %dma_wait3A_607 = arith.constant 0 : i32
    %dma_wait3A_608 = arith.constant 0 : i32
    %dma_wait3A_609 = arith.constant 0 : i32
    %dma_wait3A_610 = tpu.memref_slice %arg4[%add3A, %dma_wait3A_607, %dma_wait3A_608, %dma_wait3A_609] : memref<32x5x25x80xi32, #tpu.memory_space<hbm>> -> memref<1x5x25x80xi32, #tpu.memory_space<hbm>>
    %dma_wait3A_611 = tpu.memref_squeeze %dma_wait3A_610 : memref<1x5x25x80xi32, #tpu.memory_space<hbm>> -> memref<5x25x80xi32, #tpu.memory_space<hbm>>
    %dma_wait3A_612 = arith.constant 0 : i32
    %dma_wait3A_613 = arith.constant 0 : i32
    %dma_wait3A_614 = tpu.memref_slice %dma_wait3A_611[%dma_wait3A_588, %dma_wait3A_612, %dma_wait3A_613] : memref<5x25x80xi32, #tpu.memory_space<hbm>> -> memref<1x25x80xi32, #tpu.memory_space<hbm>>
    %dma_wait3A_615 = tpu.memref_squeeze %dma_wait3A_614 : memref<1x25x80xi32, #tpu.memory_space<hbm>> -> memref<25x80xi32, #tpu.memory_space<hbm>>
    tpu.wait_dma2 semaphore(%arg17 : memref<!tpu.dma_semaphore, #tpu.memory_space<semaphore_mem>>) src(%dma_wait3A_615 : memref<25x80xi32, #tpu.memory_space<hbm>>) dst(%dma_wait3A_606 : memref<25x80xi32, #tpu.memory_space<vmem>>)
    %dma_start3A_616 = arith.constant 1 : i32
    %dma_start3A_617 = arith.constant 0 : i32
    %dma_start3A_618 = arith.constant 0 : i32
    %dma_start3A_619 = arith.constant 0 : i32
    %dma_start3A_620 = arith.constant 0 : i32
    %dma_start3A_621 = tpu.memref_slice %arg10[%dma_start3A_618, %dma_start3A_619, %dma_start3A_620] : memref<3x80x128xf32, #tpu.memory_space<vmem>> -> memref<1x80x128xf32, #tpu.memory_space<vmem>>
    %dma_start3A_622 = tpu.memref_squeeze %dma_start3A_621 : memref<1x80x128xf32, #tpu.memory_space<vmem>> -> memref<80x128xf32, #tpu.memory_space<vmem>>
    %dma_start3A_623 = arith.constant 0 : i32
    %dma_start3A_624 = arith.constant 0 : i32
    %dma_start3A_625 = tpu.memref_slice %arg8[%dma_start3A_616, %dma_start3A_623, %dma_start3A_624] : memref<2x25x80xi32, #tpu.memory_space<vmem>> -> memref<1x25x80xi32, #tpu.memory_space<vmem>>
    %dma_start3A_626 = tpu.memref_squeeze %dma_start3A_625 : memref<1x25x80xi32, #tpu.memory_space<vmem>> -> memref<25x80xi32, #tpu.memory_space<vmem>>
    %dma_start3A_627 = arith.constant 0 : i32
    %dma_start3A_628 = tpu.memref_slice %dma_start3A_626[%dma_start3A_617, %dma_start3A_627] : memref<25x80xi32, #tpu.memory_space<vmem>> -> memref<1x80xi32, #tpu.memory_space<vmem>>
    %dma_start3A_629 = tpu.memref_squeeze %dma_start3A_628 : memref<1x80xi32, #tpu.memory_space<vmem>> -> memref<80xi32, #tpu.memory_space<vmem>>
    %dma_start3A_630 = arith.constant 0 : i32
    %dma_start3A_631 = arith.constant 0 : i32
    %dma_start3A_632 = tpu.memref_slice %arg2[%dma_start3A_630, %dma_start3A_631] : memref<10000x128xf32, #tpu.memory_space<hbm>> -> memref<10000x128xf32, #tpu.memory_space<hbm>>
    tpu.enqueue_indirect_dma source(%dma_start3A_632 : memref<10000x128xf32, #tpu.memory_space<hbm>>) target(%dma_start3A_622 : memref<80x128xf32, #tpu.memory_space<vmem>>) offsets(%dma_start3A_629 : memref<80xi32, #tpu.memory_space<vmem>>) semaphore(%arg14 : memref<!tpu.dma_semaphore, #tpu.memory_space<semaphore_mem>>)
    %dma_start3A_633 = arith.constant 1 : i32
    %dma_start3A_634 = arith.constant 1 : i32
    %dma_start3A_635 = arith.constant 1 : i32
    %dma_start3A_636 = arith.constant 0 : i32
    %dma_start3A_637 = arith.constant 0 : i32
    %dma_start3A_638 = tpu.memref_slice %arg10[%dma_start3A_635, %dma_start3A_636, %dma_start3A_637] : memref<3x80x128xf32, #tpu.memory_space<vmem>> -> memref<1x80x128xf32, #tpu.memory_space<vmem>>
    %dma_start3A_639 = tpu.memref_squeeze %dma_start3A_638 : memref<1x80x128xf32, #tpu.memory_space<vmem>> -> memref<80x128xf32, #tpu.memory_space<vmem>>
    %dma_start3A_640 = arith.constant 0 : i32
    %dma_start3A_641 = arith.constant 0 : i32
    %dma_start3A_642 = tpu.memref_slice %arg8[%dma_start3A_633, %dma_start3A_640, %dma_start3A_641] : memref<2x25x80xi32, #tpu.memory_space<vmem>> -> memref<1x25x80xi32, #tpu.memory_space<vmem>>
    %dma_start3A_643 = tpu.memref_squeeze %dma_start3A_642 : memref<1x25x80xi32, #tpu.memory_space<vmem>> -> memref<25x80xi32, #tpu.memory_space<vmem>>
    %dma_start3A_644 = arith.constant 0 : i32
    %dma_start3A_645 = tpu.memref_slice %dma_start3A_643[%dma_start3A_634, %dma_start3A_644] : memref<25x80xi32, #tpu.memory_space<vmem>> -> memref<1x80xi32, #tpu.memory_space<vmem>>
    %dma_start3A_646 = tpu.memref_squeeze %dma_start3A_645 : memref<1x80xi32, #tpu.memory_space<vmem>> -> memref<80xi32, #tpu.memory_space<vmem>>
    %dma_start3A_647 = arith.constant 0 : i32
    %dma_start3A_648 = arith.constant 0 : i32
    %dma_start3A_649 = tpu.memref_slice %arg2[%dma_start3A_647, %dma_start3A_648] : memref<10000x128xf32, #tpu.memory_space<hbm>> -> memref<10000x128xf32, #tpu.memory_space<hbm>>
    tpu.enqueue_indirect_dma source(%dma_start3A_649 : memref<10000x128xf32, #tpu.memory_space<hbm>>) target(%dma_start3A_639 : memref<80x128xf32, #tpu.memory_space<vmem>>) offsets(%dma_start3A_646 : memref<80xi32, #tpu.memory_space<vmem>>) semaphore(%arg14 : memref<!tpu.dma_semaphore, #tpu.memory_space<semaphore_mem>>)
    %scan3A_650 = arith.constant 0 : i32
    %scan3A_651 = arith.constant 0 : i32
    %scan3A_652 = arith.constant 0 : i32
    %scan3A_653 = arith.constant 25 : i32
    %scan3A_654 = arith.addi %scan3A_652, %scan3A_653 : i32
    %scan3A_655 = arith.constant 1 : i32
    scf.for %scan3A_1238 = %scan3A_652 to %scan3A_654 step %scan3A_655  : i32 {
      %dma_wait3A_1239 = arith.constant 0 : i32
      %dma_wait3A_1240 = arith.constant 0 : i32
      %dma_wait3A_1241 = tpu.memref_slice %arg11[%dma_wait3A_1240] : memref<128xf32, #tpu.memory_space<vmem>> -> memref<80xf32, #tpu.memory_space<vmem>>
      %dma_wait3A_1242 = arith.constant 0 : i32
      %dma_wait3A_1243 = arith.constant 0 : i32
      %dma_wait3A_1244 = tpu.memref_slice %arg9[%scan3A_651, %dma_wait3A_1242, %dma_wait3A_1243] : memref<2x25x80xi32, #tpu.memory_space<vmem>> -> memref<1x25x80xi32, #tpu.memory_space<vmem>>
      %dma_wait3A_1245 = tpu.memref_squeeze %dma_wait3A_1244 : memref<1x25x80xi32, #tpu.memory_space<vmem>> -> memref<25x80xi32, #tpu.memory_space<vmem>>
      %dma_wait3A_1246 = arith.constant 0 : i32
      %dma_wait3A_1247 = tpu.memref_slice %dma_wait3A_1245[%dma_wait3A_1239, %dma_wait3A_1246] : memref<25x80xi32, #tpu.memory_space<vmem>> -> memref<1x80xi32, #tpu.memory_space<vmem>>
      %dma_wait3A_1248 = tpu.memref_squeeze %dma_wait3A_1247 : memref<1x80xi32, #tpu.memory_space<vmem>> -> memref<80xi32, #tpu.memory_space<vmem>>
      %dma_wait3A_1249 = arith.constant 0 : i32
      %dma_wait3A_1250 = tpu.memref_slice %arg13[%dma_wait3A_1249] : memref<10000xf32, #tpu.memory_space<vmem_shared>> -> memref<10000xf32, #tpu.memory_space<vmem_shared>>
      tpu.wait_indirect_dma semaphore(%arg16 : memref<!tpu.dma_semaphore, #tpu.memory_space<semaphore_mem>>) src(%dma_wait3A_1241 : memref<80xf32, #tpu.memory_space<vmem>>) dst(%dma_wait3A_1250 : memref<10000xf32, #tpu.memory_space<vmem_shared>>)
    }
    %scan3A_656 = arith.constant 25 : i32
    %dma_start3A_657 = arith.constant 2 : i32
    %dma_start3A_658 = arith.constant 0 : i32
    %dma_start3A_659 = arith.constant 0 : i32
    %dma_start3A_660 = arith.constant 0 : i32
    %dma_start3A_661 = tpu.memref_slice %arg8[%dma_start3A_658, %dma_start3A_659, %dma_start3A_660] : memref<2x25x80xi32, #tpu.memory_space<vmem>> -> memref<1x25x80xi32, #tpu.memory_space<vmem>>
    %dma_start3A_662 = tpu.memref_squeeze %dma_start3A_661 : memref<1x25x80xi32, #tpu.memory_space<vmem>> -> memref<25x80xi32, #tpu.memory_space<vmem>>
    %dma_start3A_663 = arith.constant 0 : i32
    %dma_start3A_664 = arith.constant 0 : i32
    %dma_start3A_665 = arith.constant 0 : i32
    %dma_start3A_666 = tpu.memref_slice %arg3[%add3A, %dma_start3A_663, %dma_start3A_664, %dma_start3A_665] : memref<32x5x25x80xi32, #tpu.memory_space<hbm>> -> memref<1x5x25x80xi32, #tpu.memory_space<hbm>>
    %dma_start3A_667 = tpu.memref_squeeze %dma_start3A_666 : memref<1x5x25x80xi32, #tpu.memory_space<hbm>> -> memref<5x25x80xi32, #tpu.memory_space<hbm>>
    %dma_start3A_668 = arith.constant 0 : i32
    %dma_start3A_669 = arith.constant 0 : i32
    %dma_start3A_670 = tpu.memref_slice %dma_start3A_667[%dma_start3A_657, %dma_start3A_668, %dma_start3A_669] : memref<5x25x80xi32, #tpu.memory_space<hbm>> -> memref<1x25x80xi32, #tpu.memory_space<hbm>>
    %dma_start3A_671 = tpu.memref_squeeze %dma_start3A_670 : memref<1x25x80xi32, #tpu.memory_space<hbm>> -> memref<25x80xi32, #tpu.memory_space<hbm>>
    %dma_start3A_672 = arith.constant 0 : i32
    %dma_start3A_673 = arith.constant 0 : i32
    %dma_start3A_674 = tpu.memref_slice %arg8[%dma_start3A_658, %dma_start3A_672, %dma_start3A_673] : memref<2x25x80xi32, #tpu.memory_space<vmem>> -> memref<1x25x80xi32, #tpu.memory_space<vmem>>
    %dma_start3A_675 = tpu.memref_squeeze %dma_start3A_674 : memref<1x25x80xi32, #tpu.memory_space<vmem>> -> memref<25x80xi32, #tpu.memory_space<vmem>>
    %dma_start3A_676 = arith.constant 0 : i32
    %dma_start3A_677 = arith.constant 0 : i32
    %dma_start3A_678 = arith.constant 0 : i32
    %dma_start3A_679 = tpu.memref_slice %arg3[%add3A, %dma_start3A_676, %dma_start3A_677, %dma_start3A_678] : memref<32x5x25x80xi32, #tpu.memory_space<hbm>> -> memref<1x5x25x80xi32, #tpu.memory_space<hbm>>
    %dma_start3A_680 = tpu.memref_squeeze %dma_start3A_679 : memref<1x5x25x80xi32, #tpu.memory_space<hbm>> -> memref<5x25x80xi32, #tpu.memory_space<hbm>>
    %dma_start3A_681 = arith.constant 0 : i32
    %dma_start3A_682 = arith.constant 0 : i32
    %dma_start3A_683 = tpu.memref_slice %dma_start3A_680[%dma_start3A_657, %dma_start3A_681, %dma_start3A_682] : memref<5x25x80xi32, #tpu.memory_space<hbm>> -> memref<1x25x80xi32, #tpu.memory_space<hbm>>
    %dma_start3A_684 = tpu.memref_squeeze %dma_start3A_683 : memref<1x25x80xi32, #tpu.memory_space<hbm>> -> memref<25x80xi32, #tpu.memory_space<hbm>>
    tpu.enqueue_dma source(%dma_start3A_684 : memref<25x80xi32, #tpu.memory_space<hbm>>) target(%dma_start3A_675 : memref<25x80xi32, #tpu.memory_space<vmem>>) target_semaphore(%arg17 : memref<!tpu.dma_semaphore, #tpu.memory_space<semaphore_mem>>)
    %dma_start3A_685 = arith.constant 2 : i32
    %dma_start3A_686 = arith.constant 0 : i32
    %dma_start3A_687 = arith.constant 0 : i32
    %dma_start3A_688 = arith.constant 0 : i32
    %dma_start3A_689 = tpu.memref_slice %arg9[%dma_start3A_686, %dma_start3A_687, %dma_start3A_688] : memref<2x25x80xi32, #tpu.memory_space<vmem>> -> memref<1x25x80xi32, #tpu.memory_space<vmem>>
    %dma_start3A_690 = tpu.memref_squeeze %dma_start3A_689 : memref<1x25x80xi32, #tpu.memory_space<vmem>> -> memref<25x80xi32, #tpu.memory_space<vmem>>
    %dma_start3A_691 = arith.constant 0 : i32
    %dma_start3A_692 = arith.constant 0 : i32
    %dma_start3A_693 = arith.constant 0 : i32
    %dma_start3A_694 = tpu.memref_slice %arg4[%add3A, %dma_start3A_691, %dma_start3A_692, %dma_start3A_693] : memref<32x5x25x80xi32, #tpu.memory_space<hbm>> -> memref<1x5x25x80xi32, #tpu.memory_space<hbm>>
    %dma_start3A_695 = tpu.memref_squeeze %dma_start3A_694 : memref<1x5x25x80xi32, #tpu.memory_space<hbm>> -> memref<5x25x80xi32, #tpu.memory_space<hbm>>
    %dma_start3A_696 = arith.constant 0 : i32
    %dma_start3A_697 = arith.constant 0 : i32
    %dma_start3A_698 = tpu.memref_slice %dma_start3A_695[%dma_start3A_685, %dma_start3A_696, %dma_start3A_697] : memref<5x25x80xi32, #tpu.memory_space<hbm>> -> memref<1x25x80xi32, #tpu.memory_space<hbm>>
    %dma_start3A_699 = tpu.memref_squeeze %dma_start3A_698 : memref<1x25x80xi32, #tpu.memory_space<hbm>> -> memref<25x80xi32, #tpu.memory_space<hbm>>
    %dma_start3A_700 = arith.constant 0 : i32
    %dma_start3A_701 = arith.constant 0 : i32
    %dma_start3A_702 = tpu.memref_slice %arg9[%dma_start3A_686, %dma_start3A_700, %dma_start3A_701] : memref<2x25x80xi32, #tpu.memory_space<vmem>> -> memref<1x25x80xi32, #tpu.memory_space<vmem>>
    %dma_start3A_703 = tpu.memref_squeeze %dma_start3A_702 : memref<1x25x80xi32, #tpu.memory_space<vmem>> -> memref<25x80xi32, #tpu.memory_space<vmem>>
    %dma_start3A_704 = arith.constant 0 : i32
    %dma_start3A_705 = arith.constant 0 : i32
    %dma_start3A_706 = arith.constant 0 : i32
    %dma_start3A_707 = tpu.memref_slice %arg4[%add3A, %dma_start3A_704, %dma_start3A_705, %dma_start3A_706] : memref<32x5x25x80xi32, #tpu.memory_space<hbm>> -> memref<1x5x25x80xi32, #tpu.memory_space<hbm>>
    %dma_start3A_708 = tpu.memref_squeeze %dma_start3A_707 : memref<1x5x25x80xi32, #tpu.memory_space<hbm>> -> memref<5x25x80xi32, #tpu.memory_space<hbm>>
    %dma_start3A_709 = arith.constant 0 : i32
    %dma_start3A_710 = arith.constant 0 : i32
    %dma_start3A_711 = tpu.memref_slice %dma_start3A_708[%dma_start3A_685, %dma_start3A_709, %dma_start3A_710] : memref<5x25x80xi32, #tpu.memory_space<hbm>> -> memref<1x25x80xi32, #tpu.memory_space<hbm>>
    %dma_start3A_712 = tpu.memref_squeeze %dma_start3A_711 : memref<1x25x80xi32, #tpu.memory_space<hbm>> -> memref<25x80xi32, #tpu.memory_space<hbm>>
    tpu.enqueue_dma source(%dma_start3A_712 : memref<25x80xi32, #tpu.memory_space<hbm>>) target(%dma_start3A_703 : memref<25x80xi32, #tpu.memory_space<vmem>>) target_semaphore(%arg17 : memref<!tpu.dma_semaphore, #tpu.memory_space<semaphore_mem>>)
    %scan3A_713 = arith.constant 0 : i32
    %scan3A_714 = arith.constant 1 : i32
    %scan3A_715 = arith.constant 1 : i32
    %scan3A_716 = arith.constant 0 : i32
    %scan3A_717 = arith.constant 25 : i32
    %scan3A_718 = arith.addi %scan3A_716, %scan3A_717 : i32
    %scan3A_719 = arith.constant 1 : i32
    scf.for %scan3A_1238 = %scan3A_716 to %scan3A_718 step %scan3A_719  : i32 {
      %rem3A = arith.constant 3 : i32
      %rem3A_1239 = arith.remsi %scan3A_1238, %rem3A : i32
      %dma_wait3A_1240 = arith.constant 0 : i32
      %dma_wait3A_1241 = arith.constant 0 : i32
      %dma_wait3A_1242 = tpu.memref_slice %arg10[%rem3A_1239, %dma_wait3A_1240, %dma_wait3A_1241] : memref<3x80x128xf32, #tpu.memory_space<vmem>> -> memref<1x80x128xf32, #tpu.memory_space<vmem>>
      %dma_wait3A_1243 = tpu.memref_squeeze %dma_wait3A_1242 : memref<1x80x128xf32, #tpu.memory_space<vmem>> -> memref<80x128xf32, #tpu.memory_space<vmem>>
      %dma_wait3A_1244 = arith.constant 0 : i32
      %dma_wait3A_1245 = arith.constant 0 : i32
      %dma_wait3A_1246 = tpu.memref_slice %arg8[%scan3A_714, %dma_wait3A_1244, %dma_wait3A_1245] : memref<2x25x80xi32, #tpu.memory_space<vmem>> -> memref<1x25x80xi32, #tpu.memory_space<vmem>>
      %dma_wait3A_1247 = tpu.memref_squeeze %dma_wait3A_1246 : memref<1x25x80xi32, #tpu.memory_space<vmem>> -> memref<25x80xi32, #tpu.memory_space<vmem>>
      %dma_wait3A_1248 = arith.constant 0 : i32
      %dma_wait3A_1249 = tpu.memref_slice %dma_wait3A_1247[%scan3A_1238, %dma_wait3A_1248] : memref<25x80xi32, #tpu.memory_space<vmem>> -> memref<1x80xi32, #tpu.memory_space<vmem>>
      %dma_wait3A_1250 = tpu.memref_squeeze %dma_wait3A_1249 : memref<1x80xi32, #tpu.memory_space<vmem>> -> memref<80xi32, #tpu.memory_space<vmem>>
      %dma_wait3A_1251 = arith.constant 0 : i32
      %dma_wait3A_1252 = arith.constant 0 : i32
      %dma_wait3A_1253 = tpu.memref_slice %arg2[%dma_wait3A_1251, %dma_wait3A_1252] : memref<10000x128xf32, #tpu.memory_space<hbm>> -> memref<10000x128xf32, #tpu.memory_space<hbm>>
      tpu.wait_indirect_dma semaphore(%arg14 : memref<!tpu.dma_semaphore, #tpu.memory_space<semaphore_mem>>) src(%dma_wait3A_1253 : memref<10000x128xf32, #tpu.memory_space<hbm>>) dst(%dma_wait3A_1243 : memref<80x128xf32, #tpu.memory_space<vmem>>)
      %dma_start3A_1254 = arith.constant 0 : i32
      %dma_start3A_1255 = arith.constant 0 : i32
      %dma_start3A_1256 = tpu.memref_slice %arg10[%rem3A_1239, %dma_start3A_1254, %dma_start3A_1255] : memref<3x80x128xf32, #tpu.memory_space<vmem>> -> memref<1x80x128xf32, #tpu.memory_space<vmem>>
      %dma_start3A_1257 = tpu.memref_squeeze %dma_start3A_1256 : memref<1x80x128xf32, #tpu.memory_space<vmem>> -> memref<80x128xf32, #tpu.memory_space<vmem>>
      %dma_start3A_1258 = arith.constant 0 : i32
      %dma_start3A_1259 = arith.constant 0 : i32
      %dma_start3A_1260 = tpu.memref_slice %arg9[%scan3A_715, %dma_start3A_1258, %dma_start3A_1259] : memref<2x25x80xi32, #tpu.memory_space<vmem>> -> memref<1x25x80xi32, #tpu.memory_space<vmem>>
      %dma_start3A_1261 = tpu.memref_squeeze %dma_start3A_1260 : memref<1x25x80xi32, #tpu.memory_space<vmem>> -> memref<25x80xi32, #tpu.memory_space<vmem>>
      %dma_start3A_1262 = arith.constant 0 : i32
      %dma_start3A_1263 = tpu.memref_slice %dma_start3A_1261[%scan3A_1238, %dma_start3A_1262] : memref<25x80xi32, #tpu.memory_space<vmem>> -> memref<1x80xi32, #tpu.memory_space<vmem>>
      %dma_start3A_1264 = tpu.memref_squeeze %dma_start3A_1263 : memref<1x80xi32, #tpu.memory_space<vmem>> -> memref<80xi32, #tpu.memory_space<vmem>>
      %dma_start3A_1265 = arith.constant 0 : i32
      %dma_start3A_1266 = arith.constant 0 : i32
      %dma_start3A_1267 = tpu.memref_slice %arg12[%dma_start3A_1265, %dma_start3A_1266] : memref<10000x128xf32, #tpu.memory_space<vmem_shared>> -> memref<10000x128xf32, #tpu.memory_space<vmem_shared>>
      tpu.enqueue_indirect_dma source(%dma_start3A_1257 : memref<80x128xf32, #tpu.memory_space<vmem>>) target(%dma_start3A_1267 : memref<10000x128xf32, #tpu.memory_space<vmem_shared>>) offsets(%dma_start3A_1264 : memref<80xi32, #tpu.memory_space<vmem>>) semaphore(%arg15 : memref<!tpu.dma_semaphore, #tpu.memory_space<semaphore_mem>>) {add = true}
      %dma_start3A_1268 = arith.constant 0 : i32
      %dma_start3A_1269 = tpu.memref_slice %arg11[%dma_start3A_1268] : memref<128xf32, #tpu.memory_space<vmem>> -> memref<80xf32, #tpu.memory_space<vmem>>
      %dma_start3A_1270 = arith.constant 0 : i32
      %dma_start3A_1271 = arith.constant 0 : i32
      %dma_start3A_1272 = tpu.memref_slice %arg9[%scan3A_715, %dma_start3A_1270, %dma_start3A_1271] : memref<2x25x80xi32, #tpu.memory_space<vmem>> -> memref<1x25x80xi32, #tpu.memory_space<vmem>>
      %dma_start3A_1273 = tpu.memref_squeeze %dma_start3A_1272 : memref<1x25x80xi32, #tpu.memory_space<vmem>> -> memref<25x80xi32, #tpu.memory_space<vmem>>
      %dma_start3A_1274 = arith.constant 0 : i32
      %dma_start3A_1275 = tpu.memref_slice %dma_start3A_1273[%scan3A_1238, %dma_start3A_1274] : memref<25x80xi32, #tpu.memory_space<vmem>> -> memref<1x80xi32, #tpu.memory_space<vmem>>
      %dma_start3A_1276 = tpu.memref_squeeze %dma_start3A_1275 : memref<1x80xi32, #tpu.memory_space<vmem>> -> memref<80xi32, #tpu.memory_space<vmem>>
      %dma_start3A_1277 = arith.constant 0 : i32
      %dma_start3A_1278 = tpu.memref_slice %arg13[%dma_start3A_1277] : memref<10000xf32, #tpu.memory_space<vmem_shared>> -> memref<10000xf32, #tpu.memory_space<vmem_shared>>
      tpu.enqueue_indirect_dma source(%dma_start3A_1269 : memref<80xf32, #tpu.memory_space<vmem>>) target(%dma_start3A_1278 : memref<10000xf32, #tpu.memory_space<vmem_shared>>) offsets(%dma_start3A_1276 : memref<80xi32, #tpu.memory_space<vmem>>) semaphore(%arg16 : memref<!tpu.dma_semaphore, #tpu.memory_space<semaphore_mem>>) {add = true}
      %add3A_1279 = arith.constant 3 : i32
      %add3A_1280 = arith.addi %scan3A_1238, %add3A_1279 : i32
      %sub3A = arith.constant 1 : i32
      %sub3A_1281 = arith.subi %add3A_1280, %sub3A : i32
      %rem3A_1282 = arith.constant 3 : i32
      %rem3A_1283 = arith.remsi %sub3A_1281, %rem3A_1282 : i32
      %gt3A = arith.constant 0 : i32
      %gt3A_1284 = arith.cmpi sgt, %scan3A_1238, %gt3A : i32
      %convert_element_type3A_1285 = arith.extui %gt3A_1284 : i1 to i32
      %cond3A_1286 = arith.constant 0 : i32
      %cond3A_1287 = arith.cmpi ne, %convert_element_type3A_1285, %cond3A_1286 : i32
      scf.if %cond3A_1287 {
        %sub3A_1292 = arith.constant 1 : i32
        %sub3A_1293 = arith.subi %scan3A_1238, %sub3A_1292 : i32
        %dma_wait3A_1294 = arith.constant 0 : i32
        %dma_wait3A_1295 = arith.constant 0 : i32
        %dma_wait3A_1296 = tpu.memref_slice %arg10[%rem3A_1283, %dma_wait3A_1294, %dma_wait3A_1295] : memref<3x80x128xf32, #tpu.memory_space<vmem>> -> memref<1x80x128xf32, #tpu.memory_space<vmem>>
        %dma_wait3A_1297 = tpu.memref_squeeze %dma_wait3A_1296 : memref<1x80x128xf32, #tpu.memory_space<vmem>> -> memref<80x128xf32, #tpu.memory_space<vmem>>
        %dma_wait3A_1298 = arith.constant 0 : i32
        %dma_wait3A_1299 = arith.constant 0 : i32
        %dma_wait3A_1300 = tpu.memref_slice %arg9[%scan3A_715, %dma_wait3A_1298, %dma_wait3A_1299] : memref<2x25x80xi32, #tpu.memory_space<vmem>> -> memref<1x25x80xi32, #tpu.memory_space<vmem>>
        %dma_wait3A_1301 = tpu.memref_squeeze %dma_wait3A_1300 : memref<1x25x80xi32, #tpu.memory_space<vmem>> -> memref<25x80xi32, #tpu.memory_space<vmem>>
        %dma_wait3A_1302 = arith.constant 0 : i32
        %dma_wait3A_1303 = tpu.memref_slice %dma_wait3A_1301[%sub3A_1293, %dma_wait3A_1302] : memref<25x80xi32, #tpu.memory_space<vmem>> -> memref<1x80xi32, #tpu.memory_space<vmem>>
        %dma_wait3A_1304 = tpu.memref_squeeze %dma_wait3A_1303 : memref<1x80xi32, #tpu.memory_space<vmem>> -> memref<80xi32, #tpu.memory_space<vmem>>
        %dma_wait3A_1305 = arith.constant 0 : i32
        %dma_wait3A_1306 = arith.constant 0 : i32
        %dma_wait3A_1307 = tpu.memref_slice %arg12[%dma_wait3A_1305, %dma_wait3A_1306] : memref<10000x128xf32, #tpu.memory_space<vmem_shared>> -> memref<10000x128xf32, #tpu.memory_space<vmem_shared>>
        tpu.wait_indirect_dma semaphore(%arg15 : memref<!tpu.dma_semaphore, #tpu.memory_space<semaphore_mem>>) src(%dma_wait3A_1297 : memref<80x128xf32, #tpu.memory_space<vmem>>) dst(%dma_wait3A_1307 : memref<10000x128xf32, #tpu.memory_space<vmem_shared>>)
      } else {
      }
      %lt3A = arith.constant 23 : i32
      %lt3A_1288 = arith.cmpi slt, %scan3A_1238, %lt3A : i32
      %convert_element_type3A_1289 = arith.extui %lt3A_1288 : i1 to i32
      %cond3A_1290 = arith.constant 0 : i32
      %cond3A_1291 = arith.cmpi ne, %convert_element_type3A_1289, %cond3A_1290 : i32
      scf.if %cond3A_1291 {
        %add3A_1292 = arith.constant 3 : i32
        %add3A_1293 = arith.addi %scan3A_1238, %add3A_1292 : i32
        %sub3A_1294 = arith.constant 1 : i32
        %sub3A_1295 = arith.subi %add3A_1293, %sub3A_1294 : i32
        %dma_start3A_1296 = arith.constant 0 : i32
        %dma_start3A_1297 = arith.constant 0 : i32
        %dma_start3A_1298 = tpu.memref_slice %arg10[%rem3A_1283, %dma_start3A_1296, %dma_start3A_1297] : memref<3x80x128xf32, #tpu.memory_space<vmem>> -> memref<1x80x128xf32, #tpu.memory_space<vmem>>
        %dma_start3A_1299 = tpu.memref_squeeze %dma_start3A_1298 : memref<1x80x128xf32, #tpu.memory_space<vmem>> -> memref<80x128xf32, #tpu.memory_space<vmem>>
        %dma_start3A_1300 = arith.constant 0 : i32
        %dma_start3A_1301 = arith.constant 0 : i32
        %dma_start3A_1302 = tpu.memref_slice %arg8[%scan3A_714, %dma_start3A_1300, %dma_start3A_1301] : memref<2x25x80xi32, #tpu.memory_space<vmem>> -> memref<1x25x80xi32, #tpu.memory_space<vmem>>
        %dma_start3A_1303 = tpu.memref_squeeze %dma_start3A_1302 : memref<1x25x80xi32, #tpu.memory_space<vmem>> -> memref<25x80xi32, #tpu.memory_space<vmem>>
        %dma_start3A_1304 = arith.constant 0 : i32
        %dma_start3A_1305 = tpu.memref_slice %dma_start3A_1303[%sub3A_1295, %dma_start3A_1304] : memref<25x80xi32, #tpu.memory_space<vmem>> -> memref<1x80xi32, #tpu.memory_space<vmem>>
        %dma_start3A_1306 = tpu.memref_squeeze %dma_start3A_1305 : memref<1x80xi32, #tpu.memory_space<vmem>> -> memref<80xi32, #tpu.memory_space<vmem>>
        %dma_start3A_1307 = arith.constant 0 : i32
        %dma_start3A_1308 = arith.constant 0 : i32
        %dma_start3A_1309 = tpu.memref_slice %arg2[%dma_start3A_1307, %dma_start3A_1308] : memref<10000x128xf32, #tpu.memory_space<hbm>> -> memref<10000x128xf32, #tpu.memory_space<hbm>>
        tpu.enqueue_indirect_dma source(%dma_start3A_1309 : memref<10000x128xf32, #tpu.memory_space<hbm>>) target(%dma_start3A_1299 : memref<80x128xf32, #tpu.memory_space<vmem>>) offsets(%dma_start3A_1306 : memref<80xi32, #tpu.memory_space<vmem>>) semaphore(%arg14 : memref<!tpu.dma_semaphore, #tpu.memory_space<semaphore_mem>>)
      } else {
      }
    }
    %scan3A_720 = arith.constant 25 : i32
    %dma_wait3A_721 = arith.constant 0 : i32
    %dma_wait3A_722 = arith.constant 1 : i32
    %dma_wait3A_723 = arith.constant 0 : i32
    %dma_wait3A_724 = arith.constant 0 : i32
    %dma_wait3A_725 = arith.constant 0 : i32
    %dma_wait3A_726 = tpu.memref_slice %arg10[%dma_wait3A_721, %dma_wait3A_724, %dma_wait3A_725] : memref<3x80x128xf32, #tpu.memory_space<vmem>> -> memref<1x80x128xf32, #tpu.memory_space<vmem>>
    %dma_wait3A_727 = tpu.memref_squeeze %dma_wait3A_726 : memref<1x80x128xf32, #tpu.memory_space<vmem>> -> memref<80x128xf32, #tpu.memory_space<vmem>>
    %dma_wait3A_728 = arith.constant 0 : i32
    %dma_wait3A_729 = arith.constant 0 : i32
    %dma_wait3A_730 = tpu.memref_slice %arg9[%dma_wait3A_722, %dma_wait3A_728, %dma_wait3A_729] : memref<2x25x80xi32, #tpu.memory_space<vmem>> -> memref<1x25x80xi32, #tpu.memory_space<vmem>>
    %dma_wait3A_731 = tpu.memref_squeeze %dma_wait3A_730 : memref<1x25x80xi32, #tpu.memory_space<vmem>> -> memref<25x80xi32, #tpu.memory_space<vmem>>
    %dma_wait3A_732 = arith.constant 0 : i32
    %dma_wait3A_733 = tpu.memref_slice %dma_wait3A_731[%dma_wait3A_723, %dma_wait3A_732] : memref<25x80xi32, #tpu.memory_space<vmem>> -> memref<1x80xi32, #tpu.memory_space<vmem>>
    %dma_wait3A_734 = tpu.memref_squeeze %dma_wait3A_733 : memref<1x80xi32, #tpu.memory_space<vmem>> -> memref<80xi32, #tpu.memory_space<vmem>>
    %dma_wait3A_735 = arith.constant 0 : i32
    %dma_wait3A_736 = arith.constant 0 : i32
    %dma_wait3A_737 = tpu.memref_slice %arg12[%dma_wait3A_735, %dma_wait3A_736] : memref<10000x128xf32, #tpu.memory_space<vmem_shared>> -> memref<10000x128xf32, #tpu.memory_space<vmem_shared>>
    tpu.wait_indirect_dma semaphore(%arg15 : memref<!tpu.dma_semaphore, #tpu.memory_space<semaphore_mem>>) src(%dma_wait3A_727 : memref<80x128xf32, #tpu.memory_space<vmem>>) dst(%dma_wait3A_737 : memref<10000x128xf32, #tpu.memory_space<vmem_shared>>)
    %dma_wait3A_738 = arith.constant 2 : i32
    %dma_wait3A_739 = arith.constant 0 : i32
    %dma_wait3A_740 = arith.constant 0 : i32
    %dma_wait3A_741 = arith.constant 0 : i32
    %dma_wait3A_742 = tpu.memref_slice %arg8[%dma_wait3A_739, %dma_wait3A_740, %dma_wait3A_741] : memref<2x25x80xi32, #tpu.memory_space<vmem>> -> memref<1x25x80xi32, #tpu.memory_space<vmem>>
    %dma_wait3A_743 = tpu.memref_squeeze %dma_wait3A_742 : memref<1x25x80xi32, #tpu.memory_space<vmem>> -> memref<25x80xi32, #tpu.memory_space<vmem>>
    %dma_wait3A_744 = arith.constant 0 : i32
    %dma_wait3A_745 = arith.constant 0 : i32
    %dma_wait3A_746 = arith.constant 0 : i32
    %dma_wait3A_747 = tpu.memref_slice %arg3[%add3A, %dma_wait3A_744, %dma_wait3A_745, %dma_wait3A_746] : memref<32x5x25x80xi32, #tpu.memory_space<hbm>> -> memref<1x5x25x80xi32, #tpu.memory_space<hbm>>
    %dma_wait3A_748 = tpu.memref_squeeze %dma_wait3A_747 : memref<1x5x25x80xi32, #tpu.memory_space<hbm>> -> memref<5x25x80xi32, #tpu.memory_space<hbm>>
    %dma_wait3A_749 = arith.constant 0 : i32
    %dma_wait3A_750 = arith.constant 0 : i32
    %dma_wait3A_751 = tpu.memref_slice %dma_wait3A_748[%dma_wait3A_738, %dma_wait3A_749, %dma_wait3A_750] : memref<5x25x80xi32, #tpu.memory_space<hbm>> -> memref<1x25x80xi32, #tpu.memory_space<hbm>>
    %dma_wait3A_752 = tpu.memref_squeeze %dma_wait3A_751 : memref<1x25x80xi32, #tpu.memory_space<hbm>> -> memref<25x80xi32, #tpu.memory_space<hbm>>
    %dma_wait3A_753 = arith.constant 0 : i32
    %dma_wait3A_754 = arith.constant 0 : i32
    %dma_wait3A_755 = tpu.memref_slice %arg8[%dma_wait3A_739, %dma_wait3A_753, %dma_wait3A_754] : memref<2x25x80xi32, #tpu.memory_space<vmem>> -> memref<1x25x80xi32, #tpu.memory_space<vmem>>
    %dma_wait3A_756 = tpu.memref_squeeze %dma_wait3A_755 : memref<1x25x80xi32, #tpu.memory_space<vmem>> -> memref<25x80xi32, #tpu.memory_space<vmem>>
    %dma_wait3A_757 = arith.constant 0 : i32
    %dma_wait3A_758 = arith.constant 0 : i32
    %dma_wait3A_759 = arith.constant 0 : i32
    %dma_wait3A_760 = tpu.memref_slice %arg3[%add3A, %dma_wait3A_757, %dma_wait3A_758, %dma_wait3A_759] : memref<32x5x25x80xi32, #tpu.memory_space<hbm>> -> memref<1x5x25x80xi32, #tpu.memory_space<hbm>>
    %dma_wait3A_761 = tpu.memref_squeeze %dma_wait3A_760 : memref<1x5x25x80xi32, #tpu.memory_space<hbm>> -> memref<5x25x80xi32, #tpu.memory_space<hbm>>
    %dma_wait3A_762 = arith.constant 0 : i32
    %dma_wait3A_763 = arith.constant 0 : i32
    %dma_wait3A_764 = tpu.memref_slice %dma_wait3A_761[%dma_wait3A_738, %dma_wait3A_762, %dma_wait3A_763] : memref<5x25x80xi32, #tpu.memory_space<hbm>> -> memref<1x25x80xi32, #tpu.memory_space<hbm>>
    %dma_wait3A_765 = tpu.memref_squeeze %dma_wait3A_764 : memref<1x25x80xi32, #tpu.memory_space<hbm>> -> memref<25x80xi32, #tpu.memory_space<hbm>>
    tpu.wait_dma2 semaphore(%arg17 : memref<!tpu.dma_semaphore, #tpu.memory_space<semaphore_mem>>) src(%dma_wait3A_765 : memref<25x80xi32, #tpu.memory_space<hbm>>) dst(%dma_wait3A_756 : memref<25x80xi32, #tpu.memory_space<vmem>>)
    %dma_wait3A_766 = arith.constant 2 : i32
    %dma_wait3A_767 = arith.constant 0 : i32
    %dma_wait3A_768 = arith.constant 0 : i32
    %dma_wait3A_769 = arith.constant 0 : i32
    %dma_wait3A_770 = tpu.memref_slice %arg9[%dma_wait3A_767, %dma_wait3A_768, %dma_wait3A_769] : memref<2x25x80xi32, #tpu.memory_space<vmem>> -> memref<1x25x80xi32, #tpu.memory_space<vmem>>
    %dma_wait3A_771 = tpu.memref_squeeze %dma_wait3A_770 : memref<1x25x80xi32, #tpu.memory_space<vmem>> -> memref<25x80xi32, #tpu.memory_space<vmem>>
    %dma_wait3A_772 = arith.constant 0 : i32
    %dma_wait3A_773 = arith.constant 0 : i32
    %dma_wait3A_774 = arith.constant 0 : i32
    %dma_wait3A_775 = tpu.memref_slice %arg4[%add3A, %dma_wait3A_772, %dma_wait3A_773, %dma_wait3A_774] : memref<32x5x25x80xi32, #tpu.memory_space<hbm>> -> memref<1x5x25x80xi32, #tpu.memory_space<hbm>>
    %dma_wait3A_776 = tpu.memref_squeeze %dma_wait3A_775 : memref<1x5x25x80xi32, #tpu.memory_space<hbm>> -> memref<5x25x80xi32, #tpu.memory_space<hbm>>
    %dma_wait3A_777 = arith.constant 0 : i32
    %dma_wait3A_778 = arith.constant 0 : i32
    %dma_wait3A_779 = tpu.memref_slice %dma_wait3A_776[%dma_wait3A_766, %dma_wait3A_777, %dma_wait3A_778] : memref<5x25x80xi32, #tpu.memory_space<hbm>> -> memref<1x25x80xi32, #tpu.memory_space<hbm>>
    %dma_wait3A_780 = tpu.memref_squeeze %dma_wait3A_779 : memref<1x25x80xi32, #tpu.memory_space<hbm>> -> memref<25x80xi32, #tpu.memory_space<hbm>>
    %dma_wait3A_781 = arith.constant 0 : i32
    %dma_wait3A_782 = arith.constant 0 : i32
    %dma_wait3A_783 = tpu.memref_slice %arg9[%dma_wait3A_767, %dma_wait3A_781, %dma_wait3A_782] : memref<2x25x80xi32, #tpu.memory_space<vmem>> -> memref<1x25x80xi32, #tpu.memory_space<vmem>>
    %dma_wait3A_784 = tpu.memref_squeeze %dma_wait3A_783 : memref<1x25x80xi32, #tpu.memory_space<vmem>> -> memref<25x80xi32, #tpu.memory_space<vmem>>
    %dma_wait3A_785 = arith.constant 0 : i32
    %dma_wait3A_786 = arith.constant 0 : i32
    %dma_wait3A_787 = arith.constant 0 : i32
    %dma_wait3A_788 = tpu.memref_slice %arg4[%add3A, %dma_wait3A_785, %dma_wait3A_786, %dma_wait3A_787] : memref<32x5x25x80xi32, #tpu.memory_space<hbm>> -> memref<1x5x25x80xi32, #tpu.memory_space<hbm>>
    %dma_wait3A_789 = tpu.memref_squeeze %dma_wait3A_788 : memref<1x5x25x80xi32, #tpu.memory_space<hbm>> -> memref<5x25x80xi32, #tpu.memory_space<hbm>>
    %dma_wait3A_790 = arith.constant 0 : i32
    %dma_wait3A_791 = arith.constant 0 : i32
    %dma_wait3A_792 = tpu.memref_slice %dma_wait3A_789[%dma_wait3A_766, %dma_wait3A_790, %dma_wait3A_791] : memref<5x25x80xi32, #tpu.memory_space<hbm>> -> memref<1x25x80xi32, #tpu.memory_space<hbm>>
    %dma_wait3A_793 = tpu.memref_squeeze %dma_wait3A_792 : memref<1x25x80xi32, #tpu.memory_space<hbm>> -> memref<25x80xi32, #tpu.memory_space<hbm>>
    tpu.wait_dma2 semaphore(%arg17 : memref<!tpu.dma_semaphore, #tpu.memory_space<semaphore_mem>>) src(%dma_wait3A_793 : memref<25x80xi32, #tpu.memory_space<hbm>>) dst(%dma_wait3A_784 : memref<25x80xi32, #tpu.memory_space<vmem>>)
    %dma_start3A_794 = arith.constant 0 : i32
    %dma_start3A_795 = arith.constant 0 : i32
    %dma_start3A_796 = arith.constant 0 : i32
    %dma_start3A_797 = arith.constant 0 : i32
    %dma_start3A_798 = arith.constant 0 : i32
    %dma_start3A_799 = tpu.memref_slice %arg10[%dma_start3A_796, %dma_start3A_797, %dma_start3A_798] : memref<3x80x128xf32, #tpu.memory_space<vmem>> -> memref<1x80x128xf32, #tpu.memory_space<vmem>>
    %dma_start3A_800 = tpu.memref_squeeze %dma_start3A_799 : memref<1x80x128xf32, #tpu.memory_space<vmem>> -> memref<80x128xf32, #tpu.memory_space<vmem>>
    %dma_start3A_801 = arith.constant 0 : i32
    %dma_start3A_802 = arith.constant 0 : i32
    %dma_start3A_803 = tpu.memref_slice %arg8[%dma_start3A_794, %dma_start3A_801, %dma_start3A_802] : memref<2x25x80xi32, #tpu.memory_space<vmem>> -> memref<1x25x80xi32, #tpu.memory_space<vmem>>
    %dma_start3A_804 = tpu.memref_squeeze %dma_start3A_803 : memref<1x25x80xi32, #tpu.memory_space<vmem>> -> memref<25x80xi32, #tpu.memory_space<vmem>>
    %dma_start3A_805 = arith.constant 0 : i32
    %dma_start3A_806 = tpu.memref_slice %dma_start3A_804[%dma_start3A_795, %dma_start3A_805] : memref<25x80xi32, #tpu.memory_space<vmem>> -> memref<1x80xi32, #tpu.memory_space<vmem>>
    %dma_start3A_807 = tpu.memref_squeeze %dma_start3A_806 : memref<1x80xi32, #tpu.memory_space<vmem>> -> memref<80xi32, #tpu.memory_space<vmem>>
    %dma_start3A_808 = arith.constant 0 : i32
    %dma_start3A_809 = arith.constant 0 : i32
    %dma_start3A_810 = tpu.memref_slice %arg2[%dma_start3A_808, %dma_start3A_809] : memref<10000x128xf32, #tpu.memory_space<hbm>> -> memref<10000x128xf32, #tpu.memory_space<hbm>>
    tpu.enqueue_indirect_dma source(%dma_start3A_810 : memref<10000x128xf32, #tpu.memory_space<hbm>>) target(%dma_start3A_800 : memref<80x128xf32, #tpu.memory_space<vmem>>) offsets(%dma_start3A_807 : memref<80xi32, #tpu.memory_space<vmem>>) semaphore(%arg14 : memref<!tpu.dma_semaphore, #tpu.memory_space<semaphore_mem>>)
    %dma_start3A_811 = arith.constant 0 : i32
    %dma_start3A_812 = arith.constant 1 : i32
    %dma_start3A_813 = arith.constant 1 : i32
    %dma_start3A_814 = arith.constant 0 : i32
    %dma_start3A_815 = arith.constant 0 : i32
    %dma_start3A_816 = tpu.memref_slice %arg10[%dma_start3A_813, %dma_start3A_814, %dma_start3A_815] : memref<3x80x128xf32, #tpu.memory_space<vmem>> -> memref<1x80x128xf32, #tpu.memory_space<vmem>>
    %dma_start3A_817 = tpu.memref_squeeze %dma_start3A_816 : memref<1x80x128xf32, #tpu.memory_space<vmem>> -> memref<80x128xf32, #tpu.memory_space<vmem>>
    %dma_start3A_818 = arith.constant 0 : i32
    %dma_start3A_819 = arith.constant 0 : i32
    %dma_start3A_820 = tpu.memref_slice %arg8[%dma_start3A_811, %dma_start3A_818, %dma_start3A_819] : memref<2x25x80xi32, #tpu.memory_space<vmem>> -> memref<1x25x80xi32, #tpu.memory_space<vmem>>
    %dma_start3A_821 = tpu.memref_squeeze %dma_start3A_820 : memref<1x25x80xi32, #tpu.memory_space<vmem>> -> memref<25x80xi32, #tpu.memory_space<vmem>>
    %dma_start3A_822 = arith.constant 0 : i32
    %dma_start3A_823 = tpu.memref_slice %dma_start3A_821[%dma_start3A_812, %dma_start3A_822] : memref<25x80xi32, #tpu.memory_space<vmem>> -> memref<1x80xi32, #tpu.memory_space<vmem>>
    %dma_start3A_824 = tpu.memref_squeeze %dma_start3A_823 : memref<1x80xi32, #tpu.memory_space<vmem>> -> memref<80xi32, #tpu.memory_space<vmem>>
    %dma_start3A_825 = arith.constant 0 : i32
    %dma_start3A_826 = arith.constant 0 : i32
    %dma_start3A_827 = tpu.memref_slice %arg2[%dma_start3A_825, %dma_start3A_826] : memref<10000x128xf32, #tpu.memory_space<hbm>> -> memref<10000x128xf32, #tpu.memory_space<hbm>>
    tpu.enqueue_indirect_dma source(%dma_start3A_827 : memref<10000x128xf32, #tpu.memory_space<hbm>>) target(%dma_start3A_817 : memref<80x128xf32, #tpu.memory_space<vmem>>) offsets(%dma_start3A_824 : memref<80xi32, #tpu.memory_space<vmem>>) semaphore(%arg14 : memref<!tpu.dma_semaphore, #tpu.memory_space<semaphore_mem>>)
    %scan3A_828 = arith.constant 0 : i32
    %scan3A_829 = arith.constant 1 : i32
    %scan3A_830 = arith.constant 0 : i32
    %scan3A_831 = arith.constant 25 : i32
    %scan3A_832 = arith.addi %scan3A_830, %scan3A_831 : i32
    %scan3A_833 = arith.constant 1 : i32
    scf.for %scan3A_1238 = %scan3A_830 to %scan3A_832 step %scan3A_833  : i32 {
      %dma_wait3A_1239 = arith.constant 0 : i32
      %dma_wait3A_1240 = arith.constant 0 : i32
      %dma_wait3A_1241 = tpu.memref_slice %arg11[%dma_wait3A_1240] : memref<128xf32, #tpu.memory_space<vmem>> -> memref<80xf32, #tpu.memory_space<vmem>>
      %dma_wait3A_1242 = arith.constant 0 : i32
      %dma_wait3A_1243 = arith.constant 0 : i32
      %dma_wait3A_1244 = tpu.memref_slice %arg9[%scan3A_829, %dma_wait3A_1242, %dma_wait3A_1243] : memref<2x25x80xi32, #tpu.memory_space<vmem>> -> memref<1x25x80xi32, #tpu.memory_space<vmem>>
      %dma_wait3A_1245 = tpu.memref_squeeze %dma_wait3A_1244 : memref<1x25x80xi32, #tpu.memory_space<vmem>> -> memref<25x80xi32, #tpu.memory_space<vmem>>
      %dma_wait3A_1246 = arith.constant 0 : i32
      %dma_wait3A_1247 = tpu.memref_slice %dma_wait3A_1245[%dma_wait3A_1239, %dma_wait3A_1246] : memref<25x80xi32, #tpu.memory_space<vmem>> -> memref<1x80xi32, #tpu.memory_space<vmem>>
      %dma_wait3A_1248 = tpu.memref_squeeze %dma_wait3A_1247 : memref<1x80xi32, #tpu.memory_space<vmem>> -> memref<80xi32, #tpu.memory_space<vmem>>
      %dma_wait3A_1249 = arith.constant 0 : i32
      %dma_wait3A_1250 = tpu.memref_slice %arg13[%dma_wait3A_1249] : memref<10000xf32, #tpu.memory_space<vmem_shared>> -> memref<10000xf32, #tpu.memory_space<vmem_shared>>
      tpu.wait_indirect_dma semaphore(%arg16 : memref<!tpu.dma_semaphore, #tpu.memory_space<semaphore_mem>>) src(%dma_wait3A_1241 : memref<80xf32, #tpu.memory_space<vmem>>) dst(%dma_wait3A_1250 : memref<10000xf32, #tpu.memory_space<vmem_shared>>)
    }
    %scan3A_834 = arith.constant 25 : i32
    %dma_start3A_835 = arith.constant 3 : i32
    %dma_start3A_836 = arith.constant 1 : i32
    %dma_start3A_837 = arith.constant 0 : i32
    %dma_start3A_838 = arith.constant 0 : i32
    %dma_start3A_839 = tpu.memref_slice %arg8[%dma_start3A_836, %dma_start3A_837, %dma_start3A_838] : memref<2x25x80xi32, #tpu.memory_space<vmem>> -> memref<1x25x80xi32, #tpu.memory_space<vmem>>
    %dma_start3A_840 = tpu.memref_squeeze %dma_start3A_839 : memref<1x25x80xi32, #tpu.memory_space<vmem>> -> memref<25x80xi32, #tpu.memory_space<vmem>>
    %dma_start3A_841 = arith.constant 0 : i32
    %dma_start3A_842 = arith.constant 0 : i32
    %dma_start3A_843 = arith.constant 0 : i32
    %dma_start3A_844 = tpu.memref_slice %arg3[%add3A, %dma_start3A_841, %dma_start3A_842, %dma_start3A_843] : memref<32x5x25x80xi32, #tpu.memory_space<hbm>> -> memref<1x5x25x80xi32, #tpu.memory_space<hbm>>
    %dma_start3A_845 = tpu.memref_squeeze %dma_start3A_844 : memref<1x5x25x80xi32, #tpu.memory_space<hbm>> -> memref<5x25x80xi32, #tpu.memory_space<hbm>>
    %dma_start3A_846 = arith.constant 0 : i32
    %dma_start3A_847 = arith.constant 0 : i32
    %dma_start3A_848 = tpu.memref_slice %dma_start3A_845[%dma_start3A_835, %dma_start3A_846, %dma_start3A_847] : memref<5x25x80xi32, #tpu.memory_space<hbm>> -> memref<1x25x80xi32, #tpu.memory_space<hbm>>
    %dma_start3A_849 = tpu.memref_squeeze %dma_start3A_848 : memref<1x25x80xi32, #tpu.memory_space<hbm>> -> memref<25x80xi32, #tpu.memory_space<hbm>>
    %dma_start3A_850 = arith.constant 0 : i32
    %dma_start3A_851 = arith.constant 0 : i32
    %dma_start3A_852 = tpu.memref_slice %arg8[%dma_start3A_836, %dma_start3A_850, %dma_start3A_851] : memref<2x25x80xi32, #tpu.memory_space<vmem>> -> memref<1x25x80xi32, #tpu.memory_space<vmem>>
    %dma_start3A_853 = tpu.memref_squeeze %dma_start3A_852 : memref<1x25x80xi32, #tpu.memory_space<vmem>> -> memref<25x80xi32, #tpu.memory_space<vmem>>
    %dma_start3A_854 = arith.constant 0 : i32
    %dma_start3A_855 = arith.constant 0 : i32
    %dma_start3A_856 = arith.constant 0 : i32
    %dma_start3A_857 = tpu.memref_slice %arg3[%add3A, %dma_start3A_854, %dma_start3A_855, %dma_start3A_856] : memref<32x5x25x80xi32, #tpu.memory_space<hbm>> -> memref<1x5x25x80xi32, #tpu.memory_space<hbm>>
    %dma_start3A_858 = tpu.memref_squeeze %dma_start3A_857 : memref<1x5x25x80xi32, #tpu.memory_space<hbm>> -> memref<5x25x80xi32, #tpu.memory_space<hbm>>
    %dma_start3A_859 = arith.constant 0 : i32
    %dma_start3A_860 = arith.constant 0 : i32
    %dma_start3A_861 = tpu.memref_slice %dma_start3A_858[%dma_start3A_835, %dma_start3A_859, %dma_start3A_860] : memref<5x25x80xi32, #tpu.memory_space<hbm>> -> memref<1x25x80xi32, #tpu.memory_space<hbm>>
    %dma_start3A_862 = tpu.memref_squeeze %dma_start3A_861 : memref<1x25x80xi32, #tpu.memory_space<hbm>> -> memref<25x80xi32, #tpu.memory_space<hbm>>
    tpu.enqueue_dma source(%dma_start3A_862 : memref<25x80xi32, #tpu.memory_space<hbm>>) target(%dma_start3A_853 : memref<25x80xi32, #tpu.memory_space<vmem>>) target_semaphore(%arg17 : memref<!tpu.dma_semaphore, #tpu.memory_space<semaphore_mem>>)
    %dma_start3A_863 = arith.constant 3 : i32
    %dma_start3A_864 = arith.constant 1 : i32
    %dma_start3A_865 = arith.constant 0 : i32
    %dma_start3A_866 = arith.constant 0 : i32
    %dma_start3A_867 = tpu.memref_slice %arg9[%dma_start3A_864, %dma_start3A_865, %dma_start3A_866] : memref<2x25x80xi32, #tpu.memory_space<vmem>> -> memref<1x25x80xi32, #tpu.memory_space<vmem>>
    %dma_start3A_868 = tpu.memref_squeeze %dma_start3A_867 : memref<1x25x80xi32, #tpu.memory_space<vmem>> -> memref<25x80xi32, #tpu.memory_space<vmem>>
    %dma_start3A_869 = arith.constant 0 : i32
    %dma_start3A_870 = arith.constant 0 : i32
    %dma_start3A_871 = arith.constant 0 : i32
    %dma_start3A_872 = tpu.memref_slice %arg4[%add3A, %dma_start3A_869, %dma_start3A_870, %dma_start3A_871] : memref<32x5x25x80xi32, #tpu.memory_space<hbm>> -> memref<1x5x25x80xi32, #tpu.memory_space<hbm>>
    %dma_start3A_873 = tpu.memref_squeeze %dma_start3A_872 : memref<1x5x25x80xi32, #tpu.memory_space<hbm>> -> memref<5x25x80xi32, #tpu.memory_space<hbm>>
    %dma_start3A_874 = arith.constant 0 : i32
    %dma_start3A_875 = arith.constant 0 : i32
    %dma_start3A_876 = tpu.memref_slice %dma_start3A_873[%dma_start3A_863, %dma_start3A_874, %dma_start3A_875] : memref<5x25x80xi32, #tpu.memory_space<hbm>> -> memref<1x25x80xi32, #tpu.memory_space<hbm>>
    %dma_start3A_877 = tpu.memref_squeeze %dma_start3A_876 : memref<1x25x80xi32, #tpu.memory_space<hbm>> -> memref<25x80xi32, #tpu.memory_space<hbm>>
    %dma_start3A_878 = arith.constant 0 : i32
    %dma_start3A_879 = arith.constant 0 : i32
    %dma_start3A_880 = tpu.memref_slice %arg9[%dma_start3A_864, %dma_start3A_878, %dma_start3A_879] : memref<2x25x80xi32, #tpu.memory_space<vmem>> -> memref<1x25x80xi32, #tpu.memory_space<vmem>>
    %dma_start3A_881 = tpu.memref_squeeze %dma_start3A_880 : memref<1x25x80xi32, #tpu.memory_space<vmem>> -> memref<25x80xi32, #tpu.memory_space<vmem>>
    %dma_start3A_882 = arith.constant 0 : i32
    %dma_start3A_883 = arith.constant 0 : i32
    %dma_start3A_884 = arith.constant 0 : i32
    %dma_start3A_885 = tpu.memref_slice %arg4[%add3A, %dma_start3A_882, %dma_start3A_883, %dma_start3A_884] : memref<32x5x25x80xi32, #tpu.memory_space<hbm>> -> memref<1x5x25x80xi32, #tpu.memory_space<hbm>>
    %dma_start3A_886 = tpu.memref_squeeze %dma_start3A_885 : memref<1x5x25x80xi32, #tpu.memory_space<hbm>> -> memref<5x25x80xi32, #tpu.memory_space<hbm>>
    %dma_start3A_887 = arith.constant 0 : i32
    %dma_start3A_888 = arith.constant 0 : i32
    %dma_start3A_889 = tpu.memref_slice %dma_start3A_886[%dma_start3A_863, %dma_start3A_887, %dma_start3A_888] : memref<5x25x80xi32, #tpu.memory_space<hbm>> -> memref<1x25x80xi32, #tpu.memory_space<hbm>>
    %dma_start3A_890 = tpu.memref_squeeze %dma_start3A_889 : memref<1x25x80xi32, #tpu.memory_space<hbm>> -> memref<25x80xi32, #tpu.memory_space<hbm>>
    tpu.enqueue_dma source(%dma_start3A_890 : memref<25x80xi32, #tpu.memory_space<hbm>>) target(%dma_start3A_881 : memref<25x80xi32, #tpu.memory_space<vmem>>) target_semaphore(%arg17 : memref<!tpu.dma_semaphore, #tpu.memory_space<semaphore_mem>>)
    %scan3A_891 = arith.constant 0 : i32
    %scan3A_892 = arith.constant 0 : i32
    %scan3A_893 = arith.constant 0 : i32
    %scan3A_894 = arith.constant 0 : i32
    %scan3A_895 = arith.constant 25 : i32
    %scan3A_896 = arith.addi %scan3A_894, %scan3A_895 : i32
    %scan3A_897 = arith.constant 1 : i32
    scf.for %scan3A_1238 = %scan3A_894 to %scan3A_896 step %scan3A_897  : i32 {
      %rem3A = arith.constant 3 : i32
      %rem3A_1239 = arith.remsi %scan3A_1238, %rem3A : i32
      %dma_wait3A_1240 = arith.constant 0 : i32
      %dma_wait3A_1241 = arith.constant 0 : i32
      %dma_wait3A_1242 = tpu.memref_slice %arg10[%rem3A_1239, %dma_wait3A_1240, %dma_wait3A_1241] : memref<3x80x128xf32, #tpu.memory_space<vmem>> -> memref<1x80x128xf32, #tpu.memory_space<vmem>>
      %dma_wait3A_1243 = tpu.memref_squeeze %dma_wait3A_1242 : memref<1x80x128xf32, #tpu.memory_space<vmem>> -> memref<80x128xf32, #tpu.memory_space<vmem>>
      %dma_wait3A_1244 = arith.constant 0 : i32
      %dma_wait3A_1245 = arith.constant 0 : i32
      %dma_wait3A_1246 = tpu.memref_slice %arg8[%scan3A_892, %dma_wait3A_1244, %dma_wait3A_1245] : memref<2x25x80xi32, #tpu.memory_space<vmem>> -> memref<1x25x80xi32, #tpu.memory_space<vmem>>
      %dma_wait3A_1247 = tpu.memref_squeeze %dma_wait3A_1246 : memref<1x25x80xi32, #tpu.memory_space<vmem>> -> memref<25x80xi32, #tpu.memory_space<vmem>>
      %dma_wait3A_1248 = arith.constant 0 : i32
      %dma_wait3A_1249 = tpu.memref_slice %dma_wait3A_1247[%scan3A_1238, %dma_wait3A_1248] : memref<25x80xi32, #tpu.memory_space<vmem>> -> memref<1x80xi32, #tpu.memory_space<vmem>>
      %dma_wait3A_1250 = tpu.memref_squeeze %dma_wait3A_1249 : memref<1x80xi32, #tpu.memory_space<vmem>> -> memref<80xi32, #tpu.memory_space<vmem>>
      %dma_wait3A_1251 = arith.constant 0 : i32
      %dma_wait3A_1252 = arith.constant 0 : i32
      %dma_wait3A_1253 = tpu.memref_slice %arg2[%dma_wait3A_1251, %dma_wait3A_1252] : memref<10000x128xf32, #tpu.memory_space<hbm>> -> memref<10000x128xf32, #tpu.memory_space<hbm>>
      tpu.wait_indirect_dma semaphore(%arg14 : memref<!tpu.dma_semaphore, #tpu.memory_space<semaphore_mem>>) src(%dma_wait3A_1253 : memref<10000x128xf32, #tpu.memory_space<hbm>>) dst(%dma_wait3A_1243 : memref<80x128xf32, #tpu.memory_space<vmem>>)
      %dma_start3A_1254 = arith.constant 0 : i32
      %dma_start3A_1255 = arith.constant 0 : i32
      %dma_start3A_1256 = tpu.memref_slice %arg10[%rem3A_1239, %dma_start3A_1254, %dma_start3A_1255] : memref<3x80x128xf32, #tpu.memory_space<vmem>> -> memref<1x80x128xf32, #tpu.memory_space<vmem>>
      %dma_start3A_1257 = tpu.memref_squeeze %dma_start3A_1256 : memref<1x80x128xf32, #tpu.memory_space<vmem>> -> memref<80x128xf32, #tpu.memory_space<vmem>>
      %dma_start3A_1258 = arith.constant 0 : i32
      %dma_start3A_1259 = arith.constant 0 : i32
      %dma_start3A_1260 = tpu.memref_slice %arg9[%scan3A_893, %dma_start3A_1258, %dma_start3A_1259] : memref<2x25x80xi32, #tpu.memory_space<vmem>> -> memref<1x25x80xi32, #tpu.memory_space<vmem>>
      %dma_start3A_1261 = tpu.memref_squeeze %dma_start3A_1260 : memref<1x25x80xi32, #tpu.memory_space<vmem>> -> memref<25x80xi32, #tpu.memory_space<vmem>>
      %dma_start3A_1262 = arith.constant 0 : i32
      %dma_start3A_1263 = tpu.memref_slice %dma_start3A_1261[%scan3A_1238, %dma_start3A_1262] : memref<25x80xi32, #tpu.memory_space<vmem>> -> memref<1x80xi32, #tpu.memory_space<vmem>>
      %dma_start3A_1264 = tpu.memref_squeeze %dma_start3A_1263 : memref<1x80xi32, #tpu.memory_space<vmem>> -> memref<80xi32, #tpu.memory_space<vmem>>
      %dma_start3A_1265 = arith.constant 0 : i32
      %dma_start3A_1266 = arith.constant 0 : i32
      %dma_start3A_1267 = tpu.memref_slice %arg12[%dma_start3A_1265, %dma_start3A_1266] : memref<10000x128xf32, #tpu.memory_space<vmem_shared>> -> memref<10000x128xf32, #tpu.memory_space<vmem_shared>>
      tpu.enqueue_indirect_dma source(%dma_start3A_1257 : memref<80x128xf32, #tpu.memory_space<vmem>>) target(%dma_start3A_1267 : memref<10000x128xf32, #tpu.memory_space<vmem_shared>>) offsets(%dma_start3A_1264 : memref<80xi32, #tpu.memory_space<vmem>>) semaphore(%arg15 : memref<!tpu.dma_semaphore, #tpu.memory_space<semaphore_mem>>) {add = true}
      %dma_start3A_1268 = arith.constant 0 : i32
      %dma_start3A_1269 = tpu.memref_slice %arg11[%dma_start3A_1268] : memref<128xf32, #tpu.memory_space<vmem>> -> memref<80xf32, #tpu.memory_space<vmem>>
      %dma_start3A_1270 = arith.constant 0 : i32
      %dma_start3A_1271 = arith.constant 0 : i32
      %dma_start3A_1272 = tpu.memref_slice %arg9[%scan3A_893, %dma_start3A_1270, %dma_start3A_1271] : memref<2x25x80xi32, #tpu.memory_space<vmem>> -> memref<1x25x80xi32, #tpu.memory_space<vmem>>
      %dma_start3A_1273 = tpu.memref_squeeze %dma_start3A_1272 : memref<1x25x80xi32, #tpu.memory_space<vmem>> -> memref<25x80xi32, #tpu.memory_space<vmem>>
      %dma_start3A_1274 = arith.constant 0 : i32
      %dma_start3A_1275 = tpu.memref_slice %dma_start3A_1273[%scan3A_1238, %dma_start3A_1274] : memref<25x80xi32, #tpu.memory_space<vmem>> -> memref<1x80xi32, #tpu.memory_space<vmem>>
      %dma_start3A_1276 = tpu.memref_squeeze %dma_start3A_1275 : memref<1x80xi32, #tpu.memory_space<vmem>> -> memref<80xi32, #tpu.memory_space<vmem>>
      %dma_start3A_1277 = arith.constant 0 : i32
      %dma_start3A_1278 = tpu.memref_slice %arg13[%dma_start3A_1277] : memref<10000xf32, #tpu.memory_space<vmem_shared>> -> memref<10000xf32, #tpu.memory_space<vmem_shared>>
      tpu.enqueue_indirect_dma source(%dma_start3A_1269 : memref<80xf32, #tpu.memory_space<vmem>>) target(%dma_start3A_1278 : memref<10000xf32, #tpu.memory_space<vmem_shared>>) offsets(%dma_start3A_1276 : memref<80xi32, #tpu.memory_space<vmem>>) semaphore(%arg16 : memref<!tpu.dma_semaphore, #tpu.memory_space<semaphore_mem>>) {add = true}
      %add3A_1279 = arith.constant 3 : i32
      %add3A_1280 = arith.addi %scan3A_1238, %add3A_1279 : i32
      %sub3A = arith.constant 1 : i32
      %sub3A_1281 = arith.subi %add3A_1280, %sub3A : i32
      %rem3A_1282 = arith.constant 3 : i32
      %rem3A_1283 = arith.remsi %sub3A_1281, %rem3A_1282 : i32
      %gt3A = arith.constant 0 : i32
      %gt3A_1284 = arith.cmpi sgt, %scan3A_1238, %gt3A : i32
      %convert_element_type3A_1285 = arith.extui %gt3A_1284 : i1 to i32
      %cond3A_1286 = arith.constant 0 : i32
      %cond3A_1287 = arith.cmpi ne, %convert_element_type3A_1285, %cond3A_1286 : i32
      scf.if %cond3A_1287 {
        %sub3A_1292 = arith.constant 1 : i32
        %sub3A_1293 = arith.subi %scan3A_1238, %sub3A_1292 : i32
        %dma_wait3A_1294 = arith.constant 0 : i32
        %dma_wait3A_1295 = arith.constant 0 : i32
        %dma_wait3A_1296 = tpu.memref_slice %arg10[%rem3A_1283, %dma_wait3A_1294, %dma_wait3A_1295] : memref<3x80x128xf32, #tpu.memory_space<vmem>> -> memref<1x80x128xf32, #tpu.memory_space<vmem>>
        %dma_wait3A_1297 = tpu.memref_squeeze %dma_wait3A_1296 : memref<1x80x128xf32, #tpu.memory_space<vmem>> -> memref<80x128xf32, #tpu.memory_space<vmem>>
        %dma_wait3A_1298 = arith.constant 0 : i32
        %dma_wait3A_1299 = arith.constant 0 : i32
        %dma_wait3A_1300 = tpu.memref_slice %arg9[%scan3A_893, %dma_wait3A_1298, %dma_wait3A_1299] : memref<2x25x80xi32, #tpu.memory_space<vmem>> -> memref<1x25x80xi32, #tpu.memory_space<vmem>>
        %dma_wait3A_1301 = tpu.memref_squeeze %dma_wait3A_1300 : memref<1x25x80xi32, #tpu.memory_space<vmem>> -> memref<25x80xi32, #tpu.memory_space<vmem>>
        %dma_wait3A_1302 = arith.constant 0 : i32
        %dma_wait3A_1303 = tpu.memref_slice %dma_wait3A_1301[%sub3A_1293, %dma_wait3A_1302] : memref<25x80xi32, #tpu.memory_space<vmem>> -> memref<1x80xi32, #tpu.memory_space<vmem>>
        %dma_wait3A_1304 = tpu.memref_squeeze %dma_wait3A_1303 : memref<1x80xi32, #tpu.memory_space<vmem>> -> memref<80xi32, #tpu.memory_space<vmem>>
        %dma_wait3A_1305 = arith.constant 0 : i32
        %dma_wait3A_1306 = arith.constant 0 : i32
        %dma_wait3A_1307 = tpu.memref_slice %arg12[%dma_wait3A_1305, %dma_wait3A_1306] : memref<10000x128xf32, #tpu.memory_space<vmem_shared>> -> memref<10000x128xf32, #tpu.memory_space<vmem_shared>>
        tpu.wait_indirect_dma semaphore(%arg15 : memref<!tpu.dma_semaphore, #tpu.memory_space<semaphore_mem>>) src(%dma_wait3A_1297 : memref<80x128xf32, #tpu.memory_space<vmem>>) dst(%dma_wait3A_1307 : memref<10000x128xf32, #tpu.memory_space<vmem_shared>>)
      } else {
      }
      %lt3A = arith.constant 23 : i32
      %lt3A_1288 = arith.cmpi slt, %scan3A_1238, %lt3A : i32
      %convert_element_type3A_1289 = arith.extui %lt3A_1288 : i1 to i32
      %cond3A_1290 = arith.constant 0 : i32
      %cond3A_1291 = arith.cmpi ne, %convert_element_type3A_1289, %cond3A_1290 : i32
      scf.if %cond3A_1291 {
        %add3A_1292 = arith.constant 3 : i32
        %add3A_1293 = arith.addi %scan3A_1238, %add3A_1292 : i32
        %sub3A_1294 = arith.constant 1 : i32
        %sub3A_1295 = arith.subi %add3A_1293, %sub3A_1294 : i32
        %dma_start3A_1296 = arith.constant 0 : i32
        %dma_start3A_1297 = arith.constant 0 : i32
        %dma_start3A_1298 = tpu.memref_slice %arg10[%rem3A_1283, %dma_start3A_1296, %dma_start3A_1297] : memref<3x80x128xf32, #tpu.memory_space<vmem>> -> memref<1x80x128xf32, #tpu.memory_space<vmem>>
        %dma_start3A_1299 = tpu.memref_squeeze %dma_start3A_1298 : memref<1x80x128xf32, #tpu.memory_space<vmem>> -> memref<80x128xf32, #tpu.memory_space<vmem>>
        %dma_start3A_1300 = arith.constant 0 : i32
        %dma_start3A_1301 = arith.constant 0 : i32
        %dma_start3A_1302 = tpu.memref_slice %arg8[%scan3A_892, %dma_start3A_1300, %dma_start3A_1301] : memref<2x25x80xi32, #tpu.memory_space<vmem>> -> memref<1x25x80xi32, #tpu.memory_space<vmem>>
        %dma_start3A_1303 = tpu.memref_squeeze %dma_start3A_1302 : memref<1x25x80xi32, #tpu.memory_space<vmem>> -> memref<25x80xi32, #tpu.memory_space<vmem>>
        %dma_start3A_1304 = arith.constant 0 : i32
        %dma_start3A_1305 = tpu.memref_slice %dma_start3A_1303[%sub3A_1295, %dma_start3A_1304] : memref<25x80xi32, #tpu.memory_space<vmem>> -> memref<1x80xi32, #tpu.memory_space<vmem>>
        %dma_start3A_1306 = tpu.memref_squeeze %dma_start3A_1305 : memref<1x80xi32, #tpu.memory_space<vmem>> -> memref<80xi32, #tpu.memory_space<vmem>>
        %dma_start3A_1307 = arith.constant 0 : i32
        %dma_start3A_1308 = arith.constant 0 : i32
        %dma_start3A_1309 = tpu.memref_slice %arg2[%dma_start3A_1307, %dma_start3A_1308] : memref<10000x128xf32, #tpu.memory_space<hbm>> -> memref<10000x128xf32, #tpu.memory_space<hbm>>
        tpu.enqueue_indirect_dma source(%dma_start3A_1309 : memref<10000x128xf32, #tpu.memory_space<hbm>>) target(%dma_start3A_1299 : memref<80x128xf32, #tpu.memory_space<vmem>>) offsets(%dma_start3A_1306 : memref<80xi32, #tpu.memory_space<vmem>>) semaphore(%arg14 : memref<!tpu.dma_semaphore, #tpu.memory_space<semaphore_mem>>)
      } else {
      }
    }
    %scan3A_898 = arith.constant 25 : i32
    %dma_wait3A_899 = arith.constant 0 : i32
    %dma_wait3A_900 = arith.constant 0 : i32
    %dma_wait3A_901 = arith.constant 0 : i32
    %dma_wait3A_902 = arith.constant 0 : i32
    %dma_wait3A_903 = arith.constant 0 : i32
    %dma_wait3A_904 = tpu.memref_slice %arg10[%dma_wait3A_899, %dma_wait3A_902, %dma_wait3A_903] : memref<3x80x128xf32, #tpu.memory_space<vmem>> -> memref<1x80x128xf32, #tpu.memory_space<vmem>>
    %dma_wait3A_905 = tpu.memref_squeeze %dma_wait3A_904 : memref<1x80x128xf32, #tpu.memory_space<vmem>> -> memref<80x128xf32, #tpu.memory_space<vmem>>
    %dma_wait3A_906 = arith.constant 0 : i32
    %dma_wait3A_907 = arith.constant 0 : i32
    %dma_wait3A_908 = tpu.memref_slice %arg9[%dma_wait3A_900, %dma_wait3A_906, %dma_wait3A_907] : memref<2x25x80xi32, #tpu.memory_space<vmem>> -> memref<1x25x80xi32, #tpu.memory_space<vmem>>
    %dma_wait3A_909 = tpu.memref_squeeze %dma_wait3A_908 : memref<1x25x80xi32, #tpu.memory_space<vmem>> -> memref<25x80xi32, #tpu.memory_space<vmem>>
    %dma_wait3A_910 = arith.constant 0 : i32
    %dma_wait3A_911 = tpu.memref_slice %dma_wait3A_909[%dma_wait3A_901, %dma_wait3A_910] : memref<25x80xi32, #tpu.memory_space<vmem>> -> memref<1x80xi32, #tpu.memory_space<vmem>>
    %dma_wait3A_912 = tpu.memref_squeeze %dma_wait3A_911 : memref<1x80xi32, #tpu.memory_space<vmem>> -> memref<80xi32, #tpu.memory_space<vmem>>
    %dma_wait3A_913 = arith.constant 0 : i32
    %dma_wait3A_914 = arith.constant 0 : i32
    %dma_wait3A_915 = tpu.memref_slice %arg12[%dma_wait3A_913, %dma_wait3A_914] : memref<10000x128xf32, #tpu.memory_space<vmem_shared>> -> memref<10000x128xf32, #tpu.memory_space<vmem_shared>>
    tpu.wait_indirect_dma semaphore(%arg15 : memref<!tpu.dma_semaphore, #tpu.memory_space<semaphore_mem>>) src(%dma_wait3A_905 : memref<80x128xf32, #tpu.memory_space<vmem>>) dst(%dma_wait3A_915 : memref<10000x128xf32, #tpu.memory_space<vmem_shared>>)
    %dma_wait3A_916 = arith.constant 3 : i32
    %dma_wait3A_917 = arith.constant 1 : i32
    %dma_wait3A_918 = arith.constant 0 : i32
    %dma_wait3A_919 = arith.constant 0 : i32
    %dma_wait3A_920 = tpu.memref_slice %arg8[%dma_wait3A_917, %dma_wait3A_918, %dma_wait3A_919] : memref<2x25x80xi32, #tpu.memory_space<vmem>> -> memref<1x25x80xi32, #tpu.memory_space<vmem>>
    %dma_wait3A_921 = tpu.memref_squeeze %dma_wait3A_920 : memref<1x25x80xi32, #tpu.memory_space<vmem>> -> memref<25x80xi32, #tpu.memory_space<vmem>>
    %dma_wait3A_922 = arith.constant 0 : i32
    %dma_wait3A_923 = arith.constant 0 : i32
    %dma_wait3A_924 = arith.constant 0 : i32
    %dma_wait3A_925 = tpu.memref_slice %arg3[%add3A, %dma_wait3A_922, %dma_wait3A_923, %dma_wait3A_924] : memref<32x5x25x80xi32, #tpu.memory_space<hbm>> -> memref<1x5x25x80xi32, #tpu.memory_space<hbm>>
    %dma_wait3A_926 = tpu.memref_squeeze %dma_wait3A_925 : memref<1x5x25x80xi32, #tpu.memory_space<hbm>> -> memref<5x25x80xi32, #tpu.memory_space<hbm>>
    %dma_wait3A_927 = arith.constant 0 : i32
    %dma_wait3A_928 = arith.constant 0 : i32
    %dma_wait3A_929 = tpu.memref_slice %dma_wait3A_926[%dma_wait3A_916, %dma_wait3A_927, %dma_wait3A_928] : memref<5x25x80xi32, #tpu.memory_space<hbm>> -> memref<1x25x80xi32, #tpu.memory_space<hbm>>
    %dma_wait3A_930 = tpu.memref_squeeze %dma_wait3A_929 : memref<1x25x80xi32, #tpu.memory_space<hbm>> -> memref<25x80xi32, #tpu.memory_space<hbm>>
    %dma_wait3A_931 = arith.constant 0 : i32
    %dma_wait3A_932 = arith.constant 0 : i32
    %dma_wait3A_933 = tpu.memref_slice %arg8[%dma_wait3A_917, %dma_wait3A_931, %dma_wait3A_932] : memref<2x25x80xi32, #tpu.memory_space<vmem>> -> memref<1x25x80xi32, #tpu.memory_space<vmem>>
    %dma_wait3A_934 = tpu.memref_squeeze %dma_wait3A_933 : memref<1x25x80xi32, #tpu.memory_space<vmem>> -> memref<25x80xi32, #tpu.memory_space<vmem>>
    %dma_wait3A_935 = arith.constant 0 : i32
    %dma_wait3A_936 = arith.constant 0 : i32
    %dma_wait3A_937 = arith.constant 0 : i32
    %dma_wait3A_938 = tpu.memref_slice %arg3[%add3A, %dma_wait3A_935, %dma_wait3A_936, %dma_wait3A_937] : memref<32x5x25x80xi32, #tpu.memory_space<hbm>> -> memref<1x5x25x80xi32, #tpu.memory_space<hbm>>
    %dma_wait3A_939 = tpu.memref_squeeze %dma_wait3A_938 : memref<1x5x25x80xi32, #tpu.memory_space<hbm>> -> memref<5x25x80xi32, #tpu.memory_space<hbm>>
    %dma_wait3A_940 = arith.constant 0 : i32
    %dma_wait3A_941 = arith.constant 0 : i32
    %dma_wait3A_942 = tpu.memref_slice %dma_wait3A_939[%dma_wait3A_916, %dma_wait3A_940, %dma_wait3A_941] : memref<5x25x80xi32, #tpu.memory_space<hbm>> -> memref<1x25x80xi32, #tpu.memory_space<hbm>>
    %dma_wait3A_943 = tpu.memref_squeeze %dma_wait3A_942 : memref<1x25x80xi32, #tpu.memory_space<hbm>> -> memref<25x80xi32, #tpu.memory_space<hbm>>
    tpu.wait_dma2 semaphore(%arg17 : memref<!tpu.dma_semaphore, #tpu.memory_space<semaphore_mem>>) src(%dma_wait3A_943 : memref<25x80xi32, #tpu.memory_space<hbm>>) dst(%dma_wait3A_934 : memref<25x80xi32, #tpu.memory_space<vmem>>)
    %dma_wait3A_944 = arith.constant 3 : i32
    %dma_wait3A_945 = arith.constant 1 : i32
    %dma_wait3A_946 = arith.constant 0 : i32
    %dma_wait3A_947 = arith.constant 0 : i32
    %dma_wait3A_948 = tpu.memref_slice %arg9[%dma_wait3A_945, %dma_wait3A_946, %dma_wait3A_947] : memref<2x25x80xi32, #tpu.memory_space<vmem>> -> memref<1x25x80xi32, #tpu.memory_space<vmem>>
    %dma_wait3A_949 = tpu.memref_squeeze %dma_wait3A_948 : memref<1x25x80xi32, #tpu.memory_space<vmem>> -> memref<25x80xi32, #tpu.memory_space<vmem>>
    %dma_wait3A_950 = arith.constant 0 : i32
    %dma_wait3A_951 = arith.constant 0 : i32
    %dma_wait3A_952 = arith.constant 0 : i32
    %dma_wait3A_953 = tpu.memref_slice %arg4[%add3A, %dma_wait3A_950, %dma_wait3A_951, %dma_wait3A_952] : memref<32x5x25x80xi32, #tpu.memory_space<hbm>> -> memref<1x5x25x80xi32, #tpu.memory_space<hbm>>
    %dma_wait3A_954 = tpu.memref_squeeze %dma_wait3A_953 : memref<1x5x25x80xi32, #tpu.memory_space<hbm>> -> memref<5x25x80xi32, #tpu.memory_space<hbm>>
    %dma_wait3A_955 = arith.constant 0 : i32
    %dma_wait3A_956 = arith.constant 0 : i32
    %dma_wait3A_957 = tpu.memref_slice %dma_wait3A_954[%dma_wait3A_944, %dma_wait3A_955, %dma_wait3A_956] : memref<5x25x80xi32, #tpu.memory_space<hbm>> -> memref<1x25x80xi32, #tpu.memory_space<hbm>>
    %dma_wait3A_958 = tpu.memref_squeeze %dma_wait3A_957 : memref<1x25x80xi32, #tpu.memory_space<hbm>> -> memref<25x80xi32, #tpu.memory_space<hbm>>
    %dma_wait3A_959 = arith.constant 0 : i32
    %dma_wait3A_960 = arith.constant 0 : i32
    %dma_wait3A_961 = tpu.memref_slice %arg9[%dma_wait3A_945, %dma_wait3A_959, %dma_wait3A_960] : memref<2x25x80xi32, #tpu.memory_space<vmem>> -> memref<1x25x80xi32, #tpu.memory_space<vmem>>
    %dma_wait3A_962 = tpu.memref_squeeze %dma_wait3A_961 : memref<1x25x80xi32, #tpu.memory_space<vmem>> -> memref<25x80xi32, #tpu.memory_space<vmem>>
    %dma_wait3A_963 = arith.constant 0 : i32
    %dma_wait3A_964 = arith.constant 0 : i32
    %dma_wait3A_965 = arith.constant 0 : i32
    %dma_wait3A_966 = tpu.memref_slice %arg4[%add3A, %dma_wait3A_963, %dma_wait3A_964, %dma_wait3A_965] : memref<32x5x25x80xi32, #tpu.memory_space<hbm>> -> memref<1x5x25x80xi32, #tpu.memory_space<hbm>>
    %dma_wait3A_967 = tpu.memref_squeeze %dma_wait3A_966 : memref<1x5x25x80xi32, #tpu.memory_space<hbm>> -> memref<5x25x80xi32, #tpu.memory_space<hbm>>
    %dma_wait3A_968 = arith.constant 0 : i32
    %dma_wait3A_969 = arith.constant 0 : i32
    %dma_wait3A_970 = tpu.memref_slice %dma_wait3A_967[%dma_wait3A_944, %dma_wait3A_968, %dma_wait3A_969] : memref<5x25x80xi32, #tpu.memory_space<hbm>> -> memref<1x25x80xi32, #tpu.memory_space<hbm>>
    %dma_wait3A_971 = tpu.memref_squeeze %dma_wait3A_970 : memref<1x25x80xi32, #tpu.memory_space<hbm>> -> memref<25x80xi32, #tpu.memory_space<hbm>>
    tpu.wait_dma2 semaphore(%arg17 : memref<!tpu.dma_semaphore, #tpu.memory_space<semaphore_mem>>) src(%dma_wait3A_971 : memref<25x80xi32, #tpu.memory_space<hbm>>) dst(%dma_wait3A_962 : memref<25x80xi32, #tpu.memory_space<vmem>>)
    %dma_start3A_972 = arith.constant 1 : i32
    %dma_start3A_973 = arith.constant 0 : i32
    %dma_start3A_974 = arith.constant 0 : i32
    %dma_start3A_975 = arith.constant 0 : i32
    %dma_start3A_976 = arith.constant 0 : i32
    %dma_start3A_977 = tpu.memref_slice %arg10[%dma_start3A_974, %dma_start3A_975, %dma_start3A_976] : memref<3x80x128xf32, #tpu.memory_space<vmem>> -> memref<1x80x128xf32, #tpu.memory_space<vmem>>
    %dma_start3A_978 = tpu.memref_squeeze %dma_start3A_977 : memref<1x80x128xf32, #tpu.memory_space<vmem>> -> memref<80x128xf32, #tpu.memory_space<vmem>>
    %dma_start3A_979 = arith.constant 0 : i32
    %dma_start3A_980 = arith.constant 0 : i32
    %dma_start3A_981 = tpu.memref_slice %arg8[%dma_start3A_972, %dma_start3A_979, %dma_start3A_980] : memref<2x25x80xi32, #tpu.memory_space<vmem>> -> memref<1x25x80xi32, #tpu.memory_space<vmem>>
    %dma_start3A_982 = tpu.memref_squeeze %dma_start3A_981 : memref<1x25x80xi32, #tpu.memory_space<vmem>> -> memref<25x80xi32, #tpu.memory_space<vmem>>
    %dma_start3A_983 = arith.constant 0 : i32
    %dma_start3A_984 = tpu.memref_slice %dma_start3A_982[%dma_start3A_973, %dma_start3A_983] : memref<25x80xi32, #tpu.memory_space<vmem>> -> memref<1x80xi32, #tpu.memory_space<vmem>>
    %dma_start3A_985 = tpu.memref_squeeze %dma_start3A_984 : memref<1x80xi32, #tpu.memory_space<vmem>> -> memref<80xi32, #tpu.memory_space<vmem>>
    %dma_start3A_986 = arith.constant 0 : i32
    %dma_start3A_987 = arith.constant 0 : i32
    %dma_start3A_988 = tpu.memref_slice %arg2[%dma_start3A_986, %dma_start3A_987] : memref<10000x128xf32, #tpu.memory_space<hbm>> -> memref<10000x128xf32, #tpu.memory_space<hbm>>
    tpu.enqueue_indirect_dma source(%dma_start3A_988 : memref<10000x128xf32, #tpu.memory_space<hbm>>) target(%dma_start3A_978 : memref<80x128xf32, #tpu.memory_space<vmem>>) offsets(%dma_start3A_985 : memref<80xi32, #tpu.memory_space<vmem>>) semaphore(%arg14 : memref<!tpu.dma_semaphore, #tpu.memory_space<semaphore_mem>>)
    %dma_start3A_989 = arith.constant 1 : i32
    %dma_start3A_990 = arith.constant 1 : i32
    %dma_start3A_991 = arith.constant 1 : i32
    %dma_start3A_992 = arith.constant 0 : i32
    %dma_start3A_993 = arith.constant 0 : i32
    %dma_start3A_994 = tpu.memref_slice %arg10[%dma_start3A_991, %dma_start3A_992, %dma_start3A_993] : memref<3x80x128xf32, #tpu.memory_space<vmem>> -> memref<1x80x128xf32, #tpu.memory_space<vmem>>
    %dma_start3A_995 = tpu.memref_squeeze %dma_start3A_994 : memref<1x80x128xf32, #tpu.memory_space<vmem>> -> memref<80x128xf32, #tpu.memory_space<vmem>>
    %dma_start3A_996 = arith.constant 0 : i32
    %dma_start3A_997 = arith.constant 0 : i32
    %dma_start3A_998 = tpu.memref_slice %arg8[%dma_start3A_989, %dma_start3A_996, %dma_start3A_997] : memref<2x25x80xi32, #tpu.memory_space<vmem>> -> memref<1x25x80xi32, #tpu.memory_space<vmem>>
    %dma_start3A_999 = tpu.memref_squeeze %dma_start3A_998 : memref<1x25x80xi32, #tpu.memory_space<vmem>> -> memref<25x80xi32, #tpu.memory_space<vmem>>
    %dma_start3A_1000 = arith.constant 0 : i32
    %dma_start3A_1001 = tpu.memref_slice %dma_start3A_999[%dma_start3A_990, %dma_start3A_1000] : memref<25x80xi32, #tpu.memory_space<vmem>> -> memref<1x80xi32, #tpu.memory_space<vmem>>
    %dma_start3A_1002 = tpu.memref_squeeze %dma_start3A_1001 : memref<1x80xi32, #tpu.memory_space<vmem>> -> memref<80xi32, #tpu.memory_space<vmem>>
    %dma_start3A_1003 = arith.constant 0 : i32
    %dma_start3A_1004 = arith.constant 0 : i32
    %dma_start3A_1005 = tpu.memref_slice %arg2[%dma_start3A_1003, %dma_start3A_1004] : memref<10000x128xf32, #tpu.memory_space<hbm>> -> memref<10000x128xf32, #tpu.memory_space<hbm>>
    tpu.enqueue_indirect_dma source(%dma_start3A_1005 : memref<10000x128xf32, #tpu.memory_space<hbm>>) target(%dma_start3A_995 : memref<80x128xf32, #tpu.memory_space<vmem>>) offsets(%dma_start3A_1002 : memref<80xi32, #tpu.memory_space<vmem>>) semaphore(%arg14 : memref<!tpu.dma_semaphore, #tpu.memory_space<semaphore_mem>>)
    %scan3A_1006 = arith.constant 0 : i32
    %scan3A_1007 = arith.constant 0 : i32
    %scan3A_1008 = arith.constant 0 : i32
    %scan3A_1009 = arith.constant 25 : i32
    %scan3A_1010 = arith.addi %scan3A_1008, %scan3A_1009 : i32
    %scan3A_1011 = arith.constant 1 : i32
    scf.for %scan3A_1238 = %scan3A_1008 to %scan3A_1010 step %scan3A_1011  : i32 {
      %dma_wait3A_1239 = arith.constant 0 : i32
      %dma_wait3A_1240 = arith.constant 0 : i32
      %dma_wait3A_1241 = tpu.memref_slice %arg11[%dma_wait3A_1240] : memref<128xf32, #tpu.memory_space<vmem>> -> memref<80xf32, #tpu.memory_space<vmem>>
      %dma_wait3A_1242 = arith.constant 0 : i32
      %dma_wait3A_1243 = arith.constant 0 : i32
      %dma_wait3A_1244 = tpu.memref_slice %arg9[%scan3A_1007, %dma_wait3A_1242, %dma_wait3A_1243] : memref<2x25x80xi32, #tpu.memory_space<vmem>> -> memref<1x25x80xi32, #tpu.memory_space<vmem>>
      %dma_wait3A_1245 = tpu.memref_squeeze %dma_wait3A_1244 : memref<1x25x80xi32, #tpu.memory_space<vmem>> -> memref<25x80xi32, #tpu.memory_space<vmem>>
      %dma_wait3A_1246 = arith.constant 0 : i32
      %dma_wait3A_1247 = tpu.memref_slice %dma_wait3A_1245[%dma_wait3A_1239, %dma_wait3A_1246] : memref<25x80xi32, #tpu.memory_space<vmem>> -> memref<1x80xi32, #tpu.memory_space<vmem>>
      %dma_wait3A_1248 = tpu.memref_squeeze %dma_wait3A_1247 : memref<1x80xi32, #tpu.memory_space<vmem>> -> memref<80xi32, #tpu.memory_space<vmem>>
      %dma_wait3A_1249 = arith.constant 0 : i32
      %dma_wait3A_1250 = tpu.memref_slice %arg13[%dma_wait3A_1249] : memref<10000xf32, #tpu.memory_space<vmem_shared>> -> memref<10000xf32, #tpu.memory_space<vmem_shared>>
      tpu.wait_indirect_dma semaphore(%arg16 : memref<!tpu.dma_semaphore, #tpu.memory_space<semaphore_mem>>) src(%dma_wait3A_1241 : memref<80xf32, #tpu.memory_space<vmem>>) dst(%dma_wait3A_1250 : memref<10000xf32, #tpu.memory_space<vmem_shared>>)
    }
    %scan3A_1012 = arith.constant 25 : i32
    %dma_start3A_1013 = arith.constant 4 : i32
    %dma_start3A_1014 = arith.constant 0 : i32
    %dma_start3A_1015 = arith.constant 0 : i32
    %dma_start3A_1016 = arith.constant 0 : i32
    %dma_start3A_1017 = tpu.memref_slice %arg8[%dma_start3A_1014, %dma_start3A_1015, %dma_start3A_1016] : memref<2x25x80xi32, #tpu.memory_space<vmem>> -> memref<1x25x80xi32, #tpu.memory_space<vmem>>
    %dma_start3A_1018 = tpu.memref_squeeze %dma_start3A_1017 : memref<1x25x80xi32, #tpu.memory_space<vmem>> -> memref<25x80xi32, #tpu.memory_space<vmem>>
    %dma_start3A_1019 = arith.constant 0 : i32
    %dma_start3A_1020 = arith.constant 0 : i32
    %dma_start3A_1021 = arith.constant 0 : i32
    %dma_start3A_1022 = tpu.memref_slice %arg3[%add3A, %dma_start3A_1019, %dma_start3A_1020, %dma_start3A_1021] : memref<32x5x25x80xi32, #tpu.memory_space<hbm>> -> memref<1x5x25x80xi32, #tpu.memory_space<hbm>>
    %dma_start3A_1023 = tpu.memref_squeeze %dma_start3A_1022 : memref<1x5x25x80xi32, #tpu.memory_space<hbm>> -> memref<5x25x80xi32, #tpu.memory_space<hbm>>
    %dma_start3A_1024 = arith.constant 0 : i32
    %dma_start3A_1025 = arith.constant 0 : i32
    %dma_start3A_1026 = tpu.memref_slice %dma_start3A_1023[%dma_start3A_1013, %dma_start3A_1024, %dma_start3A_1025] : memref<5x25x80xi32, #tpu.memory_space<hbm>> -> memref<1x25x80xi32, #tpu.memory_space<hbm>>
    %dma_start3A_1027 = tpu.memref_squeeze %dma_start3A_1026 : memref<1x25x80xi32, #tpu.memory_space<hbm>> -> memref<25x80xi32, #tpu.memory_space<hbm>>
    %dma_start3A_1028 = arith.constant 0 : i32
    %dma_start3A_1029 = arith.constant 0 : i32
    %dma_start3A_1030 = tpu.memref_slice %arg8[%dma_start3A_1014, %dma_start3A_1028, %dma_start3A_1029] : memref<2x25x80xi32, #tpu.memory_space<vmem>> -> memref<1x25x80xi32, #tpu.memory_space<vmem>>
    %dma_start3A_1031 = tpu.memref_squeeze %dma_start3A_1030 : memref<1x25x80xi32, #tpu.memory_space<vmem>> -> memref<25x80xi32, #tpu.memory_space<vmem>>
    %dma_start3A_1032 = arith.constant 0 : i32
    %dma_start3A_1033 = arith.constant 0 : i32
    %dma_start3A_1034 = arith.constant 0 : i32
    %dma_start3A_1035 = tpu.memref_slice %arg3[%add3A, %dma_start3A_1032, %dma_start3A_1033, %dma_start3A_1034] : memref<32x5x25x80xi32, #tpu.memory_space<hbm>> -> memref<1x5x25x80xi32, #tpu.memory_space<hbm>>
    %dma_start3A_1036 = tpu.memref_squeeze %dma_start3A_1035 : memref<1x5x25x80xi32, #tpu.memory_space<hbm>> -> memref<5x25x80xi32, #tpu.memory_space<hbm>>
    %dma_start3A_1037 = arith.constant 0 : i32
    %dma_start3A_1038 = arith.constant 0 : i32
    %dma_start3A_1039 = tpu.memref_slice %dma_start3A_1036[%dma_start3A_1013, %dma_start3A_1037, %dma_start3A_1038] : memref<5x25x80xi32, #tpu.memory_space<hbm>> -> memref<1x25x80xi32, #tpu.memory_space<hbm>>
    %dma_start3A_1040 = tpu.memref_squeeze %dma_start3A_1039 : memref<1x25x80xi32, #tpu.memory_space<hbm>> -> memref<25x80xi32, #tpu.memory_space<hbm>>
    tpu.enqueue_dma source(%dma_start3A_1040 : memref<25x80xi32, #tpu.memory_space<hbm>>) target(%dma_start3A_1031 : memref<25x80xi32, #tpu.memory_space<vmem>>) target_semaphore(%arg17 : memref<!tpu.dma_semaphore, #tpu.memory_space<semaphore_mem>>)
    %dma_start3A_1041 = arith.constant 4 : i32
    %dma_start3A_1042 = arith.constant 0 : i32
    %dma_start3A_1043 = arith.constant 0 : i32
    %dma_start3A_1044 = arith.constant 0 : i32
    %dma_start3A_1045 = tpu.memref_slice %arg9[%dma_start3A_1042, %dma_start3A_1043, %dma_start3A_1044] : memref<2x25x80xi32, #tpu.memory_space<vmem>> -> memref<1x25x80xi32, #tpu.memory_space<vmem>>
    %dma_start3A_1046 = tpu.memref_squeeze %dma_start3A_1045 : memref<1x25x80xi32, #tpu.memory_space<vmem>> -> memref<25x80xi32, #tpu.memory_space<vmem>>
    %dma_start3A_1047 = arith.constant 0 : i32
    %dma_start3A_1048 = arith.constant 0 : i32
    %dma_start3A_1049 = arith.constant 0 : i32
    %dma_start3A_1050 = tpu.memref_slice %arg4[%add3A, %dma_start3A_1047, %dma_start3A_1048, %dma_start3A_1049] : memref<32x5x25x80xi32, #tpu.memory_space<hbm>> -> memref<1x5x25x80xi32, #tpu.memory_space<hbm>>
    %dma_start3A_1051 = tpu.memref_squeeze %dma_start3A_1050 : memref<1x5x25x80xi32, #tpu.memory_space<hbm>> -> memref<5x25x80xi32, #tpu.memory_space<hbm>>
    %dma_start3A_1052 = arith.constant 0 : i32
    %dma_start3A_1053 = arith.constant 0 : i32
    %dma_start3A_1054 = tpu.memref_slice %dma_start3A_1051[%dma_start3A_1041, %dma_start3A_1052, %dma_start3A_1053] : memref<5x25x80xi32, #tpu.memory_space<hbm>> -> memref<1x25x80xi32, #tpu.memory_space<hbm>>
    %dma_start3A_1055 = tpu.memref_squeeze %dma_start3A_1054 : memref<1x25x80xi32, #tpu.memory_space<hbm>> -> memref<25x80xi32, #tpu.memory_space<hbm>>
    %dma_start3A_1056 = arith.constant 0 : i32
    %dma_start3A_1057 = arith.constant 0 : i32
    %dma_start3A_1058 = tpu.memref_slice %arg9[%dma_start3A_1042, %dma_start3A_1056, %dma_start3A_1057] : memref<2x25x80xi32, #tpu.memory_space<vmem>> -> memref<1x25x80xi32, #tpu.memory_space<vmem>>
    %dma_start3A_1059 = tpu.memref_squeeze %dma_start3A_1058 : memref<1x25x80xi32, #tpu.memory_space<vmem>> -> memref<25x80xi32, #tpu.memory_space<vmem>>
    %dma_start3A_1060 = arith.constant 0 : i32
    %dma_start3A_1061 = arith.constant 0 : i32
    %dma_start3A_1062 = arith.constant 0 : i32
    %dma_start3A_1063 = tpu.memref_slice %arg4[%add3A, %dma_start3A_1060, %dma_start3A_1061, %dma_start3A_1062] : memref<32x5x25x80xi32, #tpu.memory_space<hbm>> -> memref<1x5x25x80xi32, #tpu.memory_space<hbm>>
    %dma_start3A_1064 = tpu.memref_squeeze %dma_start3A_1063 : memref<1x5x25x80xi32, #tpu.memory_space<hbm>> -> memref<5x25x80xi32, #tpu.memory_space<hbm>>
    %dma_start3A_1065 = arith.constant 0 : i32
    %dma_start3A_1066 = arith.constant 0 : i32
    %dma_start3A_1067 = tpu.memref_slice %dma_start3A_1064[%dma_start3A_1041, %dma_start3A_1065, %dma_start3A_1066] : memref<5x25x80xi32, #tpu.memory_space<hbm>> -> memref<1x25x80xi32, #tpu.memory_space<hbm>>
    %dma_start3A_1068 = tpu.memref_squeeze %dma_start3A_1067 : memref<1x25x80xi32, #tpu.memory_space<hbm>> -> memref<25x80xi32, #tpu.memory_space<hbm>>
    tpu.enqueue_dma source(%dma_start3A_1068 : memref<25x80xi32, #tpu.memory_space<hbm>>) target(%dma_start3A_1059 : memref<25x80xi32, #tpu.memory_space<vmem>>) target_semaphore(%arg17 : memref<!tpu.dma_semaphore, #tpu.memory_space<semaphore_mem>>)
    %scan3A_1069 = arith.constant 0 : i32
    %scan3A_1070 = arith.constant 1 : i32
    %scan3A_1071 = arith.constant 1 : i32
    %scan3A_1072 = arith.constant 0 : i32
    %scan3A_1073 = arith.constant 25 : i32
    %scan3A_1074 = arith.addi %scan3A_1072, %scan3A_1073 : i32
    %scan3A_1075 = arith.constant 1 : i32
    scf.for %scan3A_1238 = %scan3A_1072 to %scan3A_1074 step %scan3A_1075  : i32 {
      %rem3A = arith.constant 3 : i32
      %rem3A_1239 = arith.remsi %scan3A_1238, %rem3A : i32
      %dma_wait3A_1240 = arith.constant 0 : i32
      %dma_wait3A_1241 = arith.constant 0 : i32
      %dma_wait3A_1242 = tpu.memref_slice %arg10[%rem3A_1239, %dma_wait3A_1240, %dma_wait3A_1241] : memref<3x80x128xf32, #tpu.memory_space<vmem>> -> memref<1x80x128xf32, #tpu.memory_space<vmem>>
      %dma_wait3A_1243 = tpu.memref_squeeze %dma_wait3A_1242 : memref<1x80x128xf32, #tpu.memory_space<vmem>> -> memref<80x128xf32, #tpu.memory_space<vmem>>
      %dma_wait3A_1244 = arith.constant 0 : i32
      %dma_wait3A_1245 = arith.constant 0 : i32
      %dma_wait3A_1246 = tpu.memref_slice %arg8[%scan3A_1070, %dma_wait3A_1244, %dma_wait3A_1245] : memref<2x25x80xi32, #tpu.memory_space<vmem>> -> memref<1x25x80xi32, #tpu.memory_space<vmem>>
      %dma_wait3A_1247 = tpu.memref_squeeze %dma_wait3A_1246 : memref<1x25x80xi32, #tpu.memory_space<vmem>> -> memref<25x80xi32, #tpu.memory_space<vmem>>
      %dma_wait3A_1248 = arith.constant 0 : i32
      %dma_wait3A_1249 = tpu.memref_slice %dma_wait3A_1247[%scan3A_1238, %dma_wait3A_1248] : memref<25x80xi32, #tpu.memory_space<vmem>> -> memref<1x80xi32, #tpu.memory_space<vmem>>
      %dma_wait3A_1250 = tpu.memref_squeeze %dma_wait3A_1249 : memref<1x80xi32, #tpu.memory_space<vmem>> -> memref<80xi32, #tpu.memory_space<vmem>>
      %dma_wait3A_1251 = arith.constant 0 : i32
      %dma_wait3A_1252 = arith.constant 0 : i32
      %dma_wait3A_1253 = tpu.memref_slice %arg2[%dma_wait3A_1251, %dma_wait3A_1252] : memref<10000x128xf32, #tpu.memory_space<hbm>> -> memref<10000x128xf32, #tpu.memory_space<hbm>>
      tpu.wait_indirect_dma semaphore(%arg14 : memref<!tpu.dma_semaphore, #tpu.memory_space<semaphore_mem>>) src(%dma_wait3A_1253 : memref<10000x128xf32, #tpu.memory_space<hbm>>) dst(%dma_wait3A_1243 : memref<80x128xf32, #tpu.memory_space<vmem>>)
      %dma_start3A_1254 = arith.constant 0 : i32
      %dma_start3A_1255 = arith.constant 0 : i32
      %dma_start3A_1256 = tpu.memref_slice %arg10[%rem3A_1239, %dma_start3A_1254, %dma_start3A_1255] : memref<3x80x128xf32, #tpu.memory_space<vmem>> -> memref<1x80x128xf32, #tpu.memory_space<vmem>>
      %dma_start3A_1257 = tpu.memref_squeeze %dma_start3A_1256 : memref<1x80x128xf32, #tpu.memory_space<vmem>> -> memref<80x128xf32, #tpu.memory_space<vmem>>
      %dma_start3A_1258 = arith.constant 0 : i32
      %dma_start3A_1259 = arith.constant 0 : i32
      %dma_start3A_1260 = tpu.memref_slice %arg9[%scan3A_1071, %dma_start3A_1258, %dma_start3A_1259] : memref<2x25x80xi32, #tpu.memory_space<vmem>> -> memref<1x25x80xi32, #tpu.memory_space<vmem>>
      %dma_start3A_1261 = tpu.memref_squeeze %dma_start3A_1260 : memref<1x25x80xi32, #tpu.memory_space<vmem>> -> memref<25x80xi32, #tpu.memory_space<vmem>>
      %dma_start3A_1262 = arith.constant 0 : i32
      %dma_start3A_1263 = tpu.memref_slice %dma_start3A_1261[%scan3A_1238, %dma_start3A_1262] : memref<25x80xi32, #tpu.memory_space<vmem>> -> memref<1x80xi32, #tpu.memory_space<vmem>>
      %dma_start3A_1264 = tpu.memref_squeeze %dma_start3A_1263 : memref<1x80xi32, #tpu.memory_space<vmem>> -> memref<80xi32, #tpu.memory_space<vmem>>
      %dma_start3A_1265 = arith.constant 0 : i32
      %dma_start3A_1266 = arith.constant 0 : i32
      %dma_start3A_1267 = tpu.memref_slice %arg12[%dma_start3A_1265, %dma_start3A_1266] : memref<10000x128xf32, #tpu.memory_space<vmem_shared>> -> memref<10000x128xf32, #tpu.memory_space<vmem_shared>>
      tpu.enqueue_indirect_dma source(%dma_start3A_1257 : memref<80x128xf32, #tpu.memory_space<vmem>>) target(%dma_start3A_1267 : memref<10000x128xf32, #tpu.memory_space<vmem_shared>>) offsets(%dma_start3A_1264 : memref<80xi32, #tpu.memory_space<vmem>>) semaphore(%arg15 : memref<!tpu.dma_semaphore, #tpu.memory_space<semaphore_mem>>) {add = true}
      %dma_start3A_1268 = arith.constant 0 : i32
      %dma_start3A_1269 = tpu.memref_slice %arg11[%dma_start3A_1268] : memref<128xf32, #tpu.memory_space<vmem>> -> memref<80xf32, #tpu.memory_space<vmem>>
      %dma_start3A_1270 = arith.constant 0 : i32
      %dma_start3A_1271 = arith.constant 0 : i32
      %dma_start3A_1272 = tpu.memref_slice %arg9[%scan3A_1071, %dma_start3A_1270, %dma_start3A_1271] : memref<2x25x80xi32, #tpu.memory_space<vmem>> -> memref<1x25x80xi32, #tpu.memory_space<vmem>>
      %dma_start3A_1273 = tpu.memref_squeeze %dma_start3A_1272 : memref<1x25x80xi32, #tpu.memory_space<vmem>> -> memref<25x80xi32, #tpu.memory_space<vmem>>
      %dma_start3A_1274 = arith.constant 0 : i32
      %dma_start3A_1275 = tpu.memref_slice %dma_start3A_1273[%scan3A_1238, %dma_start3A_1274] : memref<25x80xi32, #tpu.memory_space<vmem>> -> memref<1x80xi32, #tpu.memory_space<vmem>>
      %dma_start3A_1276 = tpu.memref_squeeze %dma_start3A_1275 : memref<1x80xi32, #tpu.memory_space<vmem>> -> memref<80xi32, #tpu.memory_space<vmem>>
      %dma_start3A_1277 = arith.constant 0 : i32
      %dma_start3A_1278 = tpu.memref_slice %arg13[%dma_start3A_1277] : memref<10000xf32, #tpu.memory_space<vmem_shared>> -> memref<10000xf32, #tpu.memory_space<vmem_shared>>
      tpu.enqueue_indirect_dma source(%dma_start3A_1269 : memref<80xf32, #tpu.memory_space<vmem>>) target(%dma_start3A_1278 : memref<10000xf32, #tpu.memory_space<vmem_shared>>) offsets(%dma_start3A_1276 : memref<80xi32, #tpu.memory_space<vmem>>) semaphore(%arg16 : memref<!tpu.dma_semaphore, #tpu.memory_space<semaphore_mem>>) {add = true}
      %add3A_1279 = arith.constant 3 : i32
      %add3A_1280 = arith.addi %scan3A_1238, %add3A_1279 : i32
      %sub3A = arith.constant 1 : i32
      %sub3A_1281 = arith.subi %add3A_1280, %sub3A : i32
      %rem3A_1282 = arith.constant 3 : i32
      %rem3A_1283 = arith.remsi %sub3A_1281, %rem3A_1282 : i32
      %gt3A = arith.constant 0 : i32
      %gt3A_1284 = arith.cmpi sgt, %scan3A_1238, %gt3A : i32
      %convert_element_type3A_1285 = arith.extui %gt3A_1284 : i1 to i32
      %cond3A_1286 = arith.constant 0 : i32
      %cond3A_1287 = arith.cmpi ne, %convert_element_type3A_1285, %cond3A_1286 : i32
      scf.if %cond3A_1287 {
        %sub3A_1292 = arith.constant 1 : i32
        %sub3A_1293 = arith.subi %scan3A_1238, %sub3A_1292 : i32
        %dma_wait3A_1294 = arith.constant 0 : i32
        %dma_wait3A_1295 = arith.constant 0 : i32
        %dma_wait3A_1296 = tpu.memref_slice %arg10[%rem3A_1283, %dma_wait3A_1294, %dma_wait3A_1295] : memref<3x80x128xf32, #tpu.memory_space<vmem>> -> memref<1x80x128xf32, #tpu.memory_space<vmem>>
        %dma_wait3A_1297 = tpu.memref_squeeze %dma_wait3A_1296 : memref<1x80x128xf32, #tpu.memory_space<vmem>> -> memref<80x128xf32, #tpu.memory_space<vmem>>
        %dma_wait3A_1298 = arith.constant 0 : i32
        %dma_wait3A_1299 = arith.constant 0 : i32
        %dma_wait3A_1300 = tpu.memref_slice %arg9[%scan3A_1071, %dma_wait3A_1298, %dma_wait3A_1299] : memref<2x25x80xi32, #tpu.memory_space<vmem>> -> memref<1x25x80xi32, #tpu.memory_space<vmem>>
        %dma_wait3A_1301 = tpu.memref_squeeze %dma_wait3A_1300 : memref<1x25x80xi32, #tpu.memory_space<vmem>> -> memref<25x80xi32, #tpu.memory_space<vmem>>
        %dma_wait3A_1302 = arith.constant 0 : i32
        %dma_wait3A_1303 = tpu.memref_slice %dma_wait3A_1301[%sub3A_1293, %dma_wait3A_1302] : memref<25x80xi32, #tpu.memory_space<vmem>> -> memref<1x80xi32, #tpu.memory_space<vmem>>
        %dma_wait3A_1304 = tpu.memref_squeeze %dma_wait3A_1303 : memref<1x80xi32, #tpu.memory_space<vmem>> -> memref<80xi32, #tpu.memory_space<vmem>>
        %dma_wait3A_1305 = arith.constant 0 : i32
        %dma_wait3A_1306 = arith.constant 0 : i32
        %dma_wait3A_1307 = tpu.memref_slice %arg12[%dma_wait3A_1305, %dma_wait3A_1306] : memref<10000x128xf32, #tpu.memory_space<vmem_shared>> -> memref<10000x128xf32, #tpu.memory_space<vmem_shared>>
        tpu.wait_indirect_dma semaphore(%arg15 : memref<!tpu.dma_semaphore, #tpu.memory_space<semaphore_mem>>) src(%dma_wait3A_1297 : memref<80x128xf32, #tpu.memory_space<vmem>>) dst(%dma_wait3A_1307 : memref<10000x128xf32, #tpu.memory_space<vmem_shared>>)
      } else {
      }
      %lt3A = arith.constant 23 : i32
      %lt3A_1288 = arith.cmpi slt, %scan3A_1238, %lt3A : i32
      %convert_element_type3A_1289 = arith.extui %lt3A_1288 : i1 to i32
      %cond3A_1290 = arith.constant 0 : i32
      %cond3A_1291 = arith.cmpi ne, %convert_element_type3A_1289, %cond3A_1290 : i32
      scf.if %cond3A_1291 {
        %add3A_1292 = arith.constant 3 : i32
        %add3A_1293 = arith.addi %scan3A_1238, %add3A_1292 : i32
        %sub3A_1294 = arith.constant 1 : i32
        %sub3A_1295 = arith.subi %add3A_1293, %sub3A_1294 : i32
        %dma_start3A_1296 = arith.constant 0 : i32
        %dma_start3A_1297 = arith.constant 0 : i32
        %dma_start3A_1298 = tpu.memref_slice %arg10[%rem3A_1283, %dma_start3A_1296, %dma_start3A_1297] : memref<3x80x128xf32, #tpu.memory_space<vmem>> -> memref<1x80x128xf32, #tpu.memory_space<vmem>>
        %dma_start3A_1299 = tpu.memref_squeeze %dma_start3A_1298 : memref<1x80x128xf32, #tpu.memory_space<vmem>> -> memref<80x128xf32, #tpu.memory_space<vmem>>
        %dma_start3A_1300 = arith.constant 0 : i32
        %dma_start3A_1301 = arith.constant 0 : i32
        %dma_start3A_1302 = tpu.memref_slice %arg8[%scan3A_1070, %dma_start3A_1300, %dma_start3A_1301] : memref<2x25x80xi32, #tpu.memory_space<vmem>> -> memref<1x25x80xi32, #tpu.memory_space<vmem>>
        %dma_start3A_1303 = tpu.memref_squeeze %dma_start3A_1302 : memref<1x25x80xi32, #tpu.memory_space<vmem>> -> memref<25x80xi32, #tpu.memory_space<vmem>>
        %dma_start3A_1304 = arith.constant 0 : i32
        %dma_start3A_1305 = tpu.memref_slice %dma_start3A_1303[%sub3A_1295, %dma_start3A_1304] : memref<25x80xi32, #tpu.memory_space<vmem>> -> memref<1x80xi32, #tpu.memory_space<vmem>>
        %dma_start3A_1306 = tpu.memref_squeeze %dma_start3A_1305 : memref<1x80xi32, #tpu.memory_space<vmem>> -> memref<80xi32, #tpu.memory_space<vmem>>
        %dma_start3A_1307 = arith.constant 0 : i32
        %dma_start3A_1308 = arith.constant 0 : i32
        %dma_start3A_1309 = tpu.memref_slice %arg2[%dma_start3A_1307, %dma_start3A_1308] : memref<10000x128xf32, #tpu.memory_space<hbm>> -> memref<10000x128xf32, #tpu.memory_space<hbm>>
        tpu.enqueue_indirect_dma source(%dma_start3A_1309 : memref<10000x128xf32, #tpu.memory_space<hbm>>) target(%dma_start3A_1299 : memref<80x128xf32, #tpu.memory_space<vmem>>) offsets(%dma_start3A_1306 : memref<80xi32, #tpu.memory_space<vmem>>) semaphore(%arg14 : memref<!tpu.dma_semaphore, #tpu.memory_space<semaphore_mem>>)
      } else {
      }
    }
    %scan3A_1076 = arith.constant 25 : i32
    %dma_wait3A_1077 = arith.constant 0 : i32
    %dma_wait3A_1078 = arith.constant 1 : i32
    %dma_wait3A_1079 = arith.constant 0 : i32
    %dma_wait3A_1080 = arith.constant 0 : i32
    %dma_wait3A_1081 = arith.constant 0 : i32
    %dma_wait3A_1082 = tpu.memref_slice %arg10[%dma_wait3A_1077, %dma_wait3A_1080, %dma_wait3A_1081] : memref<3x80x128xf32, #tpu.memory_space<vmem>> -> memref<1x80x128xf32, #tpu.memory_space<vmem>>
    %dma_wait3A_1083 = tpu.memref_squeeze %dma_wait3A_1082 : memref<1x80x128xf32, #tpu.memory_space<vmem>> -> memref<80x128xf32, #tpu.memory_space<vmem>>
    %dma_wait3A_1084 = arith.constant 0 : i32
    %dma_wait3A_1085 = arith.constant 0 : i32
    %dma_wait3A_1086 = tpu.memref_slice %arg9[%dma_wait3A_1078, %dma_wait3A_1084, %dma_wait3A_1085] : memref<2x25x80xi32, #tpu.memory_space<vmem>> -> memref<1x25x80xi32, #tpu.memory_space<vmem>>
    %dma_wait3A_1087 = tpu.memref_squeeze %dma_wait3A_1086 : memref<1x25x80xi32, #tpu.memory_space<vmem>> -> memref<25x80xi32, #tpu.memory_space<vmem>>
    %dma_wait3A_1088 = arith.constant 0 : i32
    %dma_wait3A_1089 = tpu.memref_slice %dma_wait3A_1087[%dma_wait3A_1079, %dma_wait3A_1088] : memref<25x80xi32, #tpu.memory_space<vmem>> -> memref<1x80xi32, #tpu.memory_space<vmem>>
    %dma_wait3A_1090 = tpu.memref_squeeze %dma_wait3A_1089 : memref<1x80xi32, #tpu.memory_space<vmem>> -> memref<80xi32, #tpu.memory_space<vmem>>
    %dma_wait3A_1091 = arith.constant 0 : i32
    %dma_wait3A_1092 = arith.constant 0 : i32
    %dma_wait3A_1093 = tpu.memref_slice %arg12[%dma_wait3A_1091, %dma_wait3A_1092] : memref<10000x128xf32, #tpu.memory_space<vmem_shared>> -> memref<10000x128xf32, #tpu.memory_space<vmem_shared>>
    tpu.wait_indirect_dma semaphore(%arg15 : memref<!tpu.dma_semaphore, #tpu.memory_space<semaphore_mem>>) src(%dma_wait3A_1083 : memref<80x128xf32, #tpu.memory_space<vmem>>) dst(%dma_wait3A_1093 : memref<10000x128xf32, #tpu.memory_space<vmem_shared>>)
    %dma_wait3A_1094 = arith.constant 4 : i32
    %dma_wait3A_1095 = arith.constant 0 : i32
    %dma_wait3A_1096 = arith.constant 0 : i32
    %dma_wait3A_1097 = arith.constant 0 : i32
    %dma_wait3A_1098 = tpu.memref_slice %arg8[%dma_wait3A_1095, %dma_wait3A_1096, %dma_wait3A_1097] : memref<2x25x80xi32, #tpu.memory_space<vmem>> -> memref<1x25x80xi32, #tpu.memory_space<vmem>>
    %dma_wait3A_1099 = tpu.memref_squeeze %dma_wait3A_1098 : memref<1x25x80xi32, #tpu.memory_space<vmem>> -> memref<25x80xi32, #tpu.memory_space<vmem>>
    %dma_wait3A_1100 = arith.constant 0 : i32
    %dma_wait3A_1101 = arith.constant 0 : i32
    %dma_wait3A_1102 = arith.constant 0 : i32
    %dma_wait3A_1103 = tpu.memref_slice %arg3[%add3A, %dma_wait3A_1100, %dma_wait3A_1101, %dma_wait3A_1102] : memref<32x5x25x80xi32, #tpu.memory_space<hbm>> -> memref<1x5x25x80xi32, #tpu.memory_space<hbm>>
    %dma_wait3A_1104 = tpu.memref_squeeze %dma_wait3A_1103 : memref<1x5x25x80xi32, #tpu.memory_space<hbm>> -> memref<5x25x80xi32, #tpu.memory_space<hbm>>
    %dma_wait3A_1105 = arith.constant 0 : i32
    %dma_wait3A_1106 = arith.constant 0 : i32
    %dma_wait3A_1107 = tpu.memref_slice %dma_wait3A_1104[%dma_wait3A_1094, %dma_wait3A_1105, %dma_wait3A_1106] : memref<5x25x80xi32, #tpu.memory_space<hbm>> -> memref<1x25x80xi32, #tpu.memory_space<hbm>>
    %dma_wait3A_1108 = tpu.memref_squeeze %dma_wait3A_1107 : memref<1x25x80xi32, #tpu.memory_space<hbm>> -> memref<25x80xi32, #tpu.memory_space<hbm>>
    %dma_wait3A_1109 = arith.constant 0 : i32
    %dma_wait3A_1110 = arith.constant 0 : i32
    %dma_wait3A_1111 = tpu.memref_slice %arg8[%dma_wait3A_1095, %dma_wait3A_1109, %dma_wait3A_1110] : memref<2x25x80xi32, #tpu.memory_space<vmem>> -> memref<1x25x80xi32, #tpu.memory_space<vmem>>
    %dma_wait3A_1112 = tpu.memref_squeeze %dma_wait3A_1111 : memref<1x25x80xi32, #tpu.memory_space<vmem>> -> memref<25x80xi32, #tpu.memory_space<vmem>>
    %dma_wait3A_1113 = arith.constant 0 : i32
    %dma_wait3A_1114 = arith.constant 0 : i32
    %dma_wait3A_1115 = arith.constant 0 : i32
    %dma_wait3A_1116 = tpu.memref_slice %arg3[%add3A, %dma_wait3A_1113, %dma_wait3A_1114, %dma_wait3A_1115] : memref<32x5x25x80xi32, #tpu.memory_space<hbm>> -> memref<1x5x25x80xi32, #tpu.memory_space<hbm>>
    %dma_wait3A_1117 = tpu.memref_squeeze %dma_wait3A_1116 : memref<1x5x25x80xi32, #tpu.memory_space<hbm>> -> memref<5x25x80xi32, #tpu.memory_space<hbm>>
    %dma_wait3A_1118 = arith.constant 0 : i32
    %dma_wait3A_1119 = arith.constant 0 : i32
    %dma_wait3A_1120 = tpu.memref_slice %dma_wait3A_1117[%dma_wait3A_1094, %dma_wait3A_1118, %dma_wait3A_1119] : memref<5x25x80xi32, #tpu.memory_space<hbm>> -> memref<1x25x80xi32, #tpu.memory_space<hbm>>
    %dma_wait3A_1121 = tpu.memref_squeeze %dma_wait3A_1120 : memref<1x25x80xi32, #tpu.memory_space<hbm>> -> memref<25x80xi32, #tpu.memory_space<hbm>>
    tpu.wait_dma2 semaphore(%arg17 : memref<!tpu.dma_semaphore, #tpu.memory_space<semaphore_mem>>) src(%dma_wait3A_1121 : memref<25x80xi32, #tpu.memory_space<hbm>>) dst(%dma_wait3A_1112 : memref<25x80xi32, #tpu.memory_space<vmem>>)
    %dma_wait3A_1122 = arith.constant 4 : i32
    %dma_wait3A_1123 = arith.constant 0 : i32
    %dma_wait3A_1124 = arith.constant 0 : i32
    %dma_wait3A_1125 = arith.constant 0 : i32
    %dma_wait3A_1126 = tpu.memref_slice %arg9[%dma_wait3A_1123, %dma_wait3A_1124, %dma_wait3A_1125] : memref<2x25x80xi32, #tpu.memory_space<vmem>> -> memref<1x25x80xi32, #tpu.memory_space<vmem>>
    %dma_wait3A_1127 = tpu.memref_squeeze %dma_wait3A_1126 : memref<1x25x80xi32, #tpu.memory_space<vmem>> -> memref<25x80xi32, #tpu.memory_space<vmem>>
    %dma_wait3A_1128 = arith.constant 0 : i32
    %dma_wait3A_1129 = arith.constant 0 : i32
    %dma_wait3A_1130 = arith.constant 0 : i32
    %dma_wait3A_1131 = tpu.memref_slice %arg4[%add3A, %dma_wait3A_1128, %dma_wait3A_1129, %dma_wait3A_1130] : memref<32x5x25x80xi32, #tpu.memory_space<hbm>> -> memref<1x5x25x80xi32, #tpu.memory_space<hbm>>
    %dma_wait3A_1132 = tpu.memref_squeeze %dma_wait3A_1131 : memref<1x5x25x80xi32, #tpu.memory_space<hbm>> -> memref<5x25x80xi32, #tpu.memory_space<hbm>>
    %dma_wait3A_1133 = arith.constant 0 : i32
    %dma_wait3A_1134 = arith.constant 0 : i32
    %dma_wait3A_1135 = tpu.memref_slice %dma_wait3A_1132[%dma_wait3A_1122, %dma_wait3A_1133, %dma_wait3A_1134] : memref<5x25x80xi32, #tpu.memory_space<hbm>> -> memref<1x25x80xi32, #tpu.memory_space<hbm>>
    %dma_wait3A_1136 = tpu.memref_squeeze %dma_wait3A_1135 : memref<1x25x80xi32, #tpu.memory_space<hbm>> -> memref<25x80xi32, #tpu.memory_space<hbm>>
    %dma_wait3A_1137 = arith.constant 0 : i32
    %dma_wait3A_1138 = arith.constant 0 : i32
    %dma_wait3A_1139 = tpu.memref_slice %arg9[%dma_wait3A_1123, %dma_wait3A_1137, %dma_wait3A_1138] : memref<2x25x80xi32, #tpu.memory_space<vmem>> -> memref<1x25x80xi32, #tpu.memory_space<vmem>>
    %dma_wait3A_1140 = tpu.memref_squeeze %dma_wait3A_1139 : memref<1x25x80xi32, #tpu.memory_space<vmem>> -> memref<25x80xi32, #tpu.memory_space<vmem>>
    %dma_wait3A_1141 = arith.constant 0 : i32
    %dma_wait3A_1142 = arith.constant 0 : i32
    %dma_wait3A_1143 = arith.constant 0 : i32
    %dma_wait3A_1144 = tpu.memref_slice %arg4[%add3A, %dma_wait3A_1141, %dma_wait3A_1142, %dma_wait3A_1143] : memref<32x5x25x80xi32, #tpu.memory_space<hbm>> -> memref<1x5x25x80xi32, #tpu.memory_space<hbm>>
    %dma_wait3A_1145 = tpu.memref_squeeze %dma_wait3A_1144 : memref<1x5x25x80xi32, #tpu.memory_space<hbm>> -> memref<5x25x80xi32, #tpu.memory_space<hbm>>
    %dma_wait3A_1146 = arith.constant 0 : i32
    %dma_wait3A_1147 = arith.constant 0 : i32
    %dma_wait3A_1148 = tpu.memref_slice %dma_wait3A_1145[%dma_wait3A_1122, %dma_wait3A_1146, %dma_wait3A_1147] : memref<5x25x80xi32, #tpu.memory_space<hbm>> -> memref<1x25x80xi32, #tpu.memory_space<hbm>>
    %dma_wait3A_1149 = tpu.memref_squeeze %dma_wait3A_1148 : memref<1x25x80xi32, #tpu.memory_space<hbm>> -> memref<25x80xi32, #tpu.memory_space<hbm>>
    tpu.wait_dma2 semaphore(%arg17 : memref<!tpu.dma_semaphore, #tpu.memory_space<semaphore_mem>>) src(%dma_wait3A_1149 : memref<25x80xi32, #tpu.memory_space<hbm>>) dst(%dma_wait3A_1140 : memref<25x80xi32, #tpu.memory_space<vmem>>)
    %dma_start3A_1150 = arith.constant 0 : i32
    %dma_start3A_1151 = arith.constant 0 : i32
    %dma_start3A_1152 = arith.constant 0 : i32
    %dma_start3A_1153 = arith.constant 0 : i32
    %dma_start3A_1154 = arith.constant 0 : i32
    %dma_start3A_1155 = tpu.memref_slice %arg10[%dma_start3A_1152, %dma_start3A_1153, %dma_start3A_1154] : memref<3x80x128xf32, #tpu.memory_space<vmem>> -> memref<1x80x128xf32, #tpu.memory_space<vmem>>
    %dma_start3A_1156 = tpu.memref_squeeze %dma_start3A_1155 : memref<1x80x128xf32, #tpu.memory_space<vmem>> -> memref<80x128xf32, #tpu.memory_space<vmem>>
    %dma_start3A_1157 = arith.constant 0 : i32
    %dma_start3A_1158 = arith.constant 0 : i32
    %dma_start3A_1159 = tpu.memref_slice %arg8[%dma_start3A_1150, %dma_start3A_1157, %dma_start3A_1158] : memref<2x25x80xi32, #tpu.memory_space<vmem>> -> memref<1x25x80xi32, #tpu.memory_space<vmem>>
    %dma_start3A_1160 = tpu.memref_squeeze %dma_start3A_1159 : memref<1x25x80xi32, #tpu.memory_space<vmem>> -> memref<25x80xi32, #tpu.memory_space<vmem>>
    %dma_start3A_1161 = arith.constant 0 : i32
    %dma_start3A_1162 = tpu.memref_slice %dma_start3A_1160[%dma_start3A_1151, %dma_start3A_1161] : memref<25x80xi32, #tpu.memory_space<vmem>> -> memref<1x80xi32, #tpu.memory_space<vmem>>
    %dma_start3A_1163 = tpu.memref_squeeze %dma_start3A_1162 : memref<1x80xi32, #tpu.memory_space<vmem>> -> memref<80xi32, #tpu.memory_space<vmem>>
    %dma_start3A_1164 = arith.constant 0 : i32
    %dma_start3A_1165 = arith.constant 0 : i32
    %dma_start3A_1166 = tpu.memref_slice %arg2[%dma_start3A_1164, %dma_start3A_1165] : memref<10000x128xf32, #tpu.memory_space<hbm>> -> memref<10000x128xf32, #tpu.memory_space<hbm>>
    tpu.enqueue_indirect_dma source(%dma_start3A_1166 : memref<10000x128xf32, #tpu.memory_space<hbm>>) target(%dma_start3A_1156 : memref<80x128xf32, #tpu.memory_space<vmem>>) offsets(%dma_start3A_1163 : memref<80xi32, #tpu.memory_space<vmem>>) semaphore(%arg14 : memref<!tpu.dma_semaphore, #tpu.memory_space<semaphore_mem>>)
    %dma_start3A_1167 = arith.constant 0 : i32
    %dma_start3A_1168 = arith.constant 1 : i32
    %dma_start3A_1169 = arith.constant 1 : i32
    %dma_start3A_1170 = arith.constant 0 : i32
    %dma_start3A_1171 = arith.constant 0 : i32
    %dma_start3A_1172 = tpu.memref_slice %arg10[%dma_start3A_1169, %dma_start3A_1170, %dma_start3A_1171] : memref<3x80x128xf32, #tpu.memory_space<vmem>> -> memref<1x80x128xf32, #tpu.memory_space<vmem>>
    %dma_start3A_1173 = tpu.memref_squeeze %dma_start3A_1172 : memref<1x80x128xf32, #tpu.memory_space<vmem>> -> memref<80x128xf32, #tpu.memory_space<vmem>>
    %dma_start3A_1174 = arith.constant 0 : i32
    %dma_start3A_1175 = arith.constant 0 : i32
    %dma_start3A_1176 = tpu.memref_slice %arg8[%dma_start3A_1167, %dma_start3A_1174, %dma_start3A_1175] : memref<2x25x80xi32, #tpu.memory_space<vmem>> -> memref<1x25x80xi32, #tpu.memory_space<vmem>>
    %dma_start3A_1177 = tpu.memref_squeeze %dma_start3A_1176 : memref<1x25x80xi32, #tpu.memory_space<vmem>> -> memref<25x80xi32, #tpu.memory_space<vmem>>
    %dma_start3A_1178 = arith.constant 0 : i32
    %dma_start3A_1179 = tpu.memref_slice %dma_start3A_1177[%dma_start3A_1168, %dma_start3A_1178] : memref<25x80xi32, #tpu.memory_space<vmem>> -> memref<1x80xi32, #tpu.memory_space<vmem>>
    %dma_start3A_1180 = tpu.memref_squeeze %dma_start3A_1179 : memref<1x80xi32, #tpu.memory_space<vmem>> -> memref<80xi32, #tpu.memory_space<vmem>>
    %dma_start3A_1181 = arith.constant 0 : i32
    %dma_start3A_1182 = arith.constant 0 : i32
    %dma_start3A_1183 = tpu.memref_slice %arg2[%dma_start3A_1181, %dma_start3A_1182] : memref<10000x128xf32, #tpu.memory_space<hbm>> -> memref<10000x128xf32, #tpu.memory_space<hbm>>
    tpu.enqueue_indirect_dma source(%dma_start3A_1183 : memref<10000x128xf32, #tpu.memory_space<hbm>>) target(%dma_start3A_1173 : memref<80x128xf32, #tpu.memory_space<vmem>>) offsets(%dma_start3A_1180 : memref<80xi32, #tpu.memory_space<vmem>>) semaphore(%arg14 : memref<!tpu.dma_semaphore, #tpu.memory_space<semaphore_mem>>)
    %scan3A_1184 = arith.constant 0 : i32
    %scan3A_1185 = arith.constant 1 : i32
    %scan3A_1186 = arith.constant 0 : i32
    %scan3A_1187 = arith.constant 25 : i32
    %scan3A_1188 = arith.addi %scan3A_1186, %scan3A_1187 : i32
    %scan3A_1189 = arith.constant 1 : i32
    scf.for %scan3A_1238 = %scan3A_1186 to %scan3A_1188 step %scan3A_1189  : i32 {
      %dma_wait3A_1239 = arith.constant 0 : i32
      %dma_wait3A_1240 = arith.constant 0 : i32
      %dma_wait3A_1241 = tpu.memref_slice %arg11[%dma_wait3A_1240] : memref<128xf32, #tpu.memory_space<vmem>> -> memref<80xf32, #tpu.memory_space<vmem>>
      %dma_wait3A_1242 = arith.constant 0 : i32
      %dma_wait3A_1243 = arith.constant 0 : i32
      %dma_wait3A_1244 = tpu.memref_slice %arg9[%scan3A_1185, %dma_wait3A_1242, %dma_wait3A_1243] : memref<2x25x80xi32, #tpu.memory_space<vmem>> -> memref<1x25x80xi32, #tpu.memory_space<vmem>>
      %dma_wait3A_1245 = tpu.memref_squeeze %dma_wait3A_1244 : memref<1x25x80xi32, #tpu.memory_space<vmem>> -> memref<25x80xi32, #tpu.memory_space<vmem>>
      %dma_wait3A_1246 = arith.constant 0 : i32
      %dma_wait3A_1247 = tpu.memref_slice %dma_wait3A_1245[%dma_wait3A_1239, %dma_wait3A_1246] : memref<25x80xi32, #tpu.memory_space<vmem>> -> memref<1x80xi32, #tpu.memory_space<vmem>>
      %dma_wait3A_1248 = tpu.memref_squeeze %dma_wait3A_1247 : memref<1x80xi32, #tpu.memory_space<vmem>> -> memref<80xi32, #tpu.memory_space<vmem>>
      %dma_wait3A_1249 = arith.constant 0 : i32
      %dma_wait3A_1250 = tpu.memref_slice %arg13[%dma_wait3A_1249] : memref<10000xf32, #tpu.memory_space<vmem_shared>> -> memref<10000xf32, #tpu.memory_space<vmem_shared>>
      tpu.wait_indirect_dma semaphore(%arg16 : memref<!tpu.dma_semaphore, #tpu.memory_space<semaphore_mem>>) src(%dma_wait3A_1241 : memref<80xf32, #tpu.memory_space<vmem>>) dst(%dma_wait3A_1250 : memref<10000xf32, #tpu.memory_space<vmem_shared>>)
    }
    %scan3A_1190 = arith.constant 25 : i32
    %scan3A_1191 = arith.constant 0 : i32
    %scan3A_1192 = arith.constant 0 : i32
    %scan3A_1193 = arith.constant 0 : i32
    %scan3A_1194 = arith.constant 0 : i32
    %scan3A_1195 = arith.constant 25 : i32
    %scan3A_1196 = arith.addi %scan3A_1194, %scan3A_1195 : i32
    %scan3A_1197 = arith.constant 1 : i32
    scf.for %scan3A_1238 = %scan3A_1194 to %scan3A_1196 step %scan3A_1197  : i32 {
      %rem3A = arith.constant 3 : i32
      %rem3A_1239 = arith.remsi %scan3A_1238, %rem3A : i32
      %dma_wait3A_1240 = arith.constant 0 : i32
      %dma_wait3A_1241 = arith.constant 0 : i32
      %dma_wait3A_1242 = tpu.memref_slice %arg10[%rem3A_1239, %dma_wait3A_1240, %dma_wait3A_1241] : memref<3x80x128xf32, #tpu.memory_space<vmem>> -> memref<1x80x128xf32, #tpu.memory_space<vmem>>
      %dma_wait3A_1243 = tpu.memref_squeeze %dma_wait3A_1242 : memref<1x80x128xf32, #tpu.memory_space<vmem>> -> memref<80x128xf32, #tpu.memory_space<vmem>>
      %dma_wait3A_1244 = arith.constant 0 : i32
      %dma_wait3A_1245 = arith.constant 0 : i32
      %dma_wait3A_1246 = tpu.memref_slice %arg8[%scan3A_1192, %dma_wait3A_1244, %dma_wait3A_1245] : memref<2x25x80xi32, #tpu.memory_space<vmem>> -> memref<1x25x80xi32, #tpu.memory_space<vmem>>
      %dma_wait3A_1247 = tpu.memref_squeeze %dma_wait3A_1246 : memref<1x25x80xi32, #tpu.memory_space<vmem>> -> memref<25x80xi32, #tpu.memory_space<vmem>>
      %dma_wait3A_1248 = arith.constant 0 : i32
      %dma_wait3A_1249 = tpu.memref_slice %dma_wait3A_1247[%scan3A_1238, %dma_wait3A_1248] : memref<25x80xi32, #tpu.memory_space<vmem>> -> memref<1x80xi32, #tpu.memory_space<vmem>>
      %dma_wait3A_1250 = tpu.memref_squeeze %dma_wait3A_1249 : memref<1x80xi32, #tpu.memory_space<vmem>> -> memref<80xi32, #tpu.memory_space<vmem>>
      %dma_wait3A_1251 = arith.constant 0 : i32
      %dma_wait3A_1252 = arith.constant 0 : i32
      %dma_wait3A_1253 = tpu.memref_slice %arg2[%dma_wait3A_1251, %dma_wait3A_1252] : memref<10000x128xf32, #tpu.memory_space<hbm>> -> memref<10000x128xf32, #tpu.memory_space<hbm>>
      tpu.wait_indirect_dma semaphore(%arg14 : memref<!tpu.dma_semaphore, #tpu.memory_space<semaphore_mem>>) src(%dma_wait3A_1253 : memref<10000x128xf32, #tpu.memory_space<hbm>>) dst(%dma_wait3A_1243 : memref<80x128xf32, #tpu.memory_space<vmem>>)
      %dma_start3A_1254 = arith.constant 0 : i32
      %dma_start3A_1255 = arith.constant 0 : i32
      %dma_start3A_1256 = tpu.memref_slice %arg10[%rem3A_1239, %dma_start3A_1254, %dma_start3A_1255] : memref<3x80x128xf32, #tpu.memory_space<vmem>> -> memref<1x80x128xf32, #tpu.memory_space<vmem>>
      %dma_start3A_1257 = tpu.memref_squeeze %dma_start3A_1256 : memref<1x80x128xf32, #tpu.memory_space<vmem>> -> memref<80x128xf32, #tpu.memory_space<vmem>>
      %dma_start3A_1258 = arith.constant 0 : i32
      %dma_start3A_1259 = arith.constant 0 : i32
      %dma_start3A_1260 = tpu.memref_slice %arg9[%scan3A_1193, %dma_start3A_1258, %dma_start3A_1259] : memref<2x25x80xi32, #tpu.memory_space<vmem>> -> memref<1x25x80xi32, #tpu.memory_space<vmem>>
      %dma_start3A_1261 = tpu.memref_squeeze %dma_start3A_1260 : memref<1x25x80xi32, #tpu.memory_space<vmem>> -> memref<25x80xi32, #tpu.memory_space<vmem>>
      %dma_start3A_1262 = arith.constant 0 : i32
      %dma_start3A_1263 = tpu.memref_slice %dma_start3A_1261[%scan3A_1238, %dma_start3A_1262] : memref<25x80xi32, #tpu.memory_space<vmem>> -> memref<1x80xi32, #tpu.memory_space<vmem>>
      %dma_start3A_1264 = tpu.memref_squeeze %dma_start3A_1263 : memref<1x80xi32, #tpu.memory_space<vmem>> -> memref<80xi32, #tpu.memory_space<vmem>>
      %dma_start3A_1265 = arith.constant 0 : i32
      %dma_start3A_1266 = arith.constant 0 : i32
      %dma_start3A_1267 = tpu.memref_slice %arg12[%dma_start3A_1265, %dma_start3A_1266] : memref<10000x128xf32, #tpu.memory_space<vmem_shared>> -> memref<10000x128xf32, #tpu.memory_space<vmem_shared>>
      tpu.enqueue_indirect_dma source(%dma_start3A_1257 : memref<80x128xf32, #tpu.memory_space<vmem>>) target(%dma_start3A_1267 : memref<10000x128xf32, #tpu.memory_space<vmem_shared>>) offsets(%dma_start3A_1264 : memref<80xi32, #tpu.memory_space<vmem>>) semaphore(%arg15 : memref<!tpu.dma_semaphore, #tpu.memory_space<semaphore_mem>>) {add = true}
      %dma_start3A_1268 = arith.constant 0 : i32
      %dma_start3A_1269 = tpu.memref_slice %arg11[%dma_start3A_1268] : memref<128xf32, #tpu.memory_space<vmem>> -> memref<80xf32, #tpu.memory_space<vmem>>
      %dma_start3A_1270 = arith.constant 0 : i32
      %dma_start3A_1271 = arith.constant 0 : i32
      %dma_start3A_1272 = tpu.memref_slice %arg9[%scan3A_1193, %dma_start3A_1270, %dma_start3A_1271] : memref<2x25x80xi32, #tpu.memory_space<vmem>> -> memref<1x25x80xi32, #tpu.memory_space<vmem>>
      %dma_start3A_1273 = tpu.memref_squeeze %dma_start3A_1272 : memref<1x25x80xi32, #tpu.memory_space<vmem>> -> memref<25x80xi32, #tpu.memory_space<vmem>>
      %dma_start3A_1274 = arith.constant 0 : i32
      %dma_start3A_1275 = tpu.memref_slice %dma_start3A_1273[%scan3A_1238, %dma_start3A_1274] : memref<25x80xi32, #tpu.memory_space<vmem>> -> memref<1x80xi32, #tpu.memory_space<vmem>>
      %dma_start3A_1276 = tpu.memref_squeeze %dma_start3A_1275 : memref<1x80xi32, #tpu.memory_space<vmem>> -> memref<80xi32, #tpu.memory_space<vmem>>
      %dma_start3A_1277 = arith.constant 0 : i32
      %dma_start3A_1278 = tpu.memref_slice %arg13[%dma_start3A_1277] : memref<10000xf32, #tpu.memory_space<vmem_shared>> -> memref<10000xf32, #tpu.memory_space<vmem_shared>>
      tpu.enqueue_indirect_dma source(%dma_start3A_1269 : memref<80xf32, #tpu.memory_space<vmem>>) target(%dma_start3A_1278 : memref<10000xf32, #tpu.memory_space<vmem_shared>>) offsets(%dma_start3A_1276 : memref<80xi32, #tpu.memory_space<vmem>>) semaphore(%arg16 : memref<!tpu.dma_semaphore, #tpu.memory_space<semaphore_mem>>) {add = true}
      %add3A_1279 = arith.constant 3 : i32
      %add3A_1280 = arith.addi %scan3A_1238, %add3A_1279 : i32
      %sub3A = arith.constant 1 : i32
      %sub3A_1281 = arith.subi %add3A_1280, %sub3A : i32
      %rem3A_1282 = arith.constant 3 : i32
      %rem3A_1283 = arith.remsi %sub3A_1281, %rem3A_1282 : i32
      %gt3A = arith.constant 0 : i32
      %gt3A_1284 = arith.cmpi sgt, %scan3A_1238, %gt3A : i32
      %convert_element_type3A_1285 = arith.extui %gt3A_1284 : i1 to i32
      %cond3A_1286 = arith.constant 0 : i32
      %cond3A_1287 = arith.cmpi ne, %convert_element_type3A_1285, %cond3A_1286 : i32
      scf.if %cond3A_1287 {
        %sub3A_1292 = arith.constant 1 : i32
        %sub3A_1293 = arith.subi %scan3A_1238, %sub3A_1292 : i32
        %dma_wait3A_1294 = arith.constant 0 : i32
        %dma_wait3A_1295 = arith.constant 0 : i32
        %dma_wait3A_1296 = tpu.memref_slice %arg10[%rem3A_1283, %dma_wait3A_1294, %dma_wait3A_1295] : memref<3x80x128xf32, #tpu.memory_space<vmem>> -> memref<1x80x128xf32, #tpu.memory_space<vmem>>
        %dma_wait3A_1297 = tpu.memref_squeeze %dma_wait3A_1296 : memref<1x80x128xf32, #tpu.memory_space<vmem>> -> memref<80x128xf32, #tpu.memory_space<vmem>>
        %dma_wait3A_1298 = arith.constant 0 : i32
        %dma_wait3A_1299 = arith.constant 0 : i32
        %dma_wait3A_1300 = tpu.memref_slice %arg9[%scan3A_1193, %dma_wait3A_1298, %dma_wait3A_1299] : memref<2x25x80xi32, #tpu.memory_space<vmem>> -> memref<1x25x80xi32, #tpu.memory_space<vmem>>
        %dma_wait3A_1301 = tpu.memref_squeeze %dma_wait3A_1300 : memref<1x25x80xi32, #tpu.memory_space<vmem>> -> memref<25x80xi32, #tpu.memory_space<vmem>>
        %dma_wait3A_1302 = arith.constant 0 : i32
        %dma_wait3A_1303 = tpu.memref_slice %dma_wait3A_1301[%sub3A_1293, %dma_wait3A_1302] : memref<25x80xi32, #tpu.memory_space<vmem>> -> memref<1x80xi32, #tpu.memory_space<vmem>>
        %dma_wait3A_1304 = tpu.memref_squeeze %dma_wait3A_1303 : memref<1x80xi32, #tpu.memory_space<vmem>> -> memref<80xi32, #tpu.memory_space<vmem>>
        %dma_wait3A_1305 = arith.constant 0 : i32
        %dma_wait3A_1306 = arith.constant 0 : i32
        %dma_wait3A_1307 = tpu.memref_slice %arg12[%dma_wait3A_1305, %dma_wait3A_1306] : memref<10000x128xf32, #tpu.memory_space<vmem_shared>> -> memref<10000x128xf32, #tpu.memory_space<vmem_shared>>
        tpu.wait_indirect_dma semaphore(%arg15 : memref<!tpu.dma_semaphore, #tpu.memory_space<semaphore_mem>>) src(%dma_wait3A_1297 : memref<80x128xf32, #tpu.memory_space<vmem>>) dst(%dma_wait3A_1307 : memref<10000x128xf32, #tpu.memory_space<vmem_shared>>)
      } else {
      }
      %lt3A = arith.constant 23 : i32
      %lt3A_1288 = arith.cmpi slt, %scan3A_1238, %lt3A : i32
      %convert_element_type3A_1289 = arith.extui %lt3A_1288 : i1 to i32
      %cond3A_1290 = arith.constant 0 : i32
      %cond3A_1291 = arith.cmpi ne, %convert_element_type3A_1289, %cond3A_1290 : i32
      scf.if %cond3A_1291 {
        %add3A_1292 = arith.constant 3 : i32
        %add3A_1293 = arith.addi %scan3A_1238, %add3A_1292 : i32
        %sub3A_1294 = arith.constant 1 : i32
        %sub3A_1295 = arith.subi %add3A_1293, %sub3A_1294 : i32
        %dma_start3A_1296 = arith.constant 0 : i32
        %dma_start3A_1297 = arith.constant 0 : i32
        %dma_start3A_1298 = tpu.memref_slice %arg10[%rem3A_1283, %dma_start3A_1296, %dma_start3A_1297] : memref<3x80x128xf32, #tpu.memory_space<vmem>> -> memref<1x80x128xf32, #tpu.memory_space<vmem>>
        %dma_start3A_1299 = tpu.memref_squeeze %dma_start3A_1298 : memref<1x80x128xf32, #tpu.memory_space<vmem>> -> memref<80x128xf32, #tpu.memory_space<vmem>>
        %dma_start3A_1300 = arith.constant 0 : i32
        %dma_start3A_1301 = arith.constant 0 : i32
        %dma_start3A_1302 = tpu.memref_slice %arg8[%scan3A_1192, %dma_start3A_1300, %dma_start3A_1301] : memref<2x25x80xi32, #tpu.memory_space<vmem>> -> memref<1x25x80xi32, #tpu.memory_space<vmem>>
        %dma_start3A_1303 = tpu.memref_squeeze %dma_start3A_1302 : memref<1x25x80xi32, #tpu.memory_space<vmem>> -> memref<25x80xi32, #tpu.memory_space<vmem>>
        %dma_start3A_1304 = arith.constant 0 : i32
        %dma_start3A_1305 = tpu.memref_slice %dma_start3A_1303[%sub3A_1295, %dma_start3A_1304] : memref<25x80xi32, #tpu.memory_space<vmem>> -> memref<1x80xi32, #tpu.memory_space<vmem>>
        %dma_start3A_1306 = tpu.memref_squeeze %dma_start3A_1305 : memref<1x80xi32, #tpu.memory_space<vmem>> -> memref<80xi32, #tpu.memory_space<vmem>>
        %dma_start3A_1307 = arith.constant 0 : i32
        %dma_start3A_1308 = arith.constant 0 : i32
        %dma_start3A_1309 = tpu.memref_slice %arg2[%dma_start3A_1307, %dma_start3A_1308] : memref<10000x128xf32, #tpu.memory_space<hbm>> -> memref<10000x128xf32, #tpu.memory_space<hbm>>
        tpu.enqueue_indirect_dma source(%dma_start3A_1309 : memref<10000x128xf32, #tpu.memory_space<hbm>>) target(%dma_start3A_1299 : memref<80x128xf32, #tpu.memory_space<vmem>>) offsets(%dma_start3A_1306 : memref<80xi32, #tpu.memory_space<vmem>>) semaphore(%arg14 : memref<!tpu.dma_semaphore, #tpu.memory_space<semaphore_mem>>)
      } else {
      }
    }
    %scan3A_1198 = arith.constant 25 : i32
    %dma_wait3A_1199 = arith.constant 0 : i32
    %dma_wait3A_1200 = arith.constant 0 : i32
    %dma_wait3A_1201 = arith.constant 0 : i32
    %dma_wait3A_1202 = arith.constant 0 : i32
    %dma_wait3A_1203 = arith.constant 0 : i32
    %dma_wait3A_1204 = tpu.memref_slice %arg10[%dma_wait3A_1199, %dma_wait3A_1202, %dma_wait3A_1203] : memref<3x80x128xf32, #tpu.memory_space<vmem>> -> memref<1x80x128xf32, #tpu.memory_space<vmem>>
    %dma_wait3A_1205 = tpu.memref_squeeze %dma_wait3A_1204 : memref<1x80x128xf32, #tpu.memory_space<vmem>> -> memref<80x128xf32, #tpu.memory_space<vmem>>
    %dma_wait3A_1206 = arith.constant 0 : i32
    %dma_wait3A_1207 = arith.constant 0 : i32
    %dma_wait3A_1208 = tpu.memref_slice %arg9[%dma_wait3A_1200, %dma_wait3A_1206, %dma_wait3A_1207] : memref<2x25x80xi32, #tpu.memory_space<vmem>> -> memref<1x25x80xi32, #tpu.memory_space<vmem>>
    %dma_wait3A_1209 = tpu.memref_squeeze %dma_wait3A_1208 : memref<1x25x80xi32, #tpu.memory_space<vmem>> -> memref<25x80xi32, #tpu.memory_space<vmem>>
    %dma_wait3A_1210 = arith.constant 0 : i32
    %dma_wait3A_1211 = tpu.memref_slice %dma_wait3A_1209[%dma_wait3A_1201, %dma_wait3A_1210] : memref<25x80xi32, #tpu.memory_space<vmem>> -> memref<1x80xi32, #tpu.memory_space<vmem>>
    %dma_wait3A_1212 = tpu.memref_squeeze %dma_wait3A_1211 : memref<1x80xi32, #tpu.memory_space<vmem>> -> memref<80xi32, #tpu.memory_space<vmem>>
    %dma_wait3A_1213 = arith.constant 0 : i32
    %dma_wait3A_1214 = arith.constant 0 : i32
    %dma_wait3A_1215 = tpu.memref_slice %arg12[%dma_wait3A_1213, %dma_wait3A_1214] : memref<10000x128xf32, #tpu.memory_space<vmem_shared>> -> memref<10000x128xf32, #tpu.memory_space<vmem_shared>>
    tpu.wait_indirect_dma semaphore(%arg15 : memref<!tpu.dma_semaphore, #tpu.memory_space<semaphore_mem>>) src(%dma_wait3A_1205 : memref<80x128xf32, #tpu.memory_space<vmem>>) dst(%dma_wait3A_1215 : memref<10000x128xf32, #tpu.memory_space<vmem_shared>>)
    %scan3A_1216 = arith.constant 0 : i32
    %scan3A_1217 = arith.constant 0 : i32
    %scan3A_1218 = arith.constant 0 : i32
    %scan3A_1219 = arith.constant 25 : i32
    %scan3A_1220 = arith.addi %scan3A_1218, %scan3A_1219 : i32
    %scan3A_1221 = arith.constant 1 : i32
    scf.for %scan3A_1238 = %scan3A_1218 to %scan3A_1220 step %scan3A_1221  : i32 {
      %dma_wait3A_1239 = arith.constant 0 : i32
      %dma_wait3A_1240 = arith.constant 0 : i32
      %dma_wait3A_1241 = tpu.memref_slice %arg11[%dma_wait3A_1240] : memref<128xf32, #tpu.memory_space<vmem>> -> memref<80xf32, #tpu.memory_space<vmem>>
      %dma_wait3A_1242 = arith.constant 0 : i32
      %dma_wait3A_1243 = arith.constant 0 : i32
      %dma_wait3A_1244 = tpu.memref_slice %arg9[%scan3A_1217, %dma_wait3A_1242, %dma_wait3A_1243] : memref<2x25x80xi32, #tpu.memory_space<vmem>> -> memref<1x25x80xi32, #tpu.memory_space<vmem>>
      %dma_wait3A_1245 = tpu.memref_squeeze %dma_wait3A_1244 : memref<1x25x80xi32, #tpu.memory_space<vmem>> -> memref<25x80xi32, #tpu.memory_space<vmem>>
      %dma_wait3A_1246 = arith.constant 0 : i32
      %dma_wait3A_1247 = tpu.memref_slice %dma_wait3A_1245[%dma_wait3A_1239, %dma_wait3A_1246] : memref<25x80xi32, #tpu.memory_space<vmem>> -> memref<1x80xi32, #tpu.memory_space<vmem>>
      %dma_wait3A_1248 = tpu.memref_squeeze %dma_wait3A_1247 : memref<1x80xi32, #tpu.memory_space<vmem>> -> memref<80xi32, #tpu.memory_space<vmem>>
      %dma_wait3A_1249 = arith.constant 0 : i32
      %dma_wait3A_1250 = tpu.memref_slice %arg13[%dma_wait3A_1249] : memref<10000xf32, #tpu.memory_space<vmem_shared>> -> memref<10000xf32, #tpu.memory_space<vmem_shared>>
      tpu.wait_indirect_dma semaphore(%arg16 : memref<!tpu.dma_semaphore, #tpu.memory_space<semaphore_mem>>) src(%dma_wait3A_1241 : memref<80xf32, #tpu.memory_space<vmem>>) dst(%dma_wait3A_1250 : memref<10000xf32, #tpu.memory_space<vmem_shared>>)
    }
    %scan3A_1222 = arith.constant 25 : i32
    %barrier3A_1223 = arith.constant 0 : index
    tpu.barrier barrier_id(%barrier3A_1223)
    %mul3A_1224 = arith.constant 624 : i32
    %mul3A_1225 = arith.muli %arg1, %mul3A_1224 : i32
    %mul3A_1226 = arith.constant 624 : i32
    %mul3A_1227 = arith.muli %arg1, %mul3A_1226 : i32
    "tpu.region"() ({
      %run_scoped3A = tpu.sem_alloc : memref<!tpu.dma_semaphore, #tpu.memory_space<semaphore_mem>>
      %dma_start3A_1238 = arith.constant 0 : i32
      %dma_start3A_1239 = arith.constant 0 : i32
      %dma_start3A_1240 = tpu.memref_slice %arg6[%arg0, %dma_start3A_1238, %dma_start3A_1239] : memref<2x10000x128xf32, #tpu.memory_space<hbm>> -> memref<1x10000x128xf32, #tpu.memory_space<hbm>>
      %dma_start3A_1241 = tpu.memref_squeeze %dma_start3A_1240 : memref<1x10000x128xf32, #tpu.memory_space<hbm>> -> memref<10000x128xf32, #tpu.memory_space<hbm>>
      %dma_start3A_1242 = arith.constant 0 : i32
      %dma_start3A_1243 = tpu.memref_slice %dma_start3A_1241[%mul3A_1227, %dma_start3A_1242] : memref<10000x128xf32, #tpu.memory_space<hbm>> -> memref<624x128xf32, #tpu.memory_space<hbm>>
      %dma_start3A_1244 = arith.constant 0 : i32
      %dma_start3A_1245 = tpu.memref_slice %arg12[%mul3A_1225, %dma_start3A_1244] : memref<10000x128xf32, #tpu.memory_space<vmem_shared>> -> memref<624x128xf32, #tpu.memory_space<vmem_shared>>
      tpu.enqueue_dma source(%dma_start3A_1245 : memref<624x128xf32, #tpu.memory_space<vmem_shared>>) target(%dma_start3A_1243 : memref<624x128xf32, #tpu.memory_space<hbm>>) target_semaphore(%run_scoped3A : memref<!tpu.dma_semaphore, #tpu.memory_space<semaphore_mem>>)
      %dma_wait3A_1246 = arith.constant 0 : i32
      %dma_wait3A_1247 = arith.constant 0 : i32
      %dma_wait3A_1248 = tpu.memref_slice %arg6[%arg0, %dma_wait3A_1246, %dma_wait3A_1247] : memref<2x10000x128xf32, #tpu.memory_space<hbm>> -> memref<1x10000x128xf32, #tpu.memory_space<hbm>>
      %dma_wait3A_1249 = tpu.memref_squeeze %dma_wait3A_1248 : memref<1x10000x128xf32, #tpu.memory_space<hbm>> -> memref<10000x128xf32, #tpu.memory_space<hbm>>
      %dma_wait3A_1250 = arith.constant 0 : i32
      %dma_wait3A_1251 = tpu.memref_slice %dma_wait3A_1249[%mul3A_1227, %dma_wait3A_1250] : memref<10000x128xf32, #tpu.memory_space<hbm>> -> memref<624x128xf32, #tpu.memory_space<hbm>>
      %dma_wait3A_1252 = arith.constant 0 : i32
      %dma_wait3A_1253 = tpu.memref_slice %arg12[%mul3A_1225, %dma_wait3A_1252] : memref<10000x128xf32, #tpu.memory_space<vmem_shared>> -> memref<624x128xf32, #tpu.memory_space<vmem_shared>>
      tpu.wait_dma2 semaphore(%run_scoped3A : memref<!tpu.dma_semaphore, #tpu.memory_space<semaphore_mem>>) src(%dma_wait3A_1253 : memref<624x128xf32, #tpu.memory_space<vmem_shared>>) dst(%dma_wait3A_1251 : memref<624x128xf32, #tpu.memory_space<hbm>>)
      tpu.yield
    }) : () -> ()
    %eq3A_1228 = arith.constant 15 : i32
    %eq3A_1229 = arith.cmpi eq, %arg1, %eq3A_1228 : i32
    %convert_element_type3A_1230 = arith.extui %eq3A_1229 : i1 to i32
    %cond3A_1231 = arith.constant 0 : i32
    %cond3A_1232 = arith.cmpi ne, %convert_element_type3A_1230, %cond3A_1231 : i32
    scf.if %cond3A_1232 {
      "tpu.region"() ({
        %run_scoped3A = tpu.sem_alloc : memref<!tpu.dma_semaphore, #tpu.memory_space<semaphore_mem>>
        %dma_start3A_1238 = arith.constant 0 : i32
        %dma_start3A_1239 = arith.constant 0 : i32
        %dma_start3A_1240 = tpu.memref_slice %arg6[%arg0, %dma_start3A_1238, %dma_start3A_1239] : memref<2x10000x128xf32, #tpu.memory_space<hbm>> -> memref<1x10000x128xf32, #tpu.memory_space<hbm>>
        %dma_start3A_1241 = tpu.memref_squeeze %dma_start3A_1240 : memref<1x10000x128xf32, #tpu.memory_space<hbm>> -> memref<10000x128xf32, #tpu.memory_space<hbm>>
        %dma_start3A_1242 = arith.constant 9984 : i32
        %dma_start3A_1243 = arith.constant 0 : i32
        %dma_start3A_1244 = tpu.memref_slice %dma_start3A_1241[%dma_start3A_1242, %dma_start3A_1243] : memref<10000x128xf32, #tpu.memory_space<hbm>> -> memref<16x128xf32, #tpu.memory_space<hbm>>
        %dma_start3A_1245 = arith.constant 9984 : i32
        %dma_start3A_1246 = arith.constant 0 : i32
        %dma_start3A_1247 = tpu.memref_slice %arg12[%dma_start3A_1245, %dma_start3A_1246] : memref<10000x128xf32, #tpu.memory_space<vmem_shared>> -> memref<16x128xf32, #tpu.memory_space<vmem_shared>>
        tpu.enqueue_dma source(%dma_start3A_1247 : memref<16x128xf32, #tpu.memory_space<vmem_shared>>) target(%dma_start3A_1244 : memref<16x128xf32, #tpu.memory_space<hbm>>) target_semaphore(%run_scoped3A : memref<!tpu.dma_semaphore, #tpu.memory_space<semaphore_mem>>)
        %dma_wait3A_1248 = arith.constant 0 : i32
        %dma_wait3A_1249 = arith.constant 0 : i32
        %dma_wait3A_1250 = tpu.memref_slice %arg6[%arg0, %dma_wait3A_1248, %dma_wait3A_1249] : memref<2x10000x128xf32, #tpu.memory_space<hbm>> -> memref<1x10000x128xf32, #tpu.memory_space<hbm>>
        %dma_wait3A_1251 = tpu.memref_squeeze %dma_wait3A_1250 : memref<1x10000x128xf32, #tpu.memory_space<hbm>> -> memref<10000x128xf32, #tpu.memory_space<hbm>>
        %dma_wait3A_1252 = arith.constant 9984 : i32
        %dma_wait3A_1253 = arith.constant 0 : i32
        %dma_wait3A_1254 = tpu.memref_slice %dma_wait3A_1251[%dma_wait3A_1252, %dma_wait3A_1253] : memref<10000x128xf32, #tpu.memory_space<hbm>> -> memref<16x128xf32, #tpu.memory_space<hbm>>
        %dma_wait3A_1255 = arith.constant 9984 : i32
        %dma_wait3A_1256 = arith.constant 0 : i32
        %dma_wait3A_1257 = tpu.memref_slice %arg12[%dma_wait3A_1255, %dma_wait3A_1256] : memref<10000x128xf32, #tpu.memory_space<vmem_shared>> -> memref<16x128xf32, #tpu.memory_space<vmem_shared>>
        tpu.wait_dma2 semaphore(%run_scoped3A : memref<!tpu.dma_semaphore, #tpu.memory_space<semaphore_mem>>) src(%dma_wait3A_1257 : memref<16x128xf32, #tpu.memory_space<vmem_shared>>) dst(%dma_wait3A_1254 : memref<16x128xf32, #tpu.memory_space<hbm>>)
        tpu.yield
      }) : () -> ()
    } else {
    }
    %eq3A_1233 = arith.constant 0 : i32
    %eq3A_1234 = arith.cmpi eq, %arg1, %eq3A_1233 : i32
    %convert_element_type3A_1235 = arith.extui %eq3A_1234 : i1 to i32
    %cond3A_1236 = arith.constant 0 : i32
    %cond3A_1237 = arith.cmpi ne, %convert_element_type3A_1235, %cond3A_1236 : i32
    scf.if %cond3A_1237 {
      %run_scoped3A = arith.constant 0 : i32
      "tpu.region"() ({
        %run_scoped3A_1238 = tpu.sem_alloc : memref<!tpu.dma_semaphore, #tpu.memory_space<semaphore_mem>>
        %dma_start3A_1239 = arith.constant 0 : i32
        %dma_start3A_1240 = arith.constant 0 : i32
        %dma_start3A_1241 = tpu.memref_slice %arg7[%arg0, %dma_start3A_1239, %dma_start3A_1240] : memref<2x1x10000xf32, #tpu.memory_space<hbm>> -> memref<1x1x10000xf32, #tpu.memory_space<hbm>>
        %dma_start3A_1242 = tpu.memref_squeeze %dma_start3A_1241 : memref<1x1x10000xf32, #tpu.memory_space<hbm>> -> memref<1x10000xf32, #tpu.memory_space<hbm>>
        %dma_start3A_1243 = arith.constant 0 : i32
        %dma_start3A_1244 = tpu.memref_slice %dma_start3A_1242[%run_scoped3A, %dma_start3A_1243] : memref<1x10000xf32, #tpu.memory_space<hbm>> -> memref<1x10000xf32, #tpu.memory_space<hbm>>
        %dma_start3A_1245 = tpu.memref_squeeze %dma_start3A_1244 : memref<1x10000xf32, #tpu.memory_space<hbm>> -> memref<10000xf32, #tpu.memory_space<hbm>>
        tpu.enqueue_dma source(%arg13 : memref<10000xf32, #tpu.memory_space<vmem_shared>>) target(%dma_start3A_1245 : memref<10000xf32, #tpu.memory_space<hbm>>) target_semaphore(%run_scoped3A_1238 : memref<!tpu.dma_semaphore, #tpu.memory_space<semaphore_mem>>)
        %dma_wait3A_1246 = arith.constant 0 : i32
        %dma_wait3A_1247 = arith.constant 0 : i32
        %dma_wait3A_1248 = tpu.memref_slice %arg7[%arg0, %dma_wait3A_1246, %dma_wait3A_1247] : memref<2x1x10000xf32, #tpu.memory_space<hbm>> -> memref<1x1x10000xf32, #tpu.memory_space<hbm>>
        %dma_wait3A_1249 = tpu.memref_squeeze %dma_wait3A_1248 : memref<1x1x10000xf32, #tpu.memory_space<hbm>> -> memref<1x10000xf32, #tpu.memory_space<hbm>>
        %dma_wait3A_1250 = arith.constant 0 : i32
        %dma_wait3A_1251 = tpu.memref_slice %dma_wait3A_1249[%run_scoped3A, %dma_wait3A_1250] : memref<1x10000xf32, #tpu.memory_space<hbm>> -> memref<1x10000xf32, #tpu.memory_space<hbm>>
        %dma_wait3A_1252 = tpu.memref_squeeze %dma_wait3A_1251 : memref<1x10000xf32, #tpu.memory_space<hbm>> -> memref<10000xf32, #tpu.memory_space<hbm>>
        tpu.wait_dma2 semaphore(%run_scoped3A_1238 : memref<!tpu.dma_semaphore, #tpu.memory_space<semaphore_mem>>) src(%arg13 : memref<10000xf32, #tpu.memory_space<vmem_shared>>) dst(%dma_wait3A_1252 : memref<10000xf32, #tpu.memory_space<hbm>>)
        tpu.yield
      }) : () -> ()
    } else {
    }
    return
  }
}

module attributes {stable_mosaic.version = 14 : i64} {
  func.func @_tc_body(%arg0: i32, %arg1: memref<2x2000x128xf32, #tpu.memory_space<vmem>>, %arg2: memref<2x1x1x2000xf32, #tpu.memory_space<vmem>>, %arg3: memref<2000x128xf32, #tpu.memory_space<vmem>>, %arg4: memref<128x128xf32, #tpu.memory_space<vmem>>, %arg5: memref<128x128xf32, #tpu.memory_space<vmem>>, %arg6: memref<128x128xf32, #tpu.memory_space<vmem>>, %arg7: memref<1x128xf32, #tpu.memory_space<vmem>>, %arg8: memref<1x128xf32, #tpu.memory_space<vmem>>, %arg9: memref<1x128xf32, #tpu.memory_space<vmem>>, %arg10: memref<1x128xf32, #tpu.memory_space<vmem>>) attributes {dimension_semantics = [#tpu.dimension_semantics<arbitrary>], iteration_bounds = array<i64: 5>, scalar_prefetch = 0 : i64, scratch_operands = 1 : i64, tpu.core_type = #tpu.core_type<tc>, window_params = [{transform_indices = @transform_0, window_bounds = array<i64: 2, 2000, 128>}, {transform_indices = @transform_1, window_bounds = array<i64: 2, 1, 1, 2000>}, {transform_indices = @transform_2, window_bounds = array<i64: 2000, 128>}, {pipeline_mode = #tpu.pipeline_mode<synchronous>, transform_indices = @transform_3, window_bounds = array<i64: 128, 128>}, {pipeline_mode = #tpu.pipeline_mode<synchronous>, transform_indices = @transform_4, window_bounds = array<i64: 128, 128>}, {pipeline_mode = #tpu.pipeline_mode<synchronous>, transform_indices = @transform_5, window_bounds = array<i64: 128, 128>}, {pipeline_mode = #tpu.pipeline_mode<synchronous>, transform_indices = @transform_6, window_bounds = array<i64: 1, 128>}, {pipeline_mode = #tpu.pipeline_mode<synchronous>, transform_indices = @transform_7, window_bounds = array<i64: 1, 128>}, {pipeline_mode = #tpu.pipeline_mode<synchronous>, transform_indices = @transform_8, window_bounds = array<i64: 1, 128>}]} {
    %get3A = arith.constant 0 : index
    %get3A_0 = arith.constant 0 : index
    %get3A_1 = arith.constant 0 : index
    %get3A_2 = vector.load %arg1[%get3A, %get3A_0, %get3A_1] : memref<2x2000x128xf32, #tpu.memory_space<vmem>>, vector<1x2000x128xf32>
    %get3A_3 = vector.shape_cast %get3A_2 : vector<1x2000x128xf32> to vector<2000x128xf32>
    %get3A_4 = arith.constant 1 : index
    %get3A_5 = arith.constant 0 : index
    %get3A_6 = arith.constant 0 : index
    %get3A_7 = vector.load %arg1[%get3A_4, %get3A_5, %get3A_6] : memref<2x2000x128xf32, #tpu.memory_space<vmem>>, vector<1x2000x128xf32>
    %get3A_8 = vector.shape_cast %get3A_7 : vector<1x2000x128xf32> to vector<2000x128xf32>
    %add3A = arith.addf %get3A_3, %get3A_8 : vector<2000x128xf32>
    %get3A_9 = arith.constant 0 : index
    %get3A_10 = arith.constant 0 : index
    %get3A_11 = arith.constant 0 : index
    %get3A_12 = arith.constant 0 : index
    %get3A_13 = vector.load %arg2[%get3A_9, %get3A_10, %get3A_11, %get3A_12] : memref<2x1x1x2000xf32, #tpu.memory_space<vmem>>, vector<1x1x1x2000xf32>
    %get3A_14 = vector.shape_cast %get3A_13 : vector<1x1x1x2000xf32> to vector<2000xf32>
    %get3A_15 = arith.constant 1 : index
    %get3A_16 = arith.constant 0 : index
    %get3A_17 = arith.constant 0 : index
    %get3A_18 = arith.constant 0 : index
    %get3A_19 = vector.load %arg2[%get3A_15, %get3A_16, %get3A_17, %get3A_18] : memref<2x1x1x2000xf32, #tpu.memory_space<vmem>>, vector<1x1x1x2000xf32>
    %get3A_20 = vector.shape_cast %get3A_19 : vector<1x1x1x2000xf32> to vector<2000xf32>
    %add3A_21 = arith.addf %get3A_14, %get3A_20 : vector<2000xf32>
    %max3A = arith.constant 1.000000e+00 : f32
    %max3A_22 = vector.broadcast %max3A : f32 to vector<2000xf32>
    %max3A_23 = arith.maximumf %add3A_21, %max3A_22 : vector<2000xf32>
    %broadcast_in_dim3A = vector.shape_cast %max3A_23 : vector<2000xf32> to vector<2000x1xf32>
    %div3A = vector.broadcast %broadcast_in_dim3A : vector<2000x1xf32> to vector<2000x128xf32>
    %div3A_24 = arith.divf %add3A, %div3A : vector<2000x128xf32>
    %get3A_25 = arith.constant 0 : index
    %get3A_26 = arith.constant 0 : index
    %get3A_27 = vector.load %arg4[%get3A_25, %get3A_26] : memref<128x128xf32, #tpu.memory_space<vmem>>, vector<128x128xf32>
    %dot_general3A = arith.constant dense<0.000000e+00> : vector<2000x128xf32>
    %dot_general3A_28 = tpu.matmul %div3A_24, %get3A_27, %dot_general3A {dimension_numbers = #tpu.dot_dimension_numbers<[1], [1], [0], [0], [0, 0, 1, 0], [], []>, transpose_lhs_hint = false} : vector<2000x128xf32>, vector<128x128xf32>, vector<2000x128xf32> -> vector<2000x128xf32>
    %get3A_29 = arith.constant 0 : index
    %get3A_30 = arith.constant 0 : index
    %get3A_31 = vector.load %arg3[%get3A_29, %get3A_30] : memref<2000x128xf32, #tpu.memory_space<vmem>>, vector<2000x128xf32>
    %get3A_32 = arith.constant 0 : index
    %get3A_33 = arith.constant 0 : index
    %get3A_34 = vector.load %arg5[%get3A_32, %get3A_33] : memref<128x128xf32, #tpu.memory_space<vmem>>, vector<128x128xf32>
    %dot_general3A_35 = arith.constant dense<0.000000e+00> : vector<2000x128xf32>
    %dot_general3A_36 = tpu.matmul %get3A_31, %get3A_34, %dot_general3A_35 {dimension_numbers = #tpu.dot_dimension_numbers<[1], [1], [0], [0], [0, 0, 1, 0], [], []>, transpose_lhs_hint = false} : vector<2000x128xf32>, vector<128x128xf32>, vector<2000x128xf32> -> vector<2000x128xf32>
    %add3A_37 = arith.addf %dot_general3A_28, %dot_general3A_36 : vector<2000x128xf32>
    %get3A_38 = arith.constant 0 : index
    %get3A_39 = arith.constant 0 : index
    %get3A_40 = vector.load %arg7[%get3A_38, %get3A_39] : memref<1x128xf32, #tpu.memory_space<vmem>>, vector<1x128xf32>
    %add3A_41 = vector.broadcast %get3A_40 : vector<1x128xf32> to vector<2000x128xf32>
    %add3A_42 = arith.addf %add3A_37, %add3A_41 : vector<2000x128xf32>
    %max3A_43 = arith.constant 0.000000e+00 : f32
    %max3A_44 = vector.broadcast %max3A_43 : f32 to vector<2000x128xf32>
    %max3A_45 = arith.maximumf %add3A_42, %max3A_44 : vector<2000x128xf32>
    %reduce_sum3A = arith.constant dense<0.000000e+00> : vector<128xf32>
    %reduce_sum3A_46 = vector.multi_reduction <add>, %max3A_45, %reduce_sum3A [0] : vector<2000x128xf32> to vector<128xf32>
    %broadcast_in_dim3A_47 = vector.shape_cast %reduce_sum3A_46 : vector<128xf32> to vector<1x128xf32>
    %eq3A = arith.constant 0 : i32
    %eq3A_48 = arith.cmpi eq, %arg0, %eq3A : i32
    %convert_element_type3A = arith.extui %eq3A_48 : i1 to i32
    %cond3A = arith.constant 0 : i32
    %cond3A_49 = arith.cmpi ne, %convert_element_type3A, %cond3A : i32
    scf.if %cond3A_49 {
      %swap3A = arith.constant 0 : index
      %swap3A_59 = arith.constant 0 : index
      %swap3A_60 = vector.load %arg10[%swap3A, %swap3A_59] : memref<1x128xf32, #tpu.memory_space<vmem>>, vector<1x128xf32>
      tpu.vector_store %arg10[%swap3A, %swap3A_59], %broadcast_in_dim3A_47 {strides = array<i32>} : memref<1x128xf32, #tpu.memory_space<vmem>>, vector<1x128xf32>,
    } else {
    }
    %gt3A = arith.constant 0 : i32
    %gt3A_50 = arith.cmpi sgt, %arg0, %gt3A : i32
    %convert_element_type3A_51 = arith.extui %gt3A_50 : i1 to i32
    %cond3A_52 = arith.constant 0 : i32
    %cond3A_53 = arith.cmpi ne, %convert_element_type3A_51, %cond3A_52 : i32
    scf.if %cond3A_53 {
      %get3A_59 = arith.constant 0 : index
      %get3A_60 = arith.constant 0 : index
      %get3A_61 = vector.load %arg10[%get3A_59, %get3A_60] : memref<1x128xf32, #tpu.memory_space<vmem>>, vector<1x128xf32>
      %add3A_62 = arith.addf %get3A_61, %broadcast_in_dim3A_47 : vector<1x128xf32>
      %swap3A = arith.constant 0 : index
      %swap3A_63 = arith.constant 0 : index
      %swap3A_64 = vector.load %arg10[%swap3A, %swap3A_63] : memref<1x128xf32, #tpu.memory_space<vmem>>, vector<1x128xf32>
      tpu.vector_store %arg10[%swap3A, %swap3A_63], %add3A_62 {strides = array<i32>} : memref<1x128xf32, #tpu.memory_space<vmem>>, vector<1x128xf32>,
    } else {
    }
    %eq3A_54 = arith.constant 4 : i32
    %eq3A_55 = arith.cmpi eq, %arg0, %eq3A_54 : i32
    %convert_element_type3A_56 = arith.extui %eq3A_55 : i1 to i32
    %cond3A_57 = arith.constant 0 : i32
    %cond3A_58 = arith.cmpi ne, %convert_element_type3A_56, %cond3A_57 : i32
    scf.if %cond3A_58 {
      %get3A_59 = arith.constant 0 : index
      %get3A_60 = arith.constant 0 : index
      %get3A_61 = vector.load %arg10[%get3A_59, %get3A_60] : memref<1x128xf32, #tpu.memory_space<vmem>>, vector<1x128xf32>
      %mul3A = arith.constant 9.99999974E-5 : f32
      %mul3A_62 = vector.broadcast %mul3A : f32 to vector<1x128xf32>
      %mul3A_63 = arith.mulf %get3A_61, %mul3A_62 : vector<1x128xf32>
      %get3A_64 = arith.constant 0 : index
      %get3A_65 = arith.constant 0 : index
      %get3A_66 = vector.load %arg6[%get3A_64, %get3A_65] : memref<128x128xf32, #tpu.memory_space<vmem>>, vector<128x128xf32>
      %dot_general3A_67 = arith.constant dense<0.000000e+00> : vector<1x128xf32>
      %dot_general3A_68 = tpu.matmul %mul3A_63, %get3A_66, %dot_general3A_67 {dimension_numbers = #tpu.dot_dimension_numbers<[1], [1], [0], [0], [0, 0, 1, 0], [], []>, transpose_lhs_hint = false} : vector<1x128xf32>, vector<128x128xf32>, vector<1x128xf32> -> vector<1x128xf32>
      %get3A_69 = arith.constant 0 : index
      %get3A_70 = arith.constant 0 : index
      %get3A_71 = vector.load %arg8[%get3A_69, %get3A_70] : memref<1x128xf32, #tpu.memory_space<vmem>>, vector<1x128xf32>
      %add3A_72 = arith.addf %dot_general3A_68, %get3A_71 : vector<1x128xf32>
      %swap3A = arith.constant 0 : index
      %swap3A_73 = arith.constant 0 : index
      %swap3A_74 = vector.load %arg9[%swap3A, %swap3A_73] : memref<1x128xf32, #tpu.memory_space<vmem>>, vector<1x128xf32>
      tpu.vector_store %arg9[%swap3A, %swap3A_73], %add3A_72 {strides = array<i32>} : memref<1x128xf32, #tpu.memory_space<vmem>>, vector<1x128xf32>,
    } else {
    }
    return
  }
  func.func @transform_0(%arg0: i32) -> (i32, i32, i32) {
    %c0_i32 = arith.constant 0 : i32
    %c0_i32_0 = arith.constant 0 : i32
    %c0_i32_1 = arith.constant 0 : i32
    return %c0_i32, %arg0, %c0_i32_0 : i32, i32, i32
  }
  func.func @transform_1(%arg0: i32) -> (i32, i32, i32, i32) {
    %c0_i32 = arith.constant 0 : i32
    %c0_i32_0 = arith.constant 0 : i32
    %c0_i32_1 = arith.constant 0 : i32
    %c0_i32_2 = arith.constant 0 : i32
    return %c0_i32, %arg0, %c0_i32_0, %c0_i32_1 : i32, i32, i32, i32
  }
  func.func @transform_2(%arg0: i32) -> (i32, i32) {
    %c0_i32 = arith.constant 0 : i32
    %c0_i32_0 = arith.constant 0 : i32
    return %arg0, %c0_i32 : i32, i32
  }
  func.func @transform_3(%arg0: i32) -> (i32, i32) {
    %c0_i32 = arith.constant 0 : i32
    %c0_i32_0 = arith.constant 0 : i32
    %c0_i32_1 = arith.constant 0 : i32
    return %c0_i32, %c0_i32_0 : i32, i32
  }
  func.func @transform_4(%arg0: i32) -> (i32, i32) {
    %c0_i32 = arith.constant 0 : i32
    %c0_i32_0 = arith.constant 0 : i32
    %c0_i32_1 = arith.constant 0 : i32
    return %c0_i32, %c0_i32_0 : i32, i32
  }
  func.func @transform_5(%arg0: i32) -> (i32, i32) {
    %c0_i32 = arith.constant 0 : i32
    %c0_i32_0 = arith.constant 0 : i32
    %c0_i32_1 = arith.constant 0 : i32
    return %c0_i32, %c0_i32_0 : i32, i32
  }
  func.func @transform_6(%arg0: i32) -> (i32, i32) {
    %c0_i32 = arith.constant 0 : i32
    %c0_i32_0 = arith.constant 0 : i32
    %c0_i32_1 = arith.constant 0 : i32
    return %c0_i32, %c0_i32_0 : i32, i32
  }
  func.func @transform_7(%arg0: i32) -> (i32, i32) {
    %c0_i32 = arith.constant 0 : i32
    %c0_i32_0 = arith.constant 0 : i32
    %c0_i32_1 = arith.constant 0 : i32
    return %c0_i32, %c0_i32_0 : i32, i32
  }
  func.func @transform_8(%arg0: i32) -> (i32, i32) {
    %c0_i32 = arith.constant 0 : i32
    %c0_i32_0 = arith.constant 0 : i32
    %c0_i32_1 = arith.constant 0 : i32
    return %c0_i32, %c0_i32_0 : i32, i32
  }
}

</mosaic_0001>

<sc_bundles>
// kernel: kernel.4.cloned.1.call-start
scs
__scs_entry_jumppad:
0x0: {  	(pc) =	sbr.rel $0x88, $3  }
0x1: {  	(tag) =	ssettag $0x0;
	lr =	simm.s32 $0x1  }
0x2: {  	[smem:$0x3F9A] =	sst lr;
	_ =	strace $0xD0000000  }
0x3: {  	_ = 	snop  }
0x4: {  	_ = 	snop  }
0x5: {  	_ = 	snop  }
0x6: {  	_ = 	snop  }
0x7: {  	_ = 	snop  }
__scs_overlays_trampoline_lowered:
0x8: {  	[smem:$0x3FA9] =	sst s0  }
0x9: {  	[smem:$0x3FAA] =	sst s1  }
0xa: {  	[smem:$0x3FAB] =	sst s2  }
0xb: {  	[smem:$0x3FAC] =	sst s3  }
0xc: {  	[smem:$0x3FAD] =	sst s4  }
0xd: {  	[smem:$0x3FAE] =	sst s5  }
0xe: {  	[smem:$0x3FAF] =	sst s6  }
0xf: {  	[smem:$0x3FB0] =	sst s7  }
0x10: {  	[smem:$0x3FB1] =	sst s8  }
0x11: {  	[smem:$0x3FB2] =	sst s9;
	s0 =	simm.s32 @!p0 $0x0  }
0x12: {  	s1 =	sld [smem:$0x3F98];
	s0 =	simm.s32 @p0 $0x1  }
0x13: {  	[smem:$0x3FB3] =	sst s0;
	s0 =	simm.s32 @!p1 $0x0  }
0x14: {  	s2 =	sld [smem:$0x3F97];
	s0 =	simm.s32 @p1 $0x1  }
0x15: {  	[smem:$0x3FB4] =	sst s0;
	s0 =	simm.s32 @!p2 $0x0  }
0x16: {  	s3 =	sld [smem:$0x3FDB];
	s0 =	simm.s32 @p2 $0x1  }
0x17: {  	s4 =	simm.s32 $0x1BF5;
	[smem:$0x3FB6] =	sst s0  }
0x18: {  	s0 =	sld [smem:$0x3F99];
	_ =	swait.ge [sflag:s4], $0x0  }
0x19: {  	s7 =	sld [smem:$0x3F9A]  }
0x1a: {  	s8 =	sadd.s32 $0xFFFFE003, lr  }
0x1b: {  	s9 =	sadd.s32 $0xFFFFFEF7, lr;
	s5 =	simm.s32 $0xFFFFFFFF;
	p2 =	slt.u32 s8, $0xFFFFF086  }
0x1c: {  	p1 =	slt.u32 s9, $0xF7A;
	s5 =	simm.s32 @!p2 $0x0  }
0x1d: {  	s5 =	simm.s32 @p1 $0x1;
	p0 =	seq.s32 s7, s2  }
0x1e: {  	s7 =	smul.u32 @!p0 $0xF7A, s2;
	p2 =	seq.s32 @!p0 s5, $0x0  }
0x1f: {  	s9 =	smul.u32 $0xF7A, s1;
	s8 =	simm.s32 @!p0 $0x1BF5;
	p2 =	por !p2, p0  }
0x20: {  	[sflag:s8] =	ssyncset.s32 @!p0 $0xFFFFF086;
	s6 =	sadd.s32 @!p0 s3, s7;
	s7 =	simm.s32 @!p0 $0x108  }
0x21: {  	s3 =	sadd.s32 s3, s9;
	s6 =	sadd.s32 @!p0 $0x88, s6;
	s7 =	simm.s32 @p2 $0x1082  }
0x22: {  	[simem:s7], [sflag:s8] =	dma.local @!p0 [hbm:s6], $0xF7A  }
0x23: {  	s9 =	sor.u32 $0xD0000000, s2;
	s6 =	simm.s32 $0x108;
	_ =	swait.ge @!p0 [sflag:s8], $0x0  }
0x24: {  	s3 =	sadd.s32 $0x88, s3;
	s6 =	simm.s32 @!p1 $0x1082;
	[sflag:s4] =	ssyncset.s32 $0xFFFFF086  }
0x25: {  	[simem:s6], [sflag:s4] =	dma.local [hbm:s3], $0xF7A  }
0x26: {  	[smem:$0x3F9A] =	sst s1;
	(tag) =	ssettag s2;
	_ =	strace s9  }
0x27: {  	s1 =	sld [smem:$0x3FAA]  }
0x28: {  	s2 =	sld [smem:$0x3FAB]  }
0x29: {  	s4 =	sld [smem:$0x3FAD]  }
0x2a: {  	p0 =	seq.s32 s5, $0x0;
	s5 =	sld [smem:$0x3FAE]  }
0x2b: {  	s6 =	sld [smem:$0x3FAF]  }
0x2c: {  	s7 =	sld [smem:$0x3FB0]  }
0x2d: {  	s3 =	simm.s32 $0x108;
	s8 =	sld [smem:$0x3FB1]  }
0x2e: {  	s3 =	simm.s32 @!p0 $0x1082;
	s9 =	sld [smem:$0x3FB2]  }
0x2f: {  	lr =	sadd.s32 s0, s3;
	s0 =	sld [smem:$0x3FA9]  }
0x30: {  	s3 =	sld [smem:$0x3FAC]  }
0x31: {  	[smem:$0x3FB5] =	sst s10  }
0x32: {  	s10 =	sld [smem:$0x3FB3];
	_ =	sdelay $0x3  }
0x33: {  	p0 =	seq.s32 s10, $0x1;
	s10 =	sld [smem:$0x3FB5];
	_ =	sdelay $0x3  }
0x34: {  	[smem:$0x3FB5] =	sst s10  }
0x35: {  	s10 =	sld [smem:$0x3FB4];
	_ =	sdelay $0x3  }
0x36: {  	p1 =	seq.s32 s10, $0x1;
	s10 =	sld [smem:$0x3FB5];
	_ =	sdelay $0x3  }
0x37: {  	[smem:$0x3FB5] =	sst s10  }
0x38: {  	s10 =	sld [smem:$0x3FB6]  }
0x39: {  	_ = 	snop;
	(pc) =	sbr.ind lr, $3  }
0x3a: {  	_ = 	snop  }
0x3b: {  	_ = 	snop  }
0x3c: {  	p2 =	seq.s32 s10, $0x1;
	s10 =	sld [smem:$0x3FB5]  }
0x3d: {  	_ =	shalt  }
0x3e: {  	_ =	shalt  }
0x3f: {  	_ =	shalt  }
0x40: {  	_ =	shalt  }
0x41: {  	_ =	shalt  }
0x42: {  	_ =	shalt  }
0x43: {  	_ =	shalt  }
0x44: {  	_ =	shalt  }
0x45: {  	_ =	shalt  }
0x46: {  	_ =	shalt  }
0x47: {  	_ =	shalt  }
0x48: {  	_ =	shalt  }
0x49: {  	_ =	shalt  }
0x4a: {  	_ =	shalt  }
0x4b: {  	_ =	shalt  }
0x4c: {  	_ =	shalt  }
0x4d: {  	_ =	shalt  }
0x4e: {  	_ =	shalt  }
0x4f: {  	_ =	shalt  }
0x50: {  	_ =	shalt  }
0x51: {  	_ =	shalt  }
0x52: {  	_ =	shalt  }
0x53: {  	_ =	shalt  }
0x54: {  	_ =	shalt  }
0x55: {  	_ =	shalt  }
0x56: {  	_ =	shalt  }
0x57: {  	_ =	shalt  }
0x58: {  	_ =	shalt  }
0x59: {  	_ =	shalt  }
0x5a: {  	_ =	shalt  }
0x5b: {  	_ =	shalt  }
0x5c: {  	_ =	shalt  }
0x5d: {  	_ =	shalt  }
0x5e: {  	_ =	shalt  }
0x5f: {  	_ =	shalt  }
0x60: {  	_ =	shalt  }
0x61: {  	_ =	shalt  }
0x62: {  	_ =	shalt  }
0x63: {  	_ =	shalt  }
0x64: {  	_ =	shalt  }
0x65: {  	_ =	shalt  }
0x66: {  	_ =	shalt  }
0x67: {  	_ =	shalt  }
0x68: {  	_ =	shalt  }
0x69: {  	_ =	shalt  }
0x6a: {  	_ =	shalt  }
0x6b: {  	_ =	shalt  }
0x6c: {  	_ =	shalt  }
0x6d: {  	_ =	shalt  }
0x6e: {  	_ =	shalt  }
0x6f: {  	_ =	shalt  }
0x70: {  	_ =	shalt  }
0x71: {  	_ =	shalt  }
0x72: {  	_ =	shalt  }
0x73: {  	_ =	shalt  }
0x74: {  	_ =	shalt  }
0x75: {  	_ =	shalt  }
0x76: {  	_ =	shalt  }
0x77: {  	_ =	shalt  }
0x78: {  	_ =	shalt  }
0x79: {  	_ =	shalt  }
0x7a: {  	_ =	shalt  }
0x7b: {  	_ =	shalt  }
0x7c: {  	_ =	shalt  }
0x7d: {  	_ =	shalt  }
0x7e: {  	_ =	shalt  }
0x7f: {  	_ =	shalt  }
0x80: {  	_ =	shalt  }
0x81: {  	_ =	shalt  }
0x82: {  	_ =	shalt  }
0x83: {  	_ =	shalt  }
0x84: {  	_ =	shalt  }
0x85: {  	_ =	shalt  }
0x86: {  	_ =	shalt  }
0x87: {  	_ =	shalt  }
.Lfunc_end0:
.L_simem_size_0:
called_computation_lowered:
.L_overlay_start_0:
0x88: {  	s2 =	sld [smem:$0x3FD9]  }
0x89: {  	s3 =	sld [smem:$0x3FFE];
	_ =	sdelay $0x1  }
0x8a: {  	s1 =	srdreg.scid  }
0x8b: {  	s0 =	sand.u32 $0x1, s1  }
0x8c: {  	s17 =	sshll.u32 s0, $0xA;
	s2 =	sadd.s32 s3, s2  }
0x8d: {  	s2 =	sadd.s32 s2, s17  }
0x8e: {  	[smem:$0x3FC1] =	sst s2  }
0x8f: {  	_ = 	snop  }
0x90: {  	s2 =	sld [smem:$0x3FC9];
	(tm) =	ssettm $0x1  }
0x91: {  	s18 =	sld [smem:$0x3FFB];
	_ =	sdelay $0x3  }
0x92: {  	_ =	strace s18  }
0x93: {  	s3 =	sld [smem:$0x3FFC];
	_ =	sdelay $0x3  }
0x94: {  	_ =	strace s3  }
0x95: {  	s3 =	sld [smem:$0x3FFD];
	_ =	sdelay $0x3  }
0x96: {  	_ =	strace s3  }
0x97: {  	_ =	strace $0x8FFFFFFF  }
0x98: {  	s19 =	sld [smem:$0x3FDB];
	_ =	sdelay $0x1  }
0x99: {  	s4 =	simm.s32 $_scs_section_size  }
0x9a: {  	s5 =	simm.s32 $_size__tile_overlayer_lowered;
	s6 =	simm.s32 $_tile_overlayer_lowered  }
0x9b: {  	s22 =	simm.s32 $0x1BFF;
	s21 =	sshll.u32 s6, $0x1;
	s3 =	sadd.s32 s4, s19  }
0x9c: {  	s7 =	simm.s32 $0x0;
	s20 =	sshll.u32 s5, $0x1;
	s5 =	sadd.s32 s21, s3  }
0x9d: {  	[timem:s7], [sflag:s22] =	dma.local [hbm:s5], s20  }
0x9e: {  	_ =	swait.ge [sflag:s22], s20  }
0x9f: {  	s4 =	ssub.s32 $0x0, s20;
	[sflag:s22] =	ssyncset.done $0x0  }
0xa0: {  	[sflag:s22] =	ssyncadd.s32 s4;
	_ =	sdelay $0x1  }
0xa1: {  	s23 =	simm.s32 $0x1B8B  }
0xa2: {  	_ =	swait.ge [sflag:s23], $0x1  }
0xa3: {  	[sflag:s23] =	ssyncset.done $0x0  }
0xa4: {  	s25 =	simm.s32 $0x1B8E;
	s24 =	sld [smem:$0x3FFE];
	[sflag:s23] =	ssyncadd.s32 $0xFFFFFFFF  }
0xa5: {  	s26 =	simm.s32 $execute0_lowered;
	[smem:$0x3FD2] =	sst s25  }
0xa6: {  	s5 =	sshll.u32 s26, $0x1;
	_ =	strace $0x80000046;
	[dreg:$0x1] =	wrdreg $0xFFFFFFFF  }
0xa7: {  	s28 =	simm.s32 $_size_execute0_lowered;
	s3 =	sadd.s32 s3, s5;
	[dreg:$0x0] =	wrdreg $0x0  }
0xa8: {  	s5 =	sshll.u32 s28, $0x1;
	[dreg:$0x2] =	wrdreg s3  }
0xa9: {  	[dreg:$0x3] =	wrdreg s5  }
0xaa: {  	[dreg:$0x4] =	wrdreg $0xC0  }
0xab: {  	_ =	task [dreg:s7], $0x5FFFF  }
0xac: {  	[dreg:$0x1] =	wrdreg $0xFFFFFFFF  }
0xad: {  	[dreg:$0x0] =	wrdreg $0x60  }
0xae: {  	[dreg:$0x2] =	wrdreg s2  }
0xaf: {  	[dreg:$0x3] =	wrdreg s24  }
0xb0: {  	[dreg:$0x4] =	wrdreg $0xB8800  }
0xb1: {  	[dreg:$0x5] =	wrdreg $0x1F1000  }
0xb2: {  	[dreg:$0x6] =	wrdreg $0x9  }
0xb3: {  	_ =	task.clear_ibuf [dreg:s7], $0x7FFFF;
	_ =	strace $0x90000046  }
0xb4: {  	s29 =	simm.s32 $0x9;
	_ =	strace $0x80000048  }
0xb5: {  	_ =	swait.ge [sflag:s29], $0x1  }
0xb6: {  	[sflag:s29] =	ssyncadd.s32 $0xFFFFFFFF  }
0xb7: {  	_ =	strace $0x90000048  }
0xb8: {  	_ =	sfence  }
0xb9: {  	s30 =	sld [smem:$0x0];
	_ =	sdelay $0x2  }
0xba: {  	s31 =	sshll.u32 s1, $0xD;
	s1 =	sshrl.u32 s1, $0x2  }
0xbb: {  	s3 =	sand.u32 $0x4000, s31;
	s1 =	sadd.s32 s1, s30  }
0xbc: {  	s0 =	sor.u32 s3, s0;
	s1 =	sshll.u32 s1, $0x11  }
0xbd: {  	s0 =	sor.u32 s1, s0  }
0xbe: {  	s0 =	sadd.s32 $0x8F2B, s0  }
0xbf: {  	[sflag:s0] =	ssyncadd.remote.s32 $0x1  }
0xc0: {  	_ =	sfence.sel $0xFFFF  }
0xc1: {  	[dreg:$0x0] =	wrdreg $0xFFFFFFFF;
	(pc) =	sbr.abs _section_cstart, $3  }
0xc2: {  	[dreg:$0x1] =	wrdreg $0xFFFFFFFF  }
0xc3: {  	_ =	task.clear_ibuf [dreg:s7], $0x2FFFF;
	_ =	strace $0x9FFFFFFF  }
0xc4: {  	(tm) =	ssettm $0x7FFFFFFF  }
0xc5: {  	_ =	shalt  }
tec
execute0_lowered:
.L_overlay_start_1:
0x0: {  	(tag) =	ssettag $0x1  }
0x1: {  	s0 =	rddreg [dreg:$0x0];
	s1 =	srdreg.scid  }
0x2: {  	s3 =	rddreg [dreg:$0x1];
	s11 =	stileid.u32  }
0x3: {  	s2 =	rddreg [dreg:$0x2];
	s9 =	smul.u32 $0x4E000, s11  }
0x4: {  	s4 =	rddreg [dreg:$0x3];
	s1 =	sand.u32 $0x1, s1;
	s25 =	smul.u32 $0x2700, s11  }
0x5: {  	s31 =	simm.s32 $0x2000;
	s10 =	sadd.s32 $0x28E00, s3;
	s7 =	smul.u32 $0x27100, s1  }
0x6: {  	p0 =	sne.s32 s11, $0x0;
	s5 =	sshll.u32 s1, $0x4;
	s8 =	smul.u32 $0x4F0, s1  }
0x7: {  	s1 =	ssub.s32 $0x2, s1;
	s6 =	sor.u32 s11, s5;
	s5 =	simm.s32 $0x0  }
0x8: {  	s26 =	sshrl.u32 s1, $0x1;
	s6 =	smul.u32 $0xA00, s6;
	[smem:$0x7FF] =	sst s5  }
0x9: {  	p1 =	seq.s32 s11, $0x0;
	s1 =	ssub.s32 s1, s26;
	_ =	strace $0x80000047  }
0xa: {  	[dreg:$0x5] =	wrdreg s10;
	s1 =	smax.u32 s1, $0x1;
	s6 =	sadd.s32 s6, s3  }
0xb: {  	p2 =	sne.s32 s11, $0xF;
	[dreg:$0x15] =	wrdreg s1;
	s12 =	sadd.s32 $0x14E00, s6  }
0xc: {  	s30 =	sadd.s32 $0x138000, s2;
	s13 =	sadd.s32 $0xE00, s6;
	[dreg:$0x6] =	wrdreg s12  }
0xd: {  	s10 =	sshrl.u32 s9, $0x2;
	s14 =	sadd.s32 $0x15000, s6;
	[dreg:$0x7] =	wrdreg s13  }
0xe: {  	s9 =	sadd.s32 s10, s2;
	s15 =	sadd.s32 $0x1000, s6;
	[dreg:$0x8] =	wrdreg s14  }
0xf: {  	p3 =	sne.s32 @!p1 s11, $0xF;
	s16 =	sadd.s32 $0x2800, s9;
	[dreg:$0x9] =	wrdreg s15  }
0x10: {  	p3 =	por p3, p1;
	s17 =	sadd.s32 $0x5000, s9;
	[dreg:$0xa] =	wrdreg s16  }
0x11: {  	s11 =	simm.s32 $0x3000;
	s18 =	sadd.s32 $0x7800, s9;
	[dreg:$0xb] =	wrdreg s17  }
0x12: {  	s7 =	sadd.s32 s7, s3;
	s19 =	sadd.s32 $0xA000, s9;
	[dreg:$0xc] =	wrdreg s18  }
0x13: {  	s3 =	sadd.s32 s8, s3;
	s20 =	sadd.s32 $0x15200, s6;
	[dreg:$0xd] =	wrdreg s19  }
0x14: {  	s1 =	simm.s32 $0x4;
	s21 =	sadd.s32 $0x1200, s6;
	[dreg:$0xe] =	wrdreg s20  }
0x15: {  	s8 =	simm.s32 $0x6800;
	s22 =	sadd.s32 $0x15400, s6;
	[dreg:$0xf] =	wrdreg s21  }
0x16: {  	s10 =	simm.s32 $0x1000;
	s23 =	sadd.s32 $0x1400, s6;
	[dreg:$0x10] =	wrdreg s22  }
0x17: {  	s24 =	sadd.s32 $0x15600, s6;
	s6 =	sadd.s32 $0x1600, s6;
	[dreg:$0x11] =	wrdreg s23  }
0x18: {  	s3 =	sadd.s32 $0x29400, s3;
	s28 =	sadd.s32 $0xF000, s9;
	[dreg:$0x12] =	wrdreg s24  }
0x19: {  	s29 =	sadd.s32 $0x11800, s9;
	[dreg:$0x13] =	wrdreg s6;
	s22 =	sadd.s32 $0x29E00, s7  }
0x1a: {  	[dreg:$0x14] =	wrdreg s3;
	s3 =	simm.s32 $0x50;
	s6 =	simm.s32 $0x4000  }
0x1b: {  	s7 =	simm.s32 $0x80;
	s12 =	simm.s32 $0x9000;
	s13 =	simm.s32 $0x2  }
0x1c: {  	s14 =	simm.s32 $0x1;
	s15 =	simm.s32 $0xB800;
	s16 =	simm.s32 $0x1080  }
0x1d: {  	s17 =	simm.s32 $0x3;
	s18 =	simm.s32 $0x5;
	s26 =	sadd.s32 s25, s22  }
0x1e: {  	v0 =	vimm.f32 $1.000000000e+00;
	v1 =	vimm.f32 $0.0e+00;
	s19 =	simm.s32 $0x0;
	[dreg:$0x16] =	wrdreg s26;
	s26 =	sadd.s32 $0xC800, s9  }
.LBB2_1:
0x1f: {  	s20 =	rddreg [dreg:$0x6]  }
0x20: {  	[tilespmem:s5], [sflag:$0x4] =	stream.linear.gather [hbm4b:s20+s5], $0xC80, $0x38;
	[tilespmem:$0x1F378] =	vst v63  }
0x21: {  	s23 =	rddreg [dreg:$0x7]  }
0x22: {  	[tilespmem:s31], [sflag:$0x4] =	stream.linear.gather [hbm4b:s23+s5], $0xC80, $0x38;
	[tilespmem:$0x1F378] =	vst v63  }
0x23: {  	s21 =	simm.s32 @!p0 $0x1C05;
	s20 =	sshrl.u32 @!p0 s4, $0x3;
	s23 =	rddreg [dreg:$0x5]  }
0x24: {  	[spmem:s20], [sflag:s21] =	dma.local @!p0 [hbm:s23], $0x4F0  }
0x25: {  	s20 =	simm.s32 @!p0 $0x5  }
0x26: {  	_ =	swait.ge @!p0 [sflag:s20], $0x4F0  }
0x27: {  	[sflag:s20] =	ssyncset.done @!p0 $0x0  }
0x28: {  	[sflag:s20] =	ssyncadd.s32 @!p0 $0xFFFFFB10  }
0x29: {  	[tilespmem:$0xB800] =	vst v0  }
0x2a: {  	[tilespmem:$0xB810] =	vst v0  }
0x2b: {  	[tilespmem:$0xB820] =	vst v0  }
0x2c: {  	[tilespmem:$0xB830] =	vst v0  }
0x2d: {  	[tilespmem:$0xB840] =	vst v0  }
0x2e: {  	[tilespmem:$0xB850] =	vst v0  }
0x2f: {  	[tilespmem:$0xB860] =	vst v0  }
0x30: {  	[tilespmem:$0xB870] =	vst v0  }
0x31: {  	_ =	swait.ge [sflag:s1], $0xC80  }
0x32: {  	[sflag:s1] =	ssyncset.done $0x0  }
0x33: {  	[sflag:s1] =	ssyncadd.s32 $0xFFFFF380  }
0x34: {  	_ =	swait.ge [sflag:s1], $0xC80  }
0x35: {  	[sflag:s1] =	ssyncset.done $0x0  }
0x36: {  	[sflag:s1] =	ssyncadd.s32 $0xFFFFF380  }
0x37: {  	[tilespmem:s6], [sflag:$0x1] =	stream.indirect.gather [hbm4b:s0+s3], $0x80, s5, s3, $0xb8;
	[tilespmem:$0x1F378] =	vst v63  }
0x38: {  	_ = 	snop  }
0x39: {  	[tilespmem:s8], [sflag:$0x1] =	stream.indirect.gather [hbm4b:s0+s3], $0x80, s7, s3, $0xb8;
	[tilespmem:$0x1F378] =	vst v63  }
0x3a: {  	s24 =	rddreg [dreg:$0x8]  }
0x3b: {  	[tilespmem:s10], [sflag:$0x4] =	stream.linear.gather [hbm4b:s24+s5], $0xC80, $0x38;
	[tilespmem:$0x1F378] =	vst v63  }
0x3c: {  	s21 =	simm.s32 $0x200;
	s20 =	simm.s32 $0x0;
	s25 =	rddreg [dreg:$0x9]  }
0x3d: {  	[tilespmem:s11], [sflag:$0x4] =	stream.linear.gather [hbm4b:s25+s5], $0xC80, $0x38;
	[tilespmem:$0x1F378] =	vst v63  }
.LBB2_2:
0x3e: {  	p4 =	sne.s32 s21, $0x9E00;
	[tilespmem:s20+$0x9070] =	vst v1  }
0x3f: {  	[tilespmem:s20+$0x9000] =	vst v1  }
0x40: {  	[tilespmem:s20+$0x9010] =	vst v1  }
.Ltmp0:
0x41: {  	[tilespmem:s20+$0x9020] =	vst v1;
	(pc) =	sbr.rel @p4 .LBB2_2-.Ltmp0, $4  }
0x42: {  	[tilespmem:s20+$0x9030] =	vst v1  }
0x43: {  	[tilespmem:s20+$0x9040] =	vst v1  }
0x44: {  	[tilespmem:s20+$0x9050] =	vst v1  }
0x45: {  	[tilespmem:s20+$0x9060] =	vst v1;
	s20 =	sshra.s32 s21, $0x2;
	s21 =	sadd.s32 $0x200, s21  }
0x46: {  	[tilespmem:s20+$0x9070] =	vst v1  }
0x47: {  	[tilespmem:s20+$0x9000] =	vst v1  }
0x48: {  	[tilespmem:s20+$0x9010] =	vst v1  }
0x49: {  	[tilespmem:s20+$0x9020] =	vst v1  }
0x4a: {  	[tilespmem:s20+$0x9030] =	vst v1  }
0x4b: {  	[tilespmem:s20+$0x9040] =	vst v1  }
0x4c: {  	[tilespmem:s20+$0x9050] =	vst v1  }
0x4d: {  	[tilespmem:s20+$0x9060] =	vst v1  }
0x4e: {  	[spmem:s9] =	stream.linear.scatter [tilespmem:s12], [sflag:$0x2], $0x2800, $0x38;
	[tilespmem:$0x1F378] =	vst v63  }
0x4f: {  	s21 =	rddreg [dreg:$0xa]  }
0x50: {  	[spmem:s21] =	stream.linear.scatter [tilespmem:s12], [sflag:$0x2], $0x2800, $0x38;
	[tilespmem:$0x1F378] =	vst v63  }
0x51: {  	s23 =	rddreg [dreg:$0xb]  }
0x52: {  	[spmem:s23] =	stream.linear.scatter [tilespmem:s12], [sflag:$0x2], $0x2800, $0x38;
	[tilespmem:$0x1F378] =	vst v63  }
0x53: {  	s24 =	rddreg [dreg:$0xc]  }
0x54: {  	[spmem:s24] =	stream.linear.scatter [tilespmem:s12], [sflag:$0x2], $0x2800, $0x38;
	[tilespmem:$0x1F378] =	vst v63  }
0x55: {  	s25 =	rddreg [dreg:$0xd]  }
0x56: {  	[spmem:s25] =	stream.linear.scatter [tilespmem:s12], [sflag:$0x2], $0x2800, $0x38;
	[tilespmem:$0x1F378] =	vst v63  }
0x57: {  	_ = 	snop  }
0x58: {  	[spmem:s26] =	stream.linear.scatter [tilespmem:s12], [sflag:$0x2], $0x2800, $0x38;
	[tilespmem:$0x1F378] =	vst v63  }
0x59: {  	_ = 	snop  }
0x5a: {  	[spmem:s28] =	stream.linear.scatter [tilespmem:s12], [sflag:$0x2], $0x2800, $0x38;
	[tilespmem:$0x1F378] =	vst v63  }
0x5b: {  	_ = 	snop  }
0x5c: {  	[spmem:s29] =	stream.linear.scatter [tilespmem:s12], [sflag:$0x2], $0x2000, $0x38;
	[tilespmem:$0x1F378] =	vst v63  }
0x5d: {  	s20 =	simm.s32 @!p2 $0x9000  }
0x5e: {  	[spmem:s30] =	stream.linear.scatter @!p2 [tilespmem:s20], [sflag:$0x2], $0x800, $0x38;
	[tilespmem:$0x1F378] =	vst v63  }
0x5f: {  	_ =	swait.ge [sflag:s13], $0x2800  }
0x60: {  	[sflag:s13] =	ssyncset.done $0x0  }
0x61: {  	[sflag:s13] =	ssyncadd.s32 $0xFFFFD800  }
0x62: {  	_ =	swait.ge [sflag:s13], $0x2800  }
0x63: {  	[sflag:s13] =	ssyncset.done $0x0  }
0x64: {  	[sflag:s13] =	ssyncadd.s32 $0xFFFFD800  }
0x65: {  	_ =	swait.ge [sflag:s13], $0x2800  }
0x66: {  	[sflag:s13] =	ssyncset.done $0x0  }
0x67: {  	[sflag:s13] =	ssyncadd.s32 $0xFFFFD800  }
0x68: {  	_ =	swait.ge [sflag:s13], $0x2800  }
0x69: {  	[sflag:s13] =	ssyncset.done $0x0  }
0x6a: {  	[sflag:s13] =	ssyncadd.s32 $0xFFFFD800  }
0x6b: {  	_ =	swait.ge [sflag:s13], $0x2800  }
0x6c: {  	[sflag:s13] =	ssyncset.done $0x0  }
0x6d: {  	[sflag:s13] =	ssyncadd.s32 $0xFFFFD800  }
0x6e: {  	_ =	swait.ge [sflag:s13], $0x2800  }
0x6f: {  	[sflag:s13] =	ssyncset.done $0x0  }
0x70: {  	[sflag:s13] =	ssyncadd.s32 $0xFFFFD800  }
0x71: {  	_ =	swait.ge [sflag:s13], $0x2800  }
0x72: {  	[sflag:s13] =	ssyncset.done $0x0  }
0x73: {  	[sflag:s13] =	ssyncadd.s32 $0xFFFFD800  }
0x74: {  	_ =	swait.ge [sflag:s13], $0x2000  }
0x75: {  	[sflag:s13] =	ssyncset.done $0x0  }
0x76: {  	s20 =	simm.s32 @!p2 $0x2;
	[sflag:s13] =	ssyncadd.s32 $0xFFFFE000  }
0x77: {  	_ =	swait.ge @!p2 [sflag:s20], $0x800  }
0x78: {  	[sflag:s20] =	ssyncset.done @!p2 $0x0  }
0x79: {  	s21 =	simm.s32 $0x100;
	[sflag:s20] =	ssyncadd.s32 @!p2 $0xFFFFF800  }
0x7a: {  	s23 =	simm.s32 $0x2000;
	s20 =	simm.s32 $0x0;
	[bflag:$0x0] =	sbarrier.arrive $0xFFFF  }
.LBB2_4:
0x7b: {  	s24 =	smul.u32 $0xAB, s20;
	_ =	sdelay $0x1  }
0x7c: {  	s25 =	sshrl.u32 s24, $0x9  }
0x7d: {  	s25 =	sand.u32 $0x7F, s25  }
0x7e: {  	s25 =	smul.u32 $0x3, s25  }
0x7f: {  	p4 =	seq.s32 s20, $0x0  }
0x80: {  	p5 =	sgt.u32 @!p4 s20, $0x16;
	s25 =	ssub.s32 s20, s25  }
0x81: {  	p5 =	por p4, !p5;
	s25 =	sand.u32 $0xFF, s25  }
0x82: {  	s24 =	sadd.s32 @p5 $0x156, s24;
	s25 =	smul.u32 $0xA000, s25  }
0x83: {  	_ =	swait.ge [sflag:s14], $0x2800;
	s24 =	sshrl.u32 @p5 s24, $0x9  }
0x84: {  	[sflag:s14] =	ssyncset.done $0x0;
	s24 =	sand.u32 @p5 $0x7F, s24;
	s25 =	sshrl.u32 s25, $0x2  }
0x85: {  	[sflag:s14] =	ssyncadd.s32 $0xFFFFD800;
	s24 =	smul.u32 @p5 $0x3, s24;
	s25 =	sadd.s32 $0x4000, s25  }
0x86: {  	[spmem:s2] =	stream.indirect.scatter.add.f32 [tilespmem:s25], [sflag:$0x2], $0x80, s23, s3, $0xb8;
	[tilespmem:$0x1F378] =	vst v63  }
0x87: {  	s24 =	ssub.s32 @p5 s20, s24;
	s25 =	simm.s32 @!p4 $0x2  }
0x88: {  	[spmem:s4] =	stream.indirect.scatter.add.f32 [tilespmem:s15], [sflag:$0x3], $0x1, s23, s3, $0xb8;
	[tilespmem:$0x1F378] =	vst v63  }
0x89: {  	s24 =	sadd.s32 @p5 $0x2, s24;
	_ =	swait.ge @!p4 [sflag:s25], $0x2800  }
0x8a: {  	s20 =	sadd.s32 $0x1, s20;
	s24 =	sand.u32 @p5 $0xFF, s24;
	[sflag:s25] =	ssyncset.done @!p4 $0x0  }
0x8b: {  	s24 =	smul.u32 @p5 $0xA000, s24;
	[sflag:s25] =	ssyncadd.s32 @!p4 $0xFFFFD800;
	p4 =	sne.s32 s20, $0x19  }
.Ltmp1:
0x8c: {  	_ = 	snop;
	(pc) =	sbr.rel @p4 .LBB2_4-.Ltmp1, $4  }
0x8d: {  	s24 =	sshrl.u32 @p5 s24, $0x2  }
0x8e: {  	s24 =	sadd.s32 @p5 $0x4000, s24  }
0x8f: {  	[tilespmem:s24], [sflag:$0x1] =	stream.indirect.gather @p5 [hbm4b:s0+s3], $0x80, s21, s3, $0xb8;
	[tilespmem:$0x1F378] =	vst v63  }
0x90: {  	s23 =	sadd.s32 $0x80, s23;
	s21 =	sadd.s32 $0x80, s21  }
0x91: {  	_ =	swait.ge [sflag:s13], $0x2800  }
0x92: {  	[sflag:s13] =	ssyncset.done $0x0  }
0x93: {  	[sflag:s13] =	ssyncadd.s32 $0xFFFFD800  }
0x94: {  	_ =	swait.ge [sflag:s1], $0xC80  }
0x95: {  	[sflag:s1] =	ssyncset.done $0x0  }
0x96: {  	[sflag:s1] =	ssyncadd.s32 $0xFFFFF380  }
0x97: {  	_ =	swait.ge [sflag:s1], $0xC80  }
0x98: {  	[sflag:s1] =	ssyncset.done $0x0  }
0x99: {  	[sflag:s1] =	ssyncadd.s32 $0xFFFFF380  }
0x9a: {  	[tilespmem:s6], [sflag:$0x1] =	stream.indirect.gather [hbm4b:s0+s3], $0x80, s10, s3, $0xb8;
	[tilespmem:$0x1F378] =	vst v63  }
0x9b: {  	_ = 	snop  }
0x9c: {  	[tilespmem:s8], [sflag:$0x1] =	stream.indirect.gather [hbm4b:s0+s3], $0x80, s16, s3, $0xb8;
	[tilespmem:$0x1F378] =	vst v63  }
0x9d: {  	_ =	swait.ge [sflag:s17], $0x50  }
0x9e: {  	[sflag:s17] =	ssyncset.done $0x0  }
0x9f: {  	[sflag:s17] =	ssyncadd.s32 $0xFFFFFFB0  }
0xa0: {  	_ =	swait.ge [sflag:s17], $0x50  }
0xa1: {  	[sflag:s17] =	ssyncset.done $0x0  }
0xa2: {  	[sflag:s17] =	ssyncadd.s32 $0xFFFFFFB0  }
0xa3: {  	_ =	swait.ge [sflag:s17], $0x50  }
0xa4: {  	[sflag:s17] =	ssyncset.done $0x0  }
0xa5: {  	[sflag:s17] =	ssyncadd.s32 $0xFFFFFFB0  }
0xa6: {  	_ =	swait.ge [sflag:s17], $0x50  }
0xa7: {  	[sflag:s17] =	ssyncset.done $0x0  }
0xa8: {  	[sflag:s17] =	ssyncadd.s32 $0xFFFFFFB0  }
0xa9: {  	_ =	swait.ge [sflag:s17], $0x50  }
0xaa: {  	[sflag:s17] =	ssyncset.done $0x0  }
0xab: {  	[sflag:s17] =	ssyncadd.s32 $0xFFFFFFB0  }
0xac: {  	_ =	swait.ge [sflag:s17], $0x50  }
0xad: {  	[sflag:s17] =	ssyncset.done $0x0  }
0xae: {  	[sflag:s17] =	ssyncadd.s32 $0xFFFFFFB0  }
0xaf: {  	_ =	swait.ge [sflag:s17], $0x50  }
0xb0: {  	[sflag:s17] =	ssyncset.done $0x0  }
0xb1: {  	[sflag:s17] =	ssyncadd.s32 $0xFFFFFFB0  }
0xb2: {  	_ =	swait.ge [sflag:s17], $0x50  }
0xb3: {  	[sflag:s17] =	ssyncset.done $0x0  }
0xb4: {  	[sflag:s17] =	ssyncadd.s32 $0xFFFFFFB0  }
0xb5: {  	_ =	swait.ge [sflag:s17], $0x50  }
0xb6: {  	[sflag:s17] =	ssyncset.done $0x0  }
0xb7: {  	[sflag:s17] =	ssyncadd.s32 $0xFFFFFFB0  }
0xb8: {  	_ =	swait.ge [sflag:s17], $0x50  }
0xb9: {  	[sflag:s17] =	ssyncset.done $0x0  }
0xba: {  	[sflag:s17] =	ssyncadd.s32 $0xFFFFFFB0  }
0xbb: {  	_ =	swait.ge [sflag:s17], $0x50  }
0xbc: {  	[sflag:s17] =	ssyncset.done $0x0  }
0xbd: {  	[sflag:s17] =	ssyncadd.s32 $0xFFFFFFB0  }
0xbe: {  	_ =	swait.ge [sflag:s17], $0x50  }
0xbf: {  	[sflag:s17] =	ssyncset.done $0x0  }
0xc0: {  	[sflag:s17] =	ssyncadd.s32 $0xFFFFFFB0  }
0xc1: {  	_ =	swait.ge [sflag:s17], $0x50  }
0xc2: {  	[sflag:s17] =	ssyncset.done $0x0  }
0xc3: {  	[sflag:s17] =	ssyncadd.s32 $0xFFFFFFB0  }
0xc4: {  	_ =	swait.ge [sflag:s17], $0x50  }
0xc5: {  	[sflag:s17] =	ssyncset.done $0x0  }
0xc6: {  	[sflag:s17] =	ssyncadd.s32 $0xFFFFFFB0  }
0xc7: {  	_ =	swait.ge [sflag:s17], $0x50  }
0xc8: {  	[sflag:s17] =	ssyncset.done $0x0  }
0xc9: {  	[sflag:s17] =	ssyncadd.s32 $0xFFFFFFB0  }
0xca: {  	_ =	swait.ge [sflag:s17], $0x50  }
0xcb: {  	[sflag:s17] =	ssyncset.done $0x0  }
0xcc: {  	[sflag:s17] =	ssyncadd.s32 $0xFFFFFFB0  }
0xcd: {  	_ =	swait.ge [sflag:s17], $0x50  }
0xce: {  	[sflag:s17] =	ssyncset.done $0x0  }
0xcf: {  	[sflag:s17] =	ssyncadd.s32 $0xFFFFFFB0  }
0xd0: {  	_ =	swait.ge [sflag:s17], $0x50  }
0xd1: {  	[sflag:s17] =	ssyncset.done $0x0  }
0xd2: {  	[sflag:s17] =	ssyncadd.s32 $0xFFFFFFB0  }
0xd3: {  	_ =	swait.ge [sflag:s17], $0x50  }
0xd4: {  	[sflag:s17] =	ssyncset.done $0x0  }
0xd5: {  	[sflag:s17] =	ssyncadd.s32 $0xFFFFFFB0  }
0xd6: {  	_ =	swait.ge [sflag:s17], $0x50  }
0xd7: {  	[sflag:s17] =	ssyncset.done $0x0  }
0xd8: {  	[sflag:s17] =	ssyncadd.s32 $0xFFFFFFB0  }
0xd9: {  	_ =	swait.ge [sflag:s17], $0x50  }
0xda: {  	[sflag:s17] =	ssyncset.done $0x0  }
0xdb: {  	[sflag:s17] =	ssyncadd.s32 $0xFFFFFFB0  }
0xdc: {  	_ =	swait.ge [sflag:s17], $0x50  }
0xdd: {  	[sflag:s17] =	ssyncset.done $0x0  }
0xde: {  	[sflag:s17] =	ssyncadd.s32 $0xFFFFFFB0  }
0xdf: {  	_ =	swait.ge [sflag:s17], $0x50  }
0xe0: {  	[sflag:s17] =	ssyncset.done $0x0  }
0xe1: {  	[sflag:s17] =	ssyncadd.s32 $0xFFFFFFB0  }
0xe2: {  	_ =	swait.ge [sflag:s17], $0x50  }
0xe3: {  	[sflag:s17] =	ssyncset.done $0x0  }
0xe4: {  	[sflag:s17] =	ssyncadd.s32 $0xFFFFFFB0  }
0xe5: {  	_ =	swait.ge [sflag:s17], $0x50  }
0xe6: {  	[sflag:s17] =	ssyncset.done $0x0  }
0xe7: {  	s20 =	simm.s32 $0x0;
	s21 =	rddreg [dreg:$0xe];
	[sflag:s17] =	ssyncadd.s32 $0xFFFFFFB0  }
0xe8: {  	[tilespmem:s20], [sflag:$0x4] =	stream.linear.gather [hbm4b:s21+s20], $0xC80, $0x38;
	[tilespmem:$0x1F378] =	vst v63  }
0xe9: {  	s23 =	simm.s32 $0x3000;
	s25 =	rddreg [dreg:$0xf];
	s21 =	simm.s32 $0x1100  }
0xea: {  	[tilespmem:s31], [sflag:$0x4] =	stream.linear.gather [hbm4b:s25+s20], $0xC80, $0x38;
	[tilespmem:$0x1F378] =	vst v63  }
.LBB2_6:
0xeb: {  	s24 =	smul.u32 $0xAB, s20;
	_ =	sdelay $0x1  }
0xec: {  	s25 =	sshrl.u32 s24, $0x9  }
0xed: {  	s25 =	sand.u32 $0x7F, s25  }
0xee: {  	s25 =	smul.u32 $0x3, s25  }
0xef: {  	p4 =	seq.s32 s20, $0x0  }
0xf0: {  	p5 =	sgt.u32 @!p4 s20, $0x16;
	s25 =	ssub.s32 s20, s25  }
0xf1: {  	p5 =	por p4, !p5;
	s25 =	sand.u32 $0xFF, s25  }
0xf2: {  	s24 =	sadd.s32 @p5 $0x156, s24;
	s25 =	smul.u32 $0xA000, s25  }
0xf3: {  	_ =	swait.ge [sflag:s14], $0x2800;
	s24 =	sshrl.u32 @p5 s24, $0x9  }
0xf4: {  	[sflag:s14] =	ssyncset.done $0x0;
	s24 =	sand.u32 @p5 $0x7F, s24;
	s25 =	sshrl.u32 s25, $0x2  }
0xf5: {  	[sflag:s14] =	ssyncadd.s32 $0xFFFFD800;
	s24 =	smul.u32 @p5 $0x3, s24;
	s25 =	sadd.s32 $0x4000, s25  }
0xf6: {  	[spmem:s2] =	stream.indirect.scatter.add.f32 [tilespmem:s25], [sflag:$0x2], $0x80, s23, s3, $0xb8;
	[tilespmem:$0x1F378] =	vst v63  }
0xf7: {  	s24 =	ssub.s32 @p5 s20, s24;
	s25 =	simm.s32 @!p4 $0x2  }
0xf8: {  	[spmem:s4] =	stream.indirect.scatter.add.f32 [tilespmem:s15], [sflag:$0x3], $0x1, s23, s3, $0xb8;
	[tilespmem:$0x1F378] =	vst v63  }
0xf9: {  	s24 =	sadd.s32 @p5 $0x2, s24;
	_ =	swait.ge @!p4 [sflag:s25], $0x2800  }
0xfa: {  	s20 =	sadd.s32 $0x1, s20;
	s24 =	sand.u32 @p5 $0xFF, s24;
	[sflag:s25] =	ssyncset.done @!p4 $0x0  }
0xfb: {  	s24 =	smul.u32 @p5 $0xA000, s24;
	[sflag:s25] =	ssyncadd.s32 @!p4 $0xFFFFD800;
	p4 =	sne.s32 s20, $0x19  }
.Ltmp2:
0xfc: {  	_ = 	snop;
	(pc) =	sbr.rel @p4 .LBB2_6-.Ltmp2, $4  }
0xfd: {  	s24 =	sshrl.u32 @p5 s24, $0x2  }
0xfe: {  	s24 =	sadd.s32 @p5 $0x4000, s24  }
0xff: {  	[tilespmem:s24], [sflag:$0x1] =	stream.indirect.gather @p5 [hbm4b:s0+s3], $0x80, s21, s3, $0xb8;
	[tilespmem:$0x1F378] =	vst v63  }
0x100: {  	s23 =	sadd.s32 $0x80, s23;
	s21 =	sadd.s32 $0x80, s21  }
0x101: {  	_ =	swait.ge [sflag:s13], $0x2800  }
0x102: {  	[sflag:s13] =	ssyncset.done $0x0  }
0x103: {  	[sflag:s13] =	ssyncadd.s32 $0xFFFFD800  }
0x104: {  	_ =	swait.ge [sflag:s1], $0xC80  }
0x105: {  	[sflag:s1] =	ssyncset.done $0x0  }
0x106: {  	[sflag:s1] =	ssyncadd.s32 $0xFFFFF380  }
0x107: {  	_ =	swait.ge [sflag:s1], $0xC80  }
0x108: {  	[sflag:s1] =	ssyncset.done $0x0  }
0x109: {  	s20 =	simm.s32 $0x0;
	[sflag:s1] =	ssyncadd.s32 $0xFFFFF380  }
0x10a: {  	[tilespmem:s6], [sflag:$0x1] =	stream.indirect.gather [hbm4b:s0+s3], $0x80, s20, s3, $0xb8;
	[tilespmem:$0x1F378] =	vst v63  }
0x10b: {  	_ = 	snop  }
0x10c: {  	[tilespmem:s8], [sflag:$0x1] =	stream.indirect.gather [hbm4b:s0+s3], $0x80, s7, s3, $0xb8;
	[tilespmem:$0x1F378] =	vst v63  }
0x10d: {  	_ =	swait.ge [sflag:s17], $0x50  }
0x10e: {  	[sflag:s17] =	ssyncset.done $0x0  }
0x10f: {  	[sflag:s17] =	ssyncadd.s32 $0xFFFFFFB0  }
0x110: {  	_ =	swait.ge [sflag:s17], $0x50  }
0x111: {  	[sflag:s17] =	ssyncset.done $0x0  }
0x112: {  	[sflag:s17] =	ssyncadd.s32 $0xFFFFFFB0  }
0x113: {  	_ =	swait.ge [sflag:s17], $0x50  }
0x114: {  	[sflag:s17] =	ssyncset.done $0x0  }
0x115: {  	[sflag:s17] =	ssyncadd.s32 $0xFFFFFFB0  }
0x116: {  	_ =	swait.ge [sflag:s17], $0x50  }
0x117: {  	[sflag:s17] =	ssyncset.done $0x0  }
0x118: {  	[sflag:s17] =	ssyncadd.s32 $0xFFFFFFB0  }
0x119: {  	_ =	swait.ge [sflag:s17], $0x50  }
0x11a: {  	[sflag:s17] =	ssyncset.done $0x0  }
0x11b: {  	[sflag:s17] =	ssyncadd.s32 $0xFFFFFFB0  }
0x11c: {  	_ =	swait.ge [sflag:s17], $0x50  }
0x11d: {  	[sflag:s17] =	ssyncset.done $0x0  }
0x11e: {  	[sflag:s17] =	ssyncadd.s32 $0xFFFFFFB0  }
0x11f: {  	_ =	swait.ge [sflag:s17], $0x50  }
0x120: {  	[sflag:s17] =	ssyncset.done $0x0  }
0x121: {  	[sflag:s17] =	ssyncadd.s32 $0xFFFFFFB0  }
0x122: {  	_ =	swait.ge [sflag:s17], $0x50  }
0x123: {  	[sflag:s17] =	ssyncset.done $0x0  }
0x124: {  	[sflag:s17] =	ssyncadd.s32 $0xFFFFFFB0  }
0x125: {  	_ =	swait.ge [sflag:s17], $0x50  }
0x126: {  	[sflag:s17] =	ssyncset.done $0x0  }
0x127: {  	[sflag:s17] =	ssyncadd.s32 $0xFFFFFFB0  }
0x128: {  	_ =	swait.ge [sflag:s17], $0x50  }
0x129: {  	[sflag:s17] =	ssyncset.done $0x0  }
0x12a: {  	[sflag:s17] =	ssyncadd.s32 $0xFFFFFFB0  }
0x12b: {  	_ =	swait.ge [sflag:s17], $0x50  }
0x12c: {  	[sflag:s17] =	ssyncset.done $0x0  }
0x12d: {  	[sflag:s17] =	ssyncadd.s32 $0xFFFFFFB0  }
0x12e: {  	_ =	swait.ge [sflag:s17], $0x50  }
0x12f: {  	[sflag:s17] =	ssyncset.done $0x0  }
0x130: {  	[sflag:s17] =	ssyncadd.s32 $0xFFFFFFB0  }
0x131: {  	_ =	swait.ge [sflag:s17], $0x50  }
0x132: {  	[sflag:s17] =	ssyncset.done $0x0  }
0x133: {  	[sflag:s17] =	ssyncadd.s32 $0xFFFFFFB0  }
0x134: {  	_ =	swait.ge [sflag:s17], $0x50  }
0x135: {  	[sflag:s17] =	ssyncset.done $0x0  }
0x136: {  	[sflag:s17] =	ssyncadd.s32 $0xFFFFFFB0  }
0x137: {  	_ =	swait.ge [sflag:s17], $0x50  }
0x138: {  	[sflag:s17] =	ssyncset.done $0x0  }
0x139: {  	[sflag:s17] =	ssyncadd.s32 $0xFFFFFFB0  }
0x13a: {  	_ =	swait.ge [sflag:s17], $0x50  }
0x13b: {  	[sflag:s17] =	ssyncset.done $0x0  }
0x13c: {  	[sflag:s17] =	ssyncadd.s32 $0xFFFFFFB0  }
0x13d: {  	_ =	swait.ge [sflag:s17], $0x50  }
0x13e: {  	[sflag:s17] =	ssyncset.done $0x0  }
0x13f: {  	[sflag:s17] =	ssyncadd.s32 $0xFFFFFFB0  }
0x140: {  	_ =	swait.ge [sflag:s17], $0x50  }
0x141: {  	[sflag:s17] =	ssyncset.done $0x0  }
0x142: {  	[sflag:s17] =	ssyncadd.s32 $0xFFFFFFB0  }
0x143: {  	_ =	swait.ge [sflag:s17], $0x50  }
0x144: {  	[sflag:s17] =	ssyncset.done $0x0  }
0x145: {  	[sflag:s17] =	ssyncadd.s32 $0xFFFFFFB0  }
0x146: {  	_ =	swait.ge [sflag:s17], $0x50  }
0x147: {  	[sflag:s17] =	ssyncset.done $0x0  }
0x148: {  	[sflag:s17] =	ssyncadd.s32 $0xFFFFFFB0  }
0x149: {  	_ =	swait.ge [sflag:s17], $0x50  }
0x14a: {  	[sflag:s17] =	ssyncset.done $0x0  }
0x14b: {  	[sflag:s17] =	ssyncadd.s32 $0xFFFFFFB0  }
0x14c: {  	_ =	swait.ge [sflag:s17], $0x50  }
0x14d: {  	[sflag:s17] =	ssyncset.done $0x0  }
0x14e: {  	[sflag:s17] =	ssyncadd.s32 $0xFFFFFFB0  }
0x14f: {  	_ =	swait.ge [sflag:s17], $0x50  }
0x150: {  	[sflag:s17] =	ssyncset.done $0x0  }
0x151: {  	[sflag:s17] =	ssyncadd.s32 $0xFFFFFFB0  }
0x152: {  	_ =	swait.ge [sflag:s17], $0x50  }
0x153: {  	[sflag:s17] =	ssyncset.done $0x0  }
0x154: {  	[sflag:s17] =	ssyncadd.s32 $0xFFFFFFB0  }
0x155: {  	_ =	swait.ge [sflag:s17], $0x50  }
0x156: {  	[sflag:s17] =	ssyncset.done $0x0  }
0x157: {  	s21 =	rddreg [dreg:$0x10];
	[sflag:s17] =	ssyncadd.s32 $0xFFFFFFB0  }
0x158: {  	[tilespmem:s10], [sflag:$0x4] =	stream.linear.gather [hbm4b:s21+s20], $0xC80, $0x38;
	[tilespmem:$0x1F378] =	vst v63  }
0x159: {  	s23 =	simm.s32 $0x2000;
	s25 =	rddreg [dreg:$0x11];
	s21 =	simm.s32 $0x100  }
0x15a: {  	[tilespmem:s11], [sflag:$0x4] =	stream.linear.gather [hbm4b:s25+s20], $0xC80, $0x38;
	[tilespmem:$0x1F378] =	vst v63  }
.LBB2_8:
0x15b: {  	s24 =	smul.u32 $0xAB, s20;
	_ =	sdelay $0x1  }
0x15c: {  	s25 =	sshrl.u32 s24, $0x9  }
0x15d: {  	s25 =	sand.u32 $0x7F, s25  }
0x15e: {  	s25 =	smul.u32 $0x3, s25  }
0x15f: {  	p4 =	seq.s32 s20, $0x0  }
0x160: {  	p5 =	sgt.u32 @!p4 s20, $0x16;
	s25 =	ssub.s32 s20, s25  }
0x161: {  	p5 =	por p4, !p5;
	s25 =	sand.u32 $0xFF, s25  }
0x162: {  	s24 =	sadd.s32 @p5 $0x156, s24;
	s25 =	smul.u32 $0xA000, s25  }
0x163: {  	_ =	swait.ge [sflag:s14], $0x2800;
	s24 =	sshrl.u32 @p5 s24, $0x9  }
0x164: {  	[sflag:s14] =	ssyncset.done $0x0;
	s24 =	sand.u32 @p5 $0x7F, s24;
	s25 =	sshrl.u32 s25, $0x2  }
0x165: {  	[sflag:s14] =	ssyncadd.s32 $0xFFFFD800;
	s24 =	smul.u32 @p5 $0x3, s24;
	s25 =	sadd.s32 $0x4000, s25  }
0x166: {  	[spmem:s2] =	stream.indirect.scatter.add.f32 [tilespmem:s25], [sflag:$0x2], $0x80, s23, s3, $0xb8;
	[tilespmem:$0x1F378] =	vst v63  }
0x167: {  	s24 =	ssub.s32 @p5 s20, s24;
	s25 =	simm.s32 @!p4 $0x2  }
0x168: {  	[spmem:s4] =	stream.indirect.scatter.add.f32 [tilespmem:s15], [sflag:$0x3], $0x1, s23, s3, $0xb8;
	[tilespmem:$0x1F378] =	vst v63  }
0x169: {  	s24 =	sadd.s32 @p5 $0x2, s24;
	_ =	swait.ge @!p4 [sflag:s25], $0x2800  }
0x16a: {  	s20 =	sadd.s32 $0x1, s20;
	s24 =	sand.u32 @p5 $0xFF, s24;
	[sflag:s25] =	ssyncset.done @!p4 $0x0  }
0x16b: {  	s24 =	smul.u32 @p5 $0xA000, s24;
	[sflag:s25] =	ssyncadd.s32 @!p4 $0xFFFFD800;
	p4 =	sne.s32 s20, $0x19  }
.Ltmp3:
0x16c: {  	_ = 	snop;
	(pc) =	sbr.rel @p4 .LBB2_8-.Ltmp3, $4  }
0x16d: {  	s24 =	sshrl.u32 @p5 s24, $0x2  }
0x16e: {  	s24 =	sadd.s32 @p5 $0x4000, s24  }
0x16f: {  	[tilespmem:s24], [sflag:$0x1] =	stream.indirect.gather @p5 [hbm4b:s0+s3], $0x80, s21, s3, $0xb8;
	[tilespmem:$0x1F378] =	vst v63  }
0x170: {  	s23 =	sadd.s32 $0x80, s23;
	s21 =	sadd.s32 $0x80, s21  }
0x171: {  	_ =	swait.ge [sflag:s13], $0x2800  }
0x172: {  	[sflag:s13] =	ssyncset.done $0x0  }
0x173: {  	[sflag:s13] =	ssyncadd.s32 $0xFFFFD800  }
0x174: {  	_ =	swait.ge [sflag:s1], $0xC80  }
0x175: {  	[sflag:s1] =	ssyncset.done $0x0  }
0x176: {  	[sflag:s1] =	ssyncadd.s32 $0xFFFFF380  }
0x177: {  	_ =	swait.ge [sflag:s1], $0xC80  }
0x178: {  	[sflag:s1] =	ssyncset.done $0x0  }
0x179: {  	[sflag:s1] =	ssyncadd.s32 $0xFFFFF380  }
0x17a: {  	[tilespmem:s6], [sflag:$0x1] =	stream.indirect.gather [hbm4b:s0+s3], $0x80, s10, s3, $0xb8;
	[tilespmem:$0x1F378] =	vst v63  }
0x17b: {  	_ = 	snop  }
0x17c: {  	[tilespmem:s8], [sflag:$0x1] =	stream.indirect.gather [hbm4b:s0+s3], $0x80, s16, s3, $0xb8;
	[tilespmem:$0x1F378] =	vst v63  }
0x17d: {  	_ =	swait.ge [sflag:s17], $0x50  }
0x17e: {  	[sflag:s17] =	ssyncset.done $0x0  }
0x17f: {  	[sflag:s17] =	ssyncadd.s32 $0xFFFFFFB0  }
0x180: {  	_ =	swait.ge [sflag:s17], $0x50  }
0x181: {  	[sflag:s17] =	ssyncset.done $0x0  }
0x182: {  	[sflag:s17] =	ssyncadd.s32 $0xFFFFFFB0  }
0x183: {  	_ =	swait.ge [sflag:s17], $0x50  }
0x184: {  	[sflag:s17] =	ssyncset.done $0x0  }
0x185: {  	[sflag:s17] =	ssyncadd.s32 $0xFFFFFFB0  }
0x186: {  	_ =	swait.ge [sflag:s17], $0x50  }
0x187: {  	[sflag:s17] =	ssyncset.done $0x0  }
0x188: {  	[sflag:s17] =	ssyncadd.s32 $0xFFFFFFB0  }
0x189: {  	_ =	swait.ge [sflag:s17], $0x50  }
0x18a: {  	[sflag:s17] =	ssyncset.done $0x0  }
0x18b: {  	[sflag:s17] =	ssyncadd.s32 $0xFFFFFFB0  }
0x18c: {  	_ =	swait.ge [sflag:s17], $0x50  }
0x18d: {  	[sflag:s17] =	ssyncset.done $0x0  }
0x18e: {  	[sflag:s17] =	ssyncadd.s32 $0xFFFFFFB0  }
0x18f: {  	_ =	swait.ge [sflag:s17], $0x50  }
0x190: {  	[sflag:s17] =	ssyncset.done $0x0  }
0x191: {  	[sflag:s17] =	ssyncadd.s32 $0xFFFFFFB0  }
0x192: {  	_ =	swait.ge [sflag:s17], $0x50  }
0x193: {  	[sflag:s17] =	ssyncset.done $0x0  }
0x194: {  	[sflag:s17] =	ssyncadd.s32 $0xFFFFFFB0  }
0x195: {  	_ =	swait.ge [sflag:s17], $0x50  }
0x196: {  	[sflag:s17] =	ssyncset.done $0x0  }
0x197: {  	[sflag:s17] =	ssyncadd.s32 $0xFFFFFFB0  }
0x198: {  	_ =	swait.ge [sflag:s17], $0x50  }
0x199: {  	[sflag:s17] =	ssyncset.done $0x0  }
0x19a: {  	[sflag:s17] =	ssyncadd.s32 $0xFFFFFFB0  }
0x19b: {  	_ =	swait.ge [sflag:s17], $0x50  }
0x19c: {  	[sflag:s17] =	ssyncset.done $0x0  }
0x19d: {  	[sflag:s17] =	ssyncadd.s32 $0xFFFFFFB0  }
0x19e: {  	_ =	swait.ge [sflag:s17], $0x50  }
0x19f: {  	[sflag:s17] =	ssyncset.done $0x0  }
0x1a0: {  	[sflag:s17] =	ssyncadd.s32 $0xFFFFFFB0  }
0x1a1: {  	_ =	swait.ge [sflag:s17], $0x50  }
0x1a2: {  	[sflag:s17] =	ssyncset.done $0x0  }
0x1a3: {  	[sflag:s17] =	ssyncadd.s32 $0xFFFFFFB0  }
0x1a4: {  	_ =	swait.ge [sflag:s17], $0x50  }
0x1a5: {  	[sflag:s17] =	ssyncset.done $0x0  }
0x1a6: {  	[sflag:s17] =	ssyncadd.s32 $0xFFFFFFB0  }
0x1a7: {  	_ =	swait.ge [sflag:s17], $0x50  }
0x1a8: {  	[sflag:s17] =	ssyncset.done $0x0  }
0x1a9: {  	[sflag:s17] =	ssyncadd.s32 $0xFFFFFFB0  }
0x1aa: {  	_ =	swait.ge [sflag:s17], $0x50  }
0x1ab: {  	[sflag:s17] =	ssyncset.done $0x0  }
0x1ac: {  	[sflag:s17] =	ssyncadd.s32 $0xFFFFFFB0  }
0x1ad: {  	_ =	swait.ge [sflag:s17], $0x50  }
0x1ae: {  	[sflag:s17] =	ssyncset.done $0x0  }
0x1af: {  	[sflag:s17] =	ssyncadd.s32 $0xFFFFFFB0  }
0x1b0: {  	_ =	swait.ge [sflag:s17], $0x50  }
0x1b1: {  	[sflag:s17] =	ssyncset.done $0x0  }
0x1b2: {  	[sflag:s17] =	ssyncadd.s32 $0xFFFFFFB0  }
0x1b3: {  	_ =	swait.ge [sflag:s17], $0x50  }
0x1b4: {  	[sflag:s17] =	ssyncset.done $0x0  }
0x1b5: {  	[sflag:s17] =	ssyncadd.s32 $0xFFFFFFB0  }
0x1b6: {  	_ =	swait.ge [sflag:s17], $0x50  }
0x1b7: {  	[sflag:s17] =	ssyncset.done $0x0  }
0x1b8: {  	[sflag:s17] =	ssyncadd.s32 $0xFFFFFFB0  }
0x1b9: {  	_ =	swait.ge [sflag:s17], $0x50  }
0x1ba: {  	[sflag:s17] =	ssyncset.done $0x0  }
0x1bb: {  	[sflag:s17] =	ssyncadd.s32 $0xFFFFFFB0  }
0x1bc: {  	_ =	swait.ge [sflag:s17], $0x50  }
0x1bd: {  	[sflag:s17] =	ssyncset.done $0x0  }
0x1be: {  	[sflag:s17] =	ssyncadd.s32 $0xFFFFFFB0  }
0x1bf: {  	_ =	swait.ge [sflag:s17], $0x50  }
0x1c0: {  	[sflag:s17] =	ssyncset.done $0x0  }
0x1c1: {  	[sflag:s17] =	ssyncadd.s32 $0xFFFFFFB0  }
0x1c2: {  	_ =	swait.ge [sflag:s17], $0x50  }
0x1c3: {  	[sflag:s17] =	ssyncset.done $0x0  }
0x1c4: {  	[sflag:s17] =	ssyncadd.s32 $0xFFFFFFB0  }
0x1c5: {  	_ =	swait.ge [sflag:s17], $0x50  }
0x1c6: {  	[sflag:s17] =	ssyncset.done $0x0  }
0x1c7: {  	s20 =	simm.s32 $0x0;
	s21 =	rddreg [dreg:$0x12];
	[sflag:s17] =	ssyncadd.s32 $0xFFFFFFB0  }
0x1c8: {  	[tilespmem:s20], [sflag:$0x4] =	stream.linear.gather [hbm4b:s21+s20], $0xC80, $0x38;
	[tilespmem:$0x1F378] =	vst v63  }
0x1c9: {  	s23 =	simm.s32 $0x3000;
	s25 =	rddreg [dreg:$0x13];
	s21 =	simm.s32 $0x1100  }
0x1ca: {  	[tilespmem:s31], [sflag:$0x4] =	stream.linear.gather [hbm4b:s25+s20], $0xC80, $0x38;
	[tilespmem:$0x1F378] =	vst v63  }
.LBB2_10:
0x1cb: {  	s24 =	smul.u32 $0xAB, s20;
	_ =	sdelay $0x1  }
0x1cc: {  	s25 =	sshrl.u32 s24, $0x9  }
0x1cd: {  	s25 =	sand.u32 $0x7F, s25  }
0x1ce: {  	s25 =	smul.u32 $0x3, s25  }
0x1cf: {  	p4 =	seq.s32 s20, $0x0  }
0x1d0: {  	p5 =	sgt.u32 @!p4 s20, $0x16;
	s25 =	ssub.s32 s20, s25  }
0x1d1: {  	p5 =	por p4, !p5;
	s25 =	sand.u32 $0xFF, s25  }
0x1d2: {  	s24 =	sadd.s32 @p5 $0x156, s24;
	s25 =	smul.u32 $0xA000, s25  }
0x1d3: {  	_ =	swait.ge [sflag:s14], $0x2800;
	s24 =	sshrl.u32 @p5 s24, $0x9  }
0x1d4: {  	[sflag:s14] =	ssyncset.done $0x0;
	s24 =	sand.u32 @p5 $0x7F, s24;
	s25 =	sshrl.u32 s25, $0x2  }
0x1d5: {  	[sflag:s14] =	ssyncadd.s32 $0xFFFFD800;
	s24 =	smul.u32 @p5 $0x3, s24;
	s25 =	sadd.s32 $0x4000, s25  }
0x1d6: {  	[spmem:s2] =	stream.indirect.scatter.add.f32 [tilespmem:s25], [sflag:$0x2], $0x80, s23, s3, $0xb8;
	[tilespmem:$0x1F378] =	vst v63  }
0x1d7: {  	s24 =	ssub.s32 @p5 s20, s24;
	s25 =	simm.s32 @!p4 $0x2  }
0x1d8: {  	[spmem:s4] =	stream.indirect.scatter.add.f32 [tilespmem:s15], [sflag:$0x3], $0x1, s23, s3, $0xb8;
	[tilespmem:$0x1F378] =	vst v63  }
0x1d9: {  	s24 =	sadd.s32 @p5 $0x2, s24;
	_ =	swait.ge @!p4 [sflag:s25], $0x2800  }
0x1da: {  	s20 =	sadd.s32 $0x1, s20;
	s24 =	sand.u32 @p5 $0xFF, s24;
	[sflag:s25] =	ssyncset.done @!p4 $0x0  }
0x1db: {  	s24 =	smul.u32 @p5 $0xA000, s24;
	[sflag:s25] =	ssyncadd.s32 @!p4 $0xFFFFD800;
	p4 =	sne.s32 s20, $0x19  }
.Ltmp4:
0x1dc: {  	_ = 	snop;
	(pc) =	sbr.rel @p4 .LBB2_10-.Ltmp4, $4  }
0x1dd: {  	s24 =	sshrl.u32 @p5 s24, $0x2  }
0x1de: {  	s24 =	sadd.s32 @p5 $0x4000, s24  }
0x1df: {  	[tilespmem:s24], [sflag:$0x1] =	stream.indirect.gather @p5 [hbm4b:s0+s3], $0x80, s21, s3, $0xb8;
	[tilespmem:$0x1F378] =	vst v63  }
0x1e0: {  	s23 =	sadd.s32 $0x80, s23;
	s21 =	sadd.s32 $0x80, s21  }
0x1e1: {  	_ =	swait.ge [sflag:s13], $0x2800  }
0x1e2: {  	[sflag:s13] =	ssyncset.done $0x0  }
0x1e3: {  	[sflag:s13] =	ssyncadd.s32 $0xFFFFD800  }
0x1e4: {  	_ =	swait.ge [sflag:s1], $0xC80  }
0x1e5: {  	[sflag:s1] =	ssyncset.done $0x0  }
0x1e6: {  	[sflag:s1] =	ssyncadd.s32 $0xFFFFF380  }
0x1e7: {  	_ =	swait.ge [sflag:s1], $0xC80  }
0x1e8: {  	[sflag:s1] =	ssyncset.done $0x0  }
0x1e9: {  	s20 =	simm.s32 $0x0;
	[sflag:s1] =	ssyncadd.s32 $0xFFFFF380  }
0x1ea: {  	[tilespmem:s6], [sflag:$0x1] =	stream.indirect.gather [hbm4b:s0+s3], $0x80, s20, s3, $0xb8;
	[tilespmem:$0x1F378] =	vst v63  }
0x1eb: {  	_ = 	snop  }
0x1ec: {  	[tilespmem:s8], [sflag:$0x1] =	stream.indirect.gather [hbm4b:s0+s3], $0x80, s7, s3, $0xb8;
	[tilespmem:$0x1F378] =	vst v63  }
0x1ed: {  	_ =	swait.ge [sflag:s17], $0x50  }
0x1ee: {  	[sflag:s17] =	ssyncset.done $0x0  }
0x1ef: {  	[sflag:s17] =	ssyncadd.s32 $0xFFFFFFB0  }
0x1f0: {  	_ =	swait.ge [sflag:s17], $0x50  }
0x1f1: {  	[sflag:s17] =	ssyncset.done $0x0  }
0x1f2: {  	[sflag:s17] =	ssyncadd.s32 $0xFFFFFFB0  }
0x1f3: {  	_ =	swait.ge [sflag:s17], $0x50  }
0x1f4: {  	[sflag:s17] =	ssyncset.done $0x0  }
0x1f5: {  	[sflag:s17] =	ssyncadd.s32 $0xFFFFFFB0  }
0x1f6: {  	_ =	swait.ge [sflag:s17], $0x50  }
0x1f7: {  	[sflag:s17] =	ssyncset.done $0x0  }
0x1f8: {  	[sflag:s17] =	ssyncadd.s32 $0xFFFFFFB0  }
0x1f9: {  	_ =	swait.ge [sflag:s17], $0x50  }
0x1fa: {  	[sflag:s17] =	ssyncset.done $0x0  }
0x1fb: {  	[sflag:s17] =	ssyncadd.s32 $0xFFFFFFB0  }
0x1fc: {  	_ =	swait.ge [sflag:s17], $0x50  }
0x1fd: {  	[sflag:s17] =	ssyncset.done $0x0  }
0x1fe: {  	[sflag:s17] =	ssyncadd.s32 $0xFFFFFFB0  }
0x1ff: {  	_ =	swait.ge [sflag:s17], $0x50  }
0x200: {  	[sflag:s17] =	ssyncset.done $0x0  }
0x201: {  	[sflag:s17] =	ssyncadd.s32 $0xFFFFFFB0  }
0x202: {  	_ =	swait.ge [sflag:s17], $0x50  }
0x203: {  	[sflag:s17] =	ssyncset.done $0x0  }
0x204: {  	[sflag:s17] =	ssyncadd.s32 $0xFFFFFFB0  }
0x205: {  	_ =	swait.ge [sflag:s17], $0x50  }
0x206: {  	[sflag:s17] =	ssyncset.done $0x0  }
0x207: {  	[sflag:s17] =	ssyncadd.s32 $0xFFFFFFB0  }
0x208: {  	_ =	swait.ge [sflag:s17], $0x50  }
0x209: {  	[sflag:s17] =	ssyncset.done $0x0  }
0x20a: {  	[sflag:s17] =	ssyncadd.s32 $0xFFFFFFB0  }
0x20b: {  	_ =	swait.ge [sflag:s17], $0x50  }
0x20c: {  	[sflag:s17] =	ssyncset.done $0x0  }
0x20d: {  	[sflag:s17] =	ssyncadd.s32 $0xFFFFFFB0  }
0x20e: {  	_ =	swait.ge [sflag:s17], $0x50  }
0x20f: {  	[sflag:s17] =	ssyncset.done $0x0  }
0x210: {  	[sflag:s17] =	ssyncadd.s32 $0xFFFFFFB0  }
0x211: {  	_ =	swait.ge [sflag:s17], $0x50  }
0x212: {  	[sflag:s17] =	ssyncset.done $0x0  }
0x213: {  	[sflag:s17] =	ssyncadd.s32 $0xFFFFFFB0  }
0x214: {  	_ =	swait.ge [sflag:s17], $0x50  }
0x215: {  	[sflag:s17] =	ssyncset.done $0x0  }
0x216: {  	[sflag:s17] =	ssyncadd.s32 $0xFFFFFFB0  }
0x217: {  	_ =	swait.ge [sflag:s17], $0x50  }
0x218: {  	[sflag:s17] =	ssyncset.done $0x0  }
0x219: {  	[sflag:s17] =	ssyncadd.s32 $0xFFFFFFB0  }
0x21a: {  	_ =	swait.ge [sflag:s17], $0x50  }
0x21b: {  	[sflag:s17] =	ssyncset.done $0x0  }
0x21c: {  	[sflag:s17] =	ssyncadd.s32 $0xFFFFFFB0  }
0x21d: {  	_ =	swait.ge [sflag:s17], $0x50  }
0x21e: {  	[sflag:s17] =	ssyncset.done $0x0  }
0x21f: {  	[sflag:s17] =	ssyncadd.s32 $0xFFFFFFB0  }
0x220: {  	_ =	swait.ge [sflag:s17], $0x50  }
0x221: {  	[sflag:s17] =	ssyncset.done $0x0  }
0x222: {  	[sflag:s17] =	ssyncadd.s32 $0xFFFFFFB0  }
0x223: {  	_ =	swait.ge [sflag:s17], $0x50  }
0x224: {  	[sflag:s17] =	ssyncset.done $0x0  }
0x225: {  	[sflag:s17] =	ssyncadd.s32 $0xFFFFFFB0  }
0x226: {  	_ =	swait.ge [sflag:s17], $0x50  }
0x227: {  	[sflag:s17] =	ssyncset.done $0x0  }
0x228: {  	[sflag:s17] =	ssyncadd.s32 $0xFFFFFFB0  }
0x229: {  	_ =	swait.ge [sflag:s17], $0x50  }
0x22a: {  	[sflag:s17] =	ssyncset.done $0x0  }
0x22b: {  	[sflag:s17] =	ssyncadd.s32 $0xFFFFFFB0  }
0x22c: {  	_ =	swait.ge [sflag:s17], $0x50  }
0x22d: {  	[sflag:s17] =	ssyncset.done $0x0  }
0x22e: {  	[sflag:s17] =	ssyncadd.s32 $0xFFFFFFB0  }
0x22f: {  	_ =	swait.ge [sflag:s17], $0x50  }
0x230: {  	[sflag:s17] =	ssyncset.done $0x0  }
0x231: {  	[sflag:s17] =	ssyncadd.s32 $0xFFFFFFB0  }
0x232: {  	_ =	swait.ge [sflag:s17], $0x50  }
0x233: {  	[sflag:s17] =	ssyncset.done $0x0  }
0x234: {  	[sflag:s17] =	ssyncadd.s32 $0xFFFFFFB0  }
0x235: {  	_ =	swait.ge [sflag:s17], $0x50  }
0x236: {  	[sflag:s17] =	ssyncset.done $0x0  }
0x237: {  	s21 =	simm.s32 $0x100;
	s23 =	simm.s32 $0x2000;
	[sflag:s17] =	ssyncadd.s32 $0xFFFFFFB0  }
.LBB2_12:
0x238: {  	s24 =	smul.u32 $0xAB, s20;
	_ =	sdelay $0x1  }
0x239: {  	s25 =	sshrl.u32 s24, $0x9  }
0x23a: {  	s25 =	sand.u32 $0x7F, s25  }
0x23b: {  	s25 =	smul.u32 $0x3, s25  }
0x23c: {  	p4 =	seq.s32 s20, $0x0  }
0x23d: {  	p5 =	sgt.u32 @!p4 s20, $0x16;
	s25 =	ssub.s32 s20, s25  }
0x23e: {  	p5 =	por p4, !p5;
	s25 =	sand.u32 $0xFF, s25  }
0x23f: {  	s24 =	sadd.s32 @p5 $0x156, s24;
	s25 =	smul.u32 $0xA000, s25  }
0x240: {  	_ =	swait.ge [sflag:s14], $0x2800;
	s24 =	sshrl.u32 @p5 s24, $0x9  }
0x241: {  	[sflag:s14] =	ssyncset.done $0x0;
	s24 =	sand.u32 @p5 $0x7F, s24;
	s25 =	sshrl.u32 s25, $0x2  }
0x242: {  	[sflag:s14] =	ssyncadd.s32 $0xFFFFD800;
	s24 =	smul.u32 @p5 $0x3, s24;
	s25 =	sadd.s32 $0x4000, s25  }
0x243: {  	[spmem:s2] =	stream.indirect.scatter.add.f32 [tilespmem:s25], [sflag:$0x2], $0x80, s23, s3, $0xb8;
	[tilespmem:$0x1F378] =	vst v63  }
0x244: {  	s24 =	ssub.s32 @p5 s20, s24;
	s25 =	simm.s32 @!p4 $0x2  }
0x245: {  	[spmem:s4] =	stream.indirect.scatter.add.f32 [tilespmem:s15], [sflag:$0x3], $0x1, s23, s3, $0xb8;
	[tilespmem:$0x1F378] =	vst v63  }
0x246: {  	s24 =	sadd.s32 @p5 $0x2, s24;
	_ =	swait.ge @!p4 [sflag:s25], $0x2800  }
0x247: {  	s20 =	sadd.s32 $0x1, s20;
	s24 =	sand.u32 @p5 $0xFF, s24;
	[sflag:s25] =	ssyncset.done @!p4 $0x0  }
0x248: {  	s24 =	smul.u32 @p5 $0xA000, s24;
	[sflag:s25] =	ssyncadd.s32 @!p4 $0xFFFFD800;
	p4 =	sne.s32 s20, $0x19  }
.Ltmp5:
0x249: {  	_ = 	snop;
	(pc) =	sbr.rel @p4 .LBB2_12-.Ltmp5, $4  }
0x24a: {  	s24 =	sshrl.u32 @p5 s24, $0x2  }
0x24b: {  	s24 =	sadd.s32 @p5 $0x4000, s24  }
0x24c: {  	[tilespmem:s24], [sflag:$0x1] =	stream.indirect.gather @p5 [hbm4b:s0+s3], $0x80, s21, s3, $0xb8;
	[tilespmem:$0x1F378] =	vst v63  }
0x24d: {  	s23 =	sadd.s32 $0x80, s23;
	s21 =	sadd.s32 $0x80, s21  }
0x24e: {  	_ =	swait.ge [sflag:s13], $0x2800  }
0x24f: {  	[sflag:s13] =	ssyncset.done $0x0  }
0x250: {  	[sflag:s13] =	ssyncadd.s32 $0xFFFFD800  }
0x251: {  	_ =	swait.ge [sflag:s17], $0x50  }
0x252: {  	[sflag:s17] =	ssyncset.done $0x0  }
0x253: {  	[sflag:s17] =	ssyncadd.s32 $0xFFFFFFB0  }
0x254: {  	_ =	swait.ge [sflag:s17], $0x50  }
0x255: {  	[sflag:s17] =	ssyncset.done $0x0  }
0x256: {  	[sflag:s17] =	ssyncadd.s32 $0xFFFFFFB0  }
0x257: {  	_ =	swait.ge [sflag:s17], $0x50  }
0x258: {  	[sflag:s17] =	ssyncset.done $0x0  }
0x259: {  	[sflag:s17] =	ssyncadd.s32 $0xFFFFFFB0  }
0x25a: {  	_ =	swait.ge [sflag:s17], $0x50  }
0x25b: {  	[sflag:s17] =	ssyncset.done $0x0  }
0x25c: {  	[sflag:s17] =	ssyncadd.s32 $0xFFFFFFB0  }
0x25d: {  	_ =	swait.ge [sflag:s17], $0x50  }
0x25e: {  	[sflag:s17] =	ssyncset.done $0x0  }
0x25f: {  	[sflag:s17] =	ssyncadd.s32 $0xFFFFFFB0  }
0x260: {  	_ =	swait.ge [sflag:s17], $0x50  }
0x261: {  	[sflag:s17] =	ssyncset.done $0x0  }
0x262: {  	[sflag:s17] =	ssyncadd.s32 $0xFFFFFFB0  }
0x263: {  	_ =	swait.ge [sflag:s17], $0x50  }
0x264: {  	[sflag:s17] =	ssyncset.done $0x0  }
0x265: {  	[sflag:s17] =	ssyncadd.s32 $0xFFFFFFB0  }
0x266: {  	_ =	swait.ge [sflag:s17], $0x50  }
0x267: {  	[sflag:s17] =	ssyncset.done $0x0  }
0x268: {  	[sflag:s17] =	ssyncadd.s32 $0xFFFFFFB0  }
0x269: {  	_ =	swait.ge [sflag:s17], $0x50  }
0x26a: {  	[sflag:s17] =	ssyncset.done $0x0  }
0x26b: {  	[sflag:s17] =	ssyncadd.s32 $0xFFFFFFB0  }
0x26c: {  	_ =	swait.ge [sflag:s17], $0x50  }
0x26d: {  	[sflag:s17] =	ssyncset.done $0x0  }
0x26e: {  	[sflag:s17] =	ssyncadd.s32 $0xFFFFFFB0  }
0x26f: {  	_ =	swait.ge [sflag:s17], $0x50  }
0x270: {  	[sflag:s17] =	ssyncset.done $0x0  }
0x271: {  	[sflag:s17] =	ssyncadd.s32 $0xFFFFFFB0  }
0x272: {  	_ =	swait.ge [sflag:s17], $0x50  }
0x273: {  	[sflag:s17] =	ssyncset.done $0x0  }
0x274: {  	[sflag:s17] =	ssyncadd.s32 $0xFFFFFFB0  }
0x275: {  	_ =	swait.ge [sflag:s17], $0x50  }
0x276: {  	[sflag:s17] =	ssyncset.done $0x0  }
0x277: {  	[sflag:s17] =	ssyncadd.s32 $0xFFFFFFB0  }
0x278: {  	_ =	swait.ge [sflag:s17], $0x50  }
0x279: {  	[sflag:s17] =	ssyncset.done $0x0  }
0x27a: {  	[sflag:s17] =	ssyncadd.s32 $0xFFFFFFB0  }
0x27b: {  	_ =	swait.ge [sflag:s17], $0x50  }
0x27c: {  	[sflag:s17] =	ssyncset.done $0x0  }
0x27d: {  	[sflag:s17] =	ssyncadd.s32 $0xFFFFFFB0  }
0x27e: {  	_ =	swait.ge [sflag:s17], $0x50  }
0x27f: {  	[sflag:s17] =	ssyncset.done $0x0  }
0x280: {  	[sflag:s17] =	ssyncadd.s32 $0xFFFFFFB0  }
0x281: {  	_ =	swait.ge [sflag:s17], $0x50  }
0x282: {  	[sflag:s17] =	ssyncset.done $0x0  }
0x283: {  	[sflag:s17] =	ssyncadd.s32 $0xFFFFFFB0  }
0x284: {  	_ =	swait.ge [sflag:s17], $0x50  }
0x285: {  	[sflag:s17] =	ssyncset.done $0x0  }
0x286: {  	[sflag:s17] =	ssyncadd.s32 $0xFFFFFFB0  }
0x287: {  	_ =	swait.ge [sflag:s17], $0x50  }
0x288: {  	[sflag:s17] =	ssyncset.done $0x0  }
0x289: {  	[sflag:s17] =	ssyncadd.s32 $0xFFFFFFB0  }
0x28a: {  	_ =	swait.ge [sflag:s17], $0x50  }
0x28b: {  	[sflag:s17] =	ssyncset.done $0x0  }
0x28c: {  	[sflag:s17] =	ssyncadd.s32 $0xFFFFFFB0  }
0x28d: {  	_ =	swait.ge [sflag:s17], $0x50  }
0x28e: {  	[sflag:s17] =	ssyncset.done $0x0  }
0x28f: {  	[sflag:s17] =	ssyncadd.s32 $0xFFFFFFB0  }
0x290: {  	_ =	swait.ge [sflag:s17], $0x50  }
0x291: {  	[sflag:s17] =	ssyncset.done $0x0  }
0x292: {  	[sflag:s17] =	ssyncadd.s32 $0xFFFFFFB0  }
0x293: {  	_ =	swait.ge [sflag:s17], $0x50  }
0x294: {  	[sflag:s17] =	ssyncset.done $0x0  }
0x295: {  	[sflag:s17] =	ssyncadd.s32 $0xFFFFFFB0  }
0x296: {  	_ =	swait.ge [sflag:s17], $0x50  }
0x297: {  	[sflag:s17] =	ssyncset.done $0x0  }
0x298: {  	[sflag:s17] =	ssyncadd.s32 $0xFFFFFFB0  }
0x299: {  	_ =	swait.ge [sflag:s17], $0x50  }
0x29a: {  	[sflag:s17] =	ssyncset.done $0x0  }
0x29b: {  	s20 =	stileid.u32;
	[sflag:s17] =	ssyncadd.s32 $0xFFFFFFB0  }
0x29c: {  	s20 =	sshll.u32 s20, $0x6;
	[bflag:$0x0] =	sbarrier.arrive $0xFFFF  }
0x29d: {  	s21 =	sshrl.u32 s9, $0x3;
	s20 =	sor.u32 $0x1C05, s20;
	s23 =	rddreg [dreg:$0x16]  }
0x29e: {  	[hbm:s23], [sflag:s20] =	dma.local [spmem:s21], $0x2700  }
0x29f: {  	_ =	swait.ge [sflag:s18], $0x2700  }
0x2a0: {  	[sflag:s18] =	ssyncset.done $0x0  }
0x2a1: {  	s21 =	sshrl.u32 @p1 s4, $0x3;
	s23 =	rddreg [dreg:$0x14];
	[sflag:s18] =	ssyncadd.s32 $0xFFFFD900  }
0x2a2: {  	[hbm:s23], [sflag:s20] =	dma.local @p1 [spmem:s21], $0x4F0  }
0x2a3: {  	s21 =	simm.s32 @p1 $0x5  }
0x2a4: {  	_ =	swait.ge @p1 [sflag:s21], $0x4F0  }
0x2a5: {  	[sflag:s21] =	ssyncset.done @p1 $0x0  }
0x2a6: {  	s23 =	sshrl.u32 @!p3 s30, $0x3;
	[sflag:s21] =	ssyncadd.s32 @p1 $0xFFFFFB10;
	s21 =	sadd.s32 @!p3 $0x27000, s22  }
0x2a7: {  	[hbm:s21], [sflag:s20] =	dma.local @!p3 [spmem:s23], $0x100  }
0x2a8: {  	s20 =	simm.s32 @!p3 $0x5  }
0x2a9: {  	_ =	swait.ge @!p3 [sflag:s20], $0x100  }
0x2aa: {  	s19 =	sadd.s32 $0x1, s19;
	s25 =	rddreg [dreg:$0x15]  }
0x2ab: {  	p4 =	sne.s32 s19, s25  }
.Ltmp6:
0x2ac: {  	_ = 	snop;
	(pc) =	sbr.rel @p4 .LBB2_1-.Ltmp6, $3  }
0x2ad: {  	_ =	sdelay $0x1  }
0x2ae: {  	[sflag:s20] =	ssyncset.done @!p3 $0x0  }
0x2af: {  	[sflag:s20] =	ssyncadd.s32 @!p3 $0xFFFFFF00  }
0x2b0: {  	_ =	sfence.sel $0x180000  }
0x2b1: {  	[bflag:$0x0] =	sbarrier.arrive $0xFFFF  }
0x2b2: {  	_ =	strace $0x90000047  }
0x2b3: {  	[bflag:$0x2] =	sbarrier.arrive $0xFFFF  }
0x2b4: {  	s0 =	rddreg [dreg:$0x4]  }
0x2b5: {  	s0 =	sadd.s32 @!p0 $0x100000, s0  }
0x2b6: {  	[sflag:s0] =	ssyncadd.tile.s32 @!p0 $0x1;
	_ =	shalt  }
.Lfunc_end2:
_tile_overlayer_lowered:
.L_overlay_start_2:
0x2b7: {  	(tag) =	ssettag $0x2  }
0x2b8: {  	s0 =	rddreg [dreg:$0x0];
	s2 =	stileid.u32  }
0x2b9: {  	s1 =	rddreg [dreg:$0x1];
	p0 =	sne.s32 s2, $0x0  }
0x2ba: {  	s3 =	rddreg [dreg:$0x2];
	[bflag:$0x3] =	sbarrier.arrive $0xFFFF;
	s2 =	simm.s32 @!p0 $0x1C05  }
0x2bb: {  	[timem:s3], [sflag:s2] =	dma.local @!p0 [hbm:s0], s1  }
0x2bc: {  	s0 =	simm.s32 @!p0 $0x5  }
0x2bd: {  	_ =	swait.ge @!p0 [sflag:s0], s1  }
0x2be: {  	s1 =	ssub.s32 @!p0 $0x0, s1;
	[sflag:s0] =	ssyncset.done @!p0 $0x0  }
0x2bf: {  	[sflag:s0] =	ssyncadd.s32 @!p0 s1  }
0x2c0: {  	[bflag:$0x3] =	sbarrier.arrive $0xFFFF  }
0x2c1: {  	_ =	shalt  }

</sc_bundles>
